<compile_context>
chip_gen: v7x
topology: tpu7x:2x2x1
jax: 0.10.2.dev20260603
libtpu: 0.0.44.dev20260713+nightly
codegen_flags: <defaults>
</compile_context>

<pallas_src>
import functools

import jax
import jax.numpy as jnp
from jax import lax
from jax.experimental import pallas as pl
from jax.experimental.pallas import tpu as pltpu
from jax.experimental.pallas import tpu_sc as plsc

B_S = 1024
S_L = 200
H = 128
MAX_LEN = 512
N = B_S * S_L
NC, NS, L = 2, 16, 16
NW = NC * NS
RPW = B_S // NW
TPW = N // NW
C = 64
NCHUNK = TPW // C
COLS = H // L
NB = 5
DIST = 4
UNROLL = 2
PROWS = MAX_LEN // NS
ROW_OFFS = [k * L for k in range(S_L // L)] + [S_L - L]

_mesh = plsc.VectorSubcoreMesh(core_axis_name="c", subcore_axis_name="s")


@functools.partial(
    pl.kernel,
    out_type=[
        jax.ShapeDtypeStruct((N, H), jnp.float32),
        jax.ShapeDtypeStruct((B_S, S_L), jnp.int32),
    ],
    mesh=_mesh,
    scratch_types=[
        pltpu.VMEM((RPW, S_L), jnp.int32),
        pltpu.VMEM((RPW, S_L), jnp.int32),
        pltpu.VMEM((RPW, S_L), jnp.int32),
        pltpu.VMEM((TPW,), jnp.int32),
        pltpu.VMEM((TPW,), jnp.int32),
        pltpu.VMEM((NB, C, H), jnp.float32),
        pltpu.VMEM((NB, C, H), jnp.float32),
        pltpu.VMEM_SHARED((MAX_LEN, H), jnp.float32),
    ] + [pltpu.SemaphoreType.DMA] * (3 * NB + 3),
)
def _emb(inp_hbm, pos_hbm, w_hbm, p_hbm, out_hbm, mask_hbm,
         tok2, pos2, msk2, tokf, posf, wrows, prows, p_sh, *sems):
    semw = sems[:NB]
    semp = sems[NB:2 * NB]
    semo = sems[2 * NB:3 * NB]
    semt, semq, semm = sems[3 * NB:]
    wid = lax.axis_index("s") * NC + lax.axis_index("c")
    sid = lax.axis_index("s")
    base = wid * TPW
    row0 = wid * RPW

    prow0 = sid * PROWS
    pltpu.async_copy(p_hbm.at[pl.ds(prow0, PROWS)],
                     p_sh.at[pl.ds(prow0, PROWS)], semm)
    pltpu.async_copy(inp_hbm.at[pl.ds(row0, RPW)], tok2, semt)
    pltpu.async_copy(pos_hbm.at[pl.ds(row0, RPW)], pos2, semq)
    pltpu.make_async_copy(inp_hbm.at[pl.ds(row0, RPW)], tok2, semt).wait()
    pltpu.make_async_copy(pos_hbm.at[pl.ds(row0, RPW)], pos2, semq).wait()

    ones = jnp.ones((L,), jnp.int32)

    def repack_row(r, _):
        for c in ROW_OFFS:
            t = tok2[r, pl.ds(c, L)]
            p = pos2[r, pl.ds(c, L)]
            nonpad = jnp.minimum(jnp.abs(t), ones)
            tokf[pl.ds(r * S_L + c, L)] = t
            posf[pl.ds(r * S_L + c, L)] = p * nonpad
            msk2[r, pl.ds(c, L)] = ones - nonpad
        return 0

    lax.fori_loop(0, RPW, repack_row, 0)
    pltpu.async_copy(msk2, mask_hbm.at[pl.ds(row0, RPW)], semm)
    pltpu.make_async_copy(p_hbm.at[pl.ds(0, PROWS)],
                          p_sh.at[pl.ds(0, PROWS)], semm).wait()
    plsc.subcore_barrier()

    def issue_gathers(j, b):
        pltpu.async_copy(w_hbm.at[tokf.at[pl.ds(j * C, C)]],
                         wrows.at[b], semw[b])
        pltpu.async_copy(p_sh.at[posf.at[pl.ds(j * C, C)]],
                         prows.at[b], semp[b])

    def wait_slot(sem, b):
        pltpu.make_async_copy(w_hbm.at[pl.ds(0, C)], wrows.at[b], sem).wait()

    for j in range(DIST):
        issue_gathers(j, j)

    def outer(j0, _):
        for b in range(NB):
            j = j0 * NB + b
            wait_slot(semw[b], b)
            wait_slot(semp[b], b)

            def add_rows(i, _):
                for u in range(UNROLL):
                    for c in range(COLS):
                        sl = pl.ds(c * L, L)
                        plsc.addupdate(wrows.at[b, i * UNROLL + u, sl],
                                       prows[b, i * UNROLL + u, sl])
                return 0

            lax.fori_loop(0, C // UNROLL, add_rows, 0)
            pltpu.async_copy(wrows.at[b],
                             out_hbm.at[pl.ds(base + j * C, C)], semo[b])
            jn = j + DIST

            @pl.when(j >= NB - DIST)
            def _drain_store():
                wait_slot(semo[(b + DIST) % NB], b)

            @pl.when(jn < NCHUNK)
            def _issue_next():
                issue_gathers(jn, (b + DIST) % NB)
        return 0

    lax.fori_loop(0, NCHUNK // NB, outer, 0)
    wait_slot(semo[(NCHUNK - 1) % NB], 0)
    pltpu.make_async_copy(msk2, mask_hbm.at[pl.ds(row0, RPW)], semm).wait()


def kernel(input, positional, W, P):
    inp = input.astype(jnp.int32)
    pos = positional.astype(jnp.int32)
    out, mask = _emb(inp, pos, W, P)
    return out.reshape(B_S, S_L, H), mask.astype(bool)

# --- scband reference (transcript-rebuilt; emitter-appended) ---
"""Pipeline reference for scband-pos-embedding-53901839564928 (READ-ONLY COPY).

The authoritative reference and input builder live on the scoring server;
editing this copy changes nothing except your own understanding.
"""

import jax, jax.numpy as jnp
import numpy as np

VOCAB = 100000
H_S = 128
MAX_LEN = 512
B_S = 1024
S_L = 200

def _position_encoding(max_len, h_s):
    pos = np.arange(max_len, dtype=np.float64)[:, None]
    i = np.arange(h_s, dtype=np.float64)[None, :]
    enc = pos / np.power(10000.0, 2.0 * i / h_s)
    enc[1:, 0::2] = np.sin(enc[1:, 0::2])
    enc[1:, 1::2] = np.cos(enc[1:, 1::2])
    enc[0, :] = 0.0
    return jnp.asarray(enc, dtype=jnp.float32)

def setup_inputs(seed: int = 0) -> dict:
    key = jax.random.key(seed)
    k1, k2, k3 = jax.random.split(key, 3)
    inp = jax.random.randint(k1, (B_S, S_L), 0, VOCAB, dtype=jnp.int64)
    positional = jax.random.randint(k2, (B_S, S_L), 0, MAX_LEN, dtype=jnp.int64)
    W = jax.random.normal(k3, (VOCAB, H_S), dtype=jnp.float32)
    W = W.at[0].set(0.0)  # padding_idx=0
    P = _position_encoding(MAX_LEN, H_S)  # frozen sinusoidal table
    return {"input": inp, "positional": positional, "W": W, "P": P}

def reference(input, positional, W, P):
    mask = jnp.equal(input, 0)
    pos = jnp.where(mask, 0, positional)  # masked_fill_(mask, 0)
    tok_emb = jnp.take(W, input, axis=0)
    pos_emb = jnp.take(P, pos, axis=0)
    return tok_emb + pos_emb, mask

if __name__ == "__main__":
    import jax
    _d = setup_inputs()
    print(jax.jit(kernel)(*tuple(_d.values())))

</pallas_src>

<mosaic_0001>
#map = affine_map<(d0, d1) -> (0, 0)>
module attributes {stable_mosaic.version = 14 : i64} {
  func.func @_emb(%arg0: i32, %arg1: i32, %arg2: memref<1024x200xi32, #tpu.memory_space<hbm>>, %arg3: memref<1024x200xi32, #tpu.memory_space<hbm>>, %arg4: memref<100000x128xf32, #tpu.memory_space<hbm>>, %arg5: memref<512x128xf32, #tpu.memory_space<hbm>>, %arg6: memref<204800x128xf32, #tpu.memory_space<hbm>>, %arg7: memref<1024x200xi32, #tpu.memory_space<hbm>>, %arg8: memref<32x200xi32, #tpu.memory_space<vmem>>, %arg9: memref<32x200xi32, #tpu.memory_space<vmem>>, %arg10: memref<32x200xi32, #tpu.memory_space<vmem>>, %arg11: memref<6400xi32, #tpu.memory_space<vmem>>, %arg12: memref<6400xi32, #tpu.memory_space<vmem>>, %arg13: memref<5x64x128xf32, #tpu.memory_space<vmem>>, %arg14: memref<5x64x128xf32, #tpu.memory_space<vmem>>, %arg15: memref<512x128xf32, #tpu.memory_space<vmem_shared>>, %arg16: memref<!tpu.dma_semaphore, #tpu.memory_space<semaphore_mem>>, %arg17: memref<!tpu.dma_semaphore, #tpu.memory_space<semaphore_mem>>, %arg18: memref<!tpu.dma_semaphore, #tpu.memory_space<semaphore_mem>>, %arg19: memref<!tpu.dma_semaphore, #tpu.memory_space<semaphore_mem>>, %arg20: memref<!tpu.dma_semaphore, #tpu.memory_space<semaphore_mem>>, %arg21: memref<!tpu.dma_semaphore, #tpu.memory_space<semaphore_mem>>, %arg22: memref<!tpu.dma_semaphore, #tpu.memory_space<semaphore_mem>>, %arg23: memref<!tpu.dma_semaphore, #tpu.memory_space<semaphore_mem>>, %arg24: memref<!tpu.dma_semaphore, #tpu.memory_space<semaphore_mem>>, %arg25: memref<!tpu.dma_semaphore, #tpu.memory_space<semaphore_mem>>, %arg26: memref<!tpu.dma_semaphore, #tpu.memory_space<semaphore_mem>>, %arg27: memref<!tpu.dma_semaphore, #tpu.memory_space<semaphore_mem>>, %arg28: memref<!tpu.dma_semaphore, #tpu.memory_space<semaphore_mem>>, %arg29: memref<!tpu.dma_semaphore, #tpu.memory_space<semaphore_mem>>, %arg30: memref<!tpu.dma_semaphore, #tpu.memory_space<semaphore_mem>>, %arg31: memref<!tpu.dma_semaphore, #tpu.memory_space<semaphore_mem>>, %arg32: memref<!tpu.dma_semaphore, #tpu.memory_space<semaphore_mem>>, %arg33: memref<!tpu.dma_semaphore, #tpu.memory_space<semaphore_mem>>) attributes {dimension_semantics = [#tpu.dimension_semantics<core_parallel>, #tpu.dimension_semantics<subcore_parallel>], iteration_bounds = array<i64: 2, 16>, scalar_prefetch = 0 : i64, scratch_operands = 26 : i64, tpu.core_type = #tpu.core_type<sc_vector_subcore>, window_params = [{transform_indices = #map}, {transform_indices = #map}, {transform_indices = #map}, {transform_indices = #map}, {transform_indices = #map}, {transform_indices = #map}]} {
    %mul3A = arith.constant 2 : i32
    %mul3A_0 = arith.muli %arg1, %mul3A : i32
    %add3A = arith.addi %mul3A_0, %arg0 : i32
    %mul3A_1 = arith.constant 6400 : i32
    %mul3A_2 = arith.muli %add3A, %mul3A_1 : i32
    %mul3A_3 = arith.constant 32 : i32
    %mul3A_4 = arith.muli %add3A, %mul3A_3 : i32
    %mul3A_5 = arith.constant 32 : i32
    %mul3A_6 = arith.muli %arg1, %mul3A_5 : i32
    %dma_start3A = arith.constant 0 : i32
    %dma_start3A_7 = tpu.memref_slice %arg15[%mul3A_6, %dma_start3A] : memref<512x128xf32, #tpu.memory_space<vmem_shared>> -> memref<32x128xf32, #tpu.memory_space<vmem_shared>>
    %dma_start3A_8 = arith.constant 0 : i32
    %dma_start3A_9 = tpu.memref_slice %arg5[%mul3A_6, %dma_start3A_8] : memref<512x128xf32, #tpu.memory_space<hbm>> -> memref<32x128xf32, #tpu.memory_space<hbm>>
    tpu.enqueue_dma source(%dma_start3A_9 : memref<32x128xf32, #tpu.memory_space<hbm>>) target(%dma_start3A_7 : memref<32x128xf32, #tpu.memory_space<vmem_shared>>) target_semaphore(%arg33 : memref<!tpu.dma_semaphore, #tpu.memory_space<semaphore_mem>>)
    %dma_start3A_10 = arith.constant 0 : i32
    %dma_start3A_11 = tpu.memref_slice %arg2[%mul3A_4, %dma_start3A_10] : memref<1024x200xi32, #tpu.memory_space<hbm>> -> memref<32x200xi32, #tpu.memory_space<hbm>>
    %dma_start3A_12 = arith.constant 0 : i32
    %dma_start3A_13 = tpu.memref_slice %arg2[%mul3A_4, %dma_start3A_12] : memref<1024x200xi32, #tpu.memory_space<hbm>> -> memref<32x200xi32, #tpu.memory_space<hbm>>
    tpu.enqueue_dma source(%dma_start3A_13 : memref<32x200xi32, #tpu.memory_space<hbm>>) target(%arg8 : memref<32x200xi32, #tpu.memory_space<vmem>>) target_semaphore(%arg31 : memref<!tpu.dma_semaphore, #tpu.memory_space<semaphore_mem>>)
    %dma_start3A_14 = arith.constant 0 : i32
    %dma_start3A_15 = tpu.memref_slice %arg3[%mul3A_4, %dma_start3A_14] : memref<1024x200xi32, #tpu.memory_space<hbm>> -> memref<32x200xi32, #tpu.memory_space<hbm>>
    %dma_start3A_16 = arith.constant 0 : i32
    %dma_start3A_17 = tpu.memref_slice %arg3[%mul3A_4, %dma_start3A_16] : memref<1024x200xi32, #tpu.memory_space<hbm>> -> memref<32x200xi32, #tpu.memory_space<hbm>>
    tpu.enqueue_dma source(%dma_start3A_17 : memref<32x200xi32, #tpu.memory_space<hbm>>) target(%arg9 : memref<32x200xi32, #tpu.memory_space<vmem>>) target_semaphore(%arg32 : memref<!tpu.dma_semaphore, #tpu.memory_space<semaphore_mem>>)
    %dma_wait3A = arith.constant 0 : i32
    %dma_wait3A_18 = tpu.memref_slice %arg2[%mul3A_4, %dma_wait3A] : memref<1024x200xi32, #tpu.memory_space<hbm>> -> memref<32x200xi32, #tpu.memory_space<hbm>>
    %dma_wait3A_19 = arith.constant 0 : i32
    %dma_wait3A_20 = tpu.memref_slice %arg2[%mul3A_4, %dma_wait3A_19] : memref<1024x200xi32, #tpu.memory_space<hbm>> -> memref<32x200xi32, #tpu.memory_space<hbm>>
    tpu.wait_dma2 semaphore(%arg31 : memref<!tpu.dma_semaphore, #tpu.memory_space<semaphore_mem>>) src(%dma_wait3A_20 : memref<32x200xi32, #tpu.memory_space<hbm>>) dst(%arg8 : memref<32x200xi32, #tpu.memory_space<vmem>>)
    %dma_wait3A_21 = arith.constant 0 : i32
    %dma_wait3A_22 = tpu.memref_slice %arg3[%mul3A_4, %dma_wait3A_21] : memref<1024x200xi32, #tpu.memory_space<hbm>> -> memref<32x200xi32, #tpu.memory_space<hbm>>
    %dma_wait3A_23 = arith.constant 0 : i32
    %dma_wait3A_24 = tpu.memref_slice %arg3[%mul3A_4, %dma_wait3A_23] : memref<1024x200xi32, #tpu.memory_space<hbm>> -> memref<32x200xi32, #tpu.memory_space<hbm>>
    tpu.wait_dma2 semaphore(%arg32 : memref<!tpu.dma_semaphore, #tpu.memory_space<semaphore_mem>>) src(%dma_wait3A_24 : memref<32x200xi32, #tpu.memory_space<hbm>>) dst(%arg9 : memref<32x200xi32, #tpu.memory_space<vmem>>)
    %broadcast_in_dim3A = arith.constant 1 : i32
    %broadcast_in_dim3A_25 = vector.broadcast %broadcast_in_dim3A : i32 to vector<16xi32>
    %scan3A = arith.constant 0 : i32
    %scan3A_26 = arith.constant 0 : i32
    %scan3A_27 = arith.constant 32 : i32
    %scan3A_28 = arith.addi %scan3A_26, %scan3A_27 : i32
    %scan3A_29 = arith.constant 1 : i32
    %scan3A_30 = scf.for %scan3A_148 = %scan3A_26 to %scan3A_28 step %scan3A_29 iter_args(%scan3A_149 = %scan3A) -> (i32)  : i32 {
      %get3A = arith.index_cast %scan3A_148 : i32 to index
      %get3A_150 = arith.constant 0 : index
      %get3A_151 = tpu.vector_load %arg8[%get3A, %get3A_150] {strides = array<i32>} : memref<32x200xi32, #tpu.memory_space<vmem>>, vector<1x16xi32>,
      %get3A_152 = vector.shape_cast %get3A_151 : vector<1x16xi32> to vector<16xi32>
      %get3A_153 = arith.index_cast %scan3A_148 : i32 to index
      %get3A_154 = arith.constant 0 : index
      %get3A_155 = tpu.vector_load %arg9[%get3A_153, %get3A_154] {strides = array<i32>} : memref<32x200xi32, #tpu.memory_space<vmem>>, vector<1x16xi32>,
      %get3A_156 = vector.shape_cast %get3A_155 : vector<1x16xi32> to vector<16xi32>
      %abs3A = math.absi %get3A_152 : vector<16xi32>
      %min3A = arith.minsi %abs3A, %broadcast_in_dim3A_25 : vector<16xi32>
      %mul3A_157 = arith.constant 200 : i32
      %mul3A_158 = arith.muli %scan3A_148, %mul3A_157 : i32
      %add3A_159 = arith.constant 0 : i32
      %add3A_160 = arith.addi %mul3A_158, %add3A_159 : i32
      %swap3A = arith.index_cast %add3A_160 : i32 to index
      %swap3A_161 = tpu.vector_load %arg11[%swap3A] {strides = array<i32>} : memref<6400xi32, #tpu.memory_space<vmem>>, vector<16xi32>,
      %swap3A_162 = vector.shape_cast %swap3A_161 : vector<16xi32> to vector<16xi32>
      %swap3A_163 = vector.shape_cast %get3A_152 : vector<16xi32> to vector<16xi32>
      tpu.vector_store %arg11[%swap3A], %swap3A_163 {strides = array<i32>} : memref<6400xi32, #tpu.memory_space<vmem>>, vector<16xi32>,
      %mul3A_164 = arith.muli %get3A_156, %min3A : vector<16xi32>
      %mul3A_165 = arith.constant 200 : i32
      %mul3A_166 = arith.muli %scan3A_148, %mul3A_165 : i32
      %add3A_167 = arith.constant 0 : i32
      %add3A_168 = arith.addi %mul3A_166, %add3A_167 : i32
      %swap3A_169 = arith.index_cast %add3A_168 : i32 to index
      %swap3A_170 = tpu.vector_load %arg12[%swap3A_169] {strides = array<i32>} : memref<6400xi32, #tpu.memory_space<vmem>>, vector<16xi32>,
      %swap3A_171 = vector.shape_cast %swap3A_170 : vector<16xi32> to vector<16xi32>
      %swap3A_172 = vector.shape_cast %mul3A_164 : vector<16xi32> to vector<16xi32>
      tpu.vector_store %arg12[%swap3A_169], %swap3A_172 {strides = array<i32>} : memref<6400xi32, #tpu.memory_space<vmem>>, vector<16xi32>,
      %sub3A = arith.subi %broadcast_in_dim3A_25, %min3A : vector<16xi32>
      %swap3A_173 = arith.index_cast %scan3A_148 : i32 to index
      %swap3A_174 = arith.constant 0 : index
      %swap3A_175 = tpu.vector_load %arg10[%swap3A_173, %swap3A_174] {strides = array<i32>} : memref<32x200xi32, #tpu.memory_space<vmem>>, vector<1x16xi32>,
      %swap3A_176 = vector.shape_cast %swap3A_175 : vector<1x16xi32> to vector<16xi32>
      %swap3A_177 = vector.shape_cast %sub3A : vector<16xi32> to vector<1x16xi32>
      tpu.vector_store %arg10[%swap3A_173, %swap3A_174], %swap3A_177 {strides = array<i32>} : memref<32x200xi32, #tpu.memory_space<vmem>>, vector<1x16xi32>,
      %get3A_178 = arith.index_cast %scan3A_148 : i32 to index
      %get3A_179 = arith.constant 16 : index
      %get3A_180 = tpu.vector_load %arg8[%get3A_178, %get3A_179] {strides = array<i32>} : memref<32x200xi32, #tpu.memory_space<vmem>>, vector<1x16xi32>,
      %get3A_181 = vector.shape_cast %get3A_180 : vector<1x16xi32> to vector<16xi32>
      %get3A_182 = arith.index_cast %scan3A_148 : i32 to index
      %get3A_183 = arith.constant 16 : index
      %get3A_184 = tpu.vector_load %arg9[%get3A_182, %get3A_183] {strides = array<i32>} : memref<32x200xi32, #tpu.memory_space<vmem>>, vector<1x16xi32>,
      %get3A_185 = vector.shape_cast %get3A_184 : vector<1x16xi32> to vector<16xi32>
      %abs3A_186 = math.absi %get3A_181 : vector<16xi32>
      %min3A_187 = arith.minsi %abs3A_186, %broadcast_in_dim3A_25 : vector<16xi32>
      %mul3A_188 = arith.constant 200 : i32
      %mul3A_189 = arith.muli %scan3A_148, %mul3A_188 : i32
      %add3A_190 = arith.constant 16 : i32
      %add3A_191 = arith.addi %mul3A_189, %add3A_190 : i32
      %swap3A_192 = arith.index_cast %add3A_191 : i32 to index
      %swap3A_193 = tpu.vector_load %arg11[%swap3A_192] {strides = array<i32>} : memref<6400xi32, #tpu.memory_space<vmem>>, vector<16xi32>,
      %swap3A_194 = vector.shape_cast %swap3A_193 : vector<16xi32> to vector<16xi32>
      %swap3A_195 = vector.shape_cast %get3A_181 : vector<16xi32> to vector<16xi32>
      tpu.vector_store %arg11[%swap3A_192], %swap3A_195 {strides = array<i32>} : memref<6400xi32, #tpu.memory_space<vmem>>, vector<16xi32>,
      %mul3A_196 = arith.muli %get3A_185, %min3A_187 : vector<16xi32>
      %mul3A_197 = arith.constant 200 : i32
      %mul3A_198 = arith.muli %scan3A_148, %mul3A_197 : i32
      %add3A_199 = arith.constant 16 : i32
      %add3A_200 = arith.addi %mul3A_198, %add3A_199 : i32
      %swap3A_201 = arith.index_cast %add3A_200 : i32 to index
      %swap3A_202 = tpu.vector_load %arg12[%swap3A_201] {strides = array<i32>} : memref<6400xi32, #tpu.memory_space<vmem>>, vector<16xi32>,
      %swap3A_203 = vector.shape_cast %swap3A_202 : vector<16xi32> to vector<16xi32>
      %swap3A_204 = vector.shape_cast %mul3A_196 : vector<16xi32> to vector<16xi32>
      tpu.vector_store %arg12[%swap3A_201], %swap3A_204 {strides = array<i32>} : memref<6400xi32, #tpu.memory_space<vmem>>, vector<16xi32>,
      %sub3A_205 = arith.subi %broadcast_in_dim3A_25, %min3A_187 : vector<16xi32>
      %swap3A_206 = arith.index_cast %scan3A_148 : i32 to index
      %swap3A_207 = arith.constant 16 : index
      %swap3A_208 = tpu.vector_load %arg10[%swap3A_206, %swap3A_207] {strides = array<i32>} : memref<32x200xi32, #tpu.memory_space<vmem>>, vector<1x16xi32>,
      %swap3A_209 = vector.shape_cast %swap3A_208 : vector<1x16xi32> to vector<16xi32>
      %swap3A_210 = vector.shape_cast %sub3A_205 : vector<16xi32> to vector<1x16xi32>
      tpu.vector_store %arg10[%swap3A_206, %swap3A_207], %swap3A_210 {strides = array<i32>} : memref<32x200xi32, #tpu.memory_space<vmem>>, vector<1x16xi32>,
      %get3A_211 = arith.index_cast %scan3A_148 : i32 to index
      %get3A_212 = arith.constant 32 : index
      %get3A_213 = tpu.vector_load %arg8[%get3A_211, %get3A_212] {strides = array<i32>} : memref<32x200xi32, #tpu.memory_space<vmem>>, vector<1x16xi32>,
      %get3A_214 = vector.shape_cast %get3A_213 : vector<1x16xi32> to vector<16xi32>
      %get3A_215 = arith.index_cast %scan3A_148 : i32 to index
      %get3A_216 = arith.constant 32 : index
      %get3A_217 = tpu.vector_load %arg9[%get3A_215, %get3A_216] {strides = array<i32>} : memref<32x200xi32, #tpu.memory_space<vmem>>, vector<1x16xi32>,
      %get3A_218 = vector.shape_cast %get3A_217 : vector<1x16xi32> to vector<16xi32>
      %abs3A_219 = math.absi %get3A_214 : vector<16xi32>
      %min3A_220 = arith.minsi %abs3A_219, %broadcast_in_dim3A_25 : vector<16xi32>
      %mul3A_221 = arith.constant 200 : i32
      %mul3A_222 = arith.muli %scan3A_148, %mul3A_221 : i32
      %add3A_223 = arith.constant 32 : i32
      %add3A_224 = arith.addi %mul3A_222, %add3A_223 : i32
      %swap3A_225 = arith.index_cast %add3A_224 : i32 to index
      %swap3A_226 = tpu.vector_load %arg11[%swap3A_225] {strides = array<i32>} : memref<6400xi32, #tpu.memory_space<vmem>>, vector<16xi32>,
      %swap3A_227 = vector.shape_cast %swap3A_226 : vector<16xi32> to vector<16xi32>
      %swap3A_228 = vector.shape_cast %get3A_214 : vector<16xi32> to vector<16xi32>
      tpu.vector_store %arg11[%swap3A_225], %swap3A_228 {strides = array<i32>} : memref<6400xi32, #tpu.memory_space<vmem>>, vector<16xi32>,
      %mul3A_229 = arith.muli %get3A_218, %min3A_220 : vector<16xi32>
      %mul3A_230 = arith.constant 200 : i32
      %mul3A_231 = arith.muli %scan3A_148, %mul3A_230 : i32
      %add3A_232 = arith.constant 32 : i32
      %add3A_233 = arith.addi %mul3A_231, %add3A_232 : i32
      %swap3A_234 = arith.index_cast %add3A_233 : i32 to index
      %swap3A_235 = tpu.vector_load %arg12[%swap3A_234] {strides = array<i32>} : memref<6400xi32, #tpu.memory_space<vmem>>, vector<16xi32>,
      %swap3A_236 = vector.shape_cast %swap3A_235 : vector<16xi32> to vector<16xi32>
      %swap3A_237 = vector.shape_cast %mul3A_229 : vector<16xi32> to vector<16xi32>
      tpu.vector_store %arg12[%swap3A_234], %swap3A_237 {strides = array<i32>} : memref<6400xi32, #tpu.memory_space<vmem>>, vector<16xi32>,
      %sub3A_238 = arith.subi %broadcast_in_dim3A_25, %min3A_220 : vector<16xi32>
      %swap3A_239 = arith.index_cast %scan3A_148 : i32 to index
      %swap3A_240 = arith.constant 32 : index
      %swap3A_241 = tpu.vector_load %arg10[%swap3A_239, %swap3A_240] {strides = array<i32>} : memref<32x200xi32, #tpu.memory_space<vmem>>, vector<1x16xi32>,
      %swap3A_242 = vector.shape_cast %swap3A_241 : vector<1x16xi32> to vector<16xi32>
      %swap3A_243 = vector.shape_cast %sub3A_238 : vector<16xi32> to vector<1x16xi32>
      tpu.vector_store %arg10[%swap3A_239, %swap3A_240], %swap3A_243 {strides = array<i32>} : memref<32x200xi32, #tpu.memory_space<vmem>>, vector<1x16xi32>,
      %get3A_244 = arith.index_cast %scan3A_148 : i32 to index
      %get3A_245 = arith.constant 48 : index
      %get3A_246 = tpu.vector_load %arg8[%get3A_244, %get3A_245] {strides = array<i32>} : memref<32x200xi32, #tpu.memory_space<vmem>>, vector<1x16xi32>,
      %get3A_247 = vector.shape_cast %get3A_246 : vector<1x16xi32> to vector<16xi32>
      %get3A_248 = arith.index_cast %scan3A_148 : i32 to index
      %get3A_249 = arith.constant 48 : index
      %get3A_250 = tpu.vector_load %arg9[%get3A_248, %get3A_249] {strides = array<i32>} : memref<32x200xi32, #tpu.memory_space<vmem>>, vector<1x16xi32>,
      %get3A_251 = vector.shape_cast %get3A_250 : vector<1x16xi32> to vector<16xi32>
      %abs3A_252 = math.absi %get3A_247 : vector<16xi32>
      %min3A_253 = arith.minsi %abs3A_252, %broadcast_in_dim3A_25 : vector<16xi32>
      %mul3A_254 = arith.constant 200 : i32
      %mul3A_255 = arith.muli %scan3A_148, %mul3A_254 : i32
      %add3A_256 = arith.constant 48 : i32
      %add3A_257 = arith.addi %mul3A_255, %add3A_256 : i32
      %swap3A_258 = arith.index_cast %add3A_257 : i32 to index
      %swap3A_259 = tpu.vector_load %arg11[%swap3A_258] {strides = array<i32>} : memref<6400xi32, #tpu.memory_space<vmem>>, vector<16xi32>,
      %swap3A_260 = vector.shape_cast %swap3A_259 : vector<16xi32> to vector<16xi32>
      %swap3A_261 = vector.shape_cast %get3A_247 : vector<16xi32> to vector<16xi32>
      tpu.vector_store %arg11[%swap3A_258], %swap3A_261 {strides = array<i32>} : memref<6400xi32, #tpu.memory_space<vmem>>, vector<16xi32>,
      %mul3A_262 = arith.muli %get3A_251, %min3A_253 : vector<16xi32>
      %mul3A_263 = arith.constant 200 : i32
      %mul3A_264 = arith.muli %scan3A_148, %mul3A_263 : i32
      %add3A_265 = arith.constant 48 : i32
      %add3A_266 = arith.addi %mul3A_264, %add3A_265 : i32
      %swap3A_267 = arith.index_cast %add3A_266 : i32 to index
      %swap3A_268 = tpu.vector_load %arg12[%swap3A_267] {strides = array<i32>} : memref<6400xi32, #tpu.memory_space<vmem>>, vector<16xi32>,
      %swap3A_269 = vector.shape_cast %swap3A_268 : vector<16xi32> to vector<16xi32>
      %swap3A_270 = vector.shape_cast %mul3A_262 : vector<16xi32> to vector<16xi32>
      tpu.vector_store %arg12[%swap3A_267], %swap3A_270 {strides = array<i32>} : memref<6400xi32, #tpu.memory_space<vmem>>, vector<16xi32>,
      %sub3A_271 = arith.subi %broadcast_in_dim3A_25, %min3A_253 : vector<16xi32>
      %swap3A_272 = arith.index_cast %scan3A_148 : i32 to index
      %swap3A_273 = arith.constant 48 : index
      %swap3A_274 = tpu.vector_load %arg10[%swap3A_272, %swap3A_273] {strides = array<i32>} : memref<32x200xi32, #tpu.memory_space<vmem>>, vector<1x16xi32>,
      %swap3A_275 = vector.shape_cast %swap3A_274 : vector<1x16xi32> to vector<16xi32>
      %swap3A_276 = vector.shape_cast %sub3A_271 : vector<16xi32> to vector<1x16xi32>
      tpu.vector_store %arg10[%swap3A_272, %swap3A_273], %swap3A_276 {strides = array<i32>} : memref<32x200xi32, #tpu.memory_space<vmem>>, vector<1x16xi32>,
      %get3A_277 = arith.index_cast %scan3A_148 : i32 to index
      %get3A_278 = arith.constant 64 : index
      %get3A_279 = tpu.vector_load %arg8[%get3A_277, %get3A_278] {strides = array<i32>} : memref<32x200xi32, #tpu.memory_space<vmem>>, vector<1x16xi32>,
      %get3A_280 = vector.shape_cast %get3A_279 : vector<1x16xi32> to vector<16xi32>
      %get3A_281 = arith.index_cast %scan3A_148 : i32 to index
      %get3A_282 = arith.constant 64 : index
      %get3A_283 = tpu.vector_load %arg9[%get3A_281, %get3A_282] {strides = array<i32>} : memref<32x200xi32, #tpu.memory_space<vmem>>, vector<1x16xi32>,
      %get3A_284 = vector.shape_cast %get3A_283 : vector<1x16xi32> to vector<16xi32>
      %abs3A_285 = math.absi %get3A_280 : vector<16xi32>
      %min3A_286 = arith.minsi %abs3A_285, %broadcast_in_dim3A_25 : vector<16xi32>
      %mul3A_287 = arith.constant 200 : i32
      %mul3A_288 = arith.muli %scan3A_148, %mul3A_287 : i32
      %add3A_289 = arith.constant 64 : i32
      %add3A_290 = arith.addi %mul3A_288, %add3A_289 : i32
      %swap3A_291 = arith.index_cast %add3A_290 : i32 to index
      %swap3A_292 = tpu.vector_load %arg11[%swap3A_291] {strides = array<i32>} : memref<6400xi32, #tpu.memory_space<vmem>>, vector<16xi32>,
      %swap3A_293 = vector.shape_cast %swap3A_292 : vector<16xi32> to vector<16xi32>
      %swap3A_294 = vector.shape_cast %get3A_280 : vector<16xi32> to vector<16xi32>
      tpu.vector_store %arg11[%swap3A_291], %swap3A_294 {strides = array<i32>} : memref<6400xi32, #tpu.memory_space<vmem>>, vector<16xi32>,
      %mul3A_295 = arith.muli %get3A_284, %min3A_286 : vector<16xi32>
      %mul3A_296 = arith.constant 200 : i32
      %mul3A_297 = arith.muli %scan3A_148, %mul3A_296 : i32
      %add3A_298 = arith.constant 64 : i32
      %add3A_299 = arith.addi %mul3A_297, %add3A_298 : i32
      %swap3A_300 = arith.index_cast %add3A_299 : i32 to index
      %swap3A_301 = tpu.vector_load %arg12[%swap3A_300] {strides = array<i32>} : memref<6400xi32, #tpu.memory_space<vmem>>, vector<16xi32>,
      %swap3A_302 = vector.shape_cast %swap3A_301 : vector<16xi32> to vector<16xi32>
      %swap3A_303 = vector.shape_cast %mul3A_295 : vector<16xi32> to vector<16xi32>
      tpu.vector_store %arg12[%swap3A_300], %swap3A_303 {strides = array<i32>} : memref<6400xi32, #tpu.memory_space<vmem>>, vector<16xi32>,
      %sub3A_304 = arith.subi %broadcast_in_dim3A_25, %min3A_286 : vector<16xi32>
      %swap3A_305 = arith.index_cast %scan3A_148 : i32 to index
      %swap3A_306 = arith.constant 64 : index
      %swap3A_307 = tpu.vector_load %arg10[%swap3A_305, %swap3A_306] {strides = array<i32>} : memref<32x200xi32, #tpu.memory_space<vmem>>, vector<1x16xi32>,
      %swap3A_308 = vector.shape_cast %swap3A_307 : vector<1x16xi32> to vector<16xi32>
      %swap3A_309 = vector.shape_cast %sub3A_304 : vector<16xi32> to vector<1x16xi32>
      tpu.vector_store %arg10[%swap3A_305, %swap3A_306], %swap3A_309 {strides = array<i32>} : memref<32x200xi32, #tpu.memory_space<vmem>>, vector<1x16xi32>,
      %get3A_310 = arith.index_cast %scan3A_148 : i32 to index
      %get3A_311 = arith.constant 80 : index
      %get3A_312 = tpu.vector_load %arg8[%get3A_310, %get3A_311] {strides = array<i32>} : memref<32x200xi32, #tpu.memory_space<vmem>>, vector<1x16xi32>,
      %get3A_313 = vector.shape_cast %get3A_312 : vector<1x16xi32> to vector<16xi32>
      %get3A_314 = arith.index_cast %scan3A_148 : i32 to index
      %get3A_315 = arith.constant 80 : index
      %get3A_316 = tpu.vector_load %arg9[%get3A_314, %get3A_315] {strides = array<i32>} : memref<32x200xi32, #tpu.memory_space<vmem>>, vector<1x16xi32>,
      %get3A_317 = vector.shape_cast %get3A_316 : vector<1x16xi32> to vector<16xi32>
      %abs3A_318 = math.absi %get3A_313 : vector<16xi32>
      %min3A_319 = arith.minsi %abs3A_318, %broadcast_in_dim3A_25 : vector<16xi32>
      %mul3A_320 = arith.constant 200 : i32
      %mul3A_321 = arith.muli %scan3A_148, %mul3A_320 : i32
      %add3A_322 = arith.constant 80 : i32
      %add3A_323 = arith.addi %mul3A_321, %add3A_322 : i32
      %swap3A_324 = arith.index_cast %add3A_323 : i32 to index
      %swap3A_325 = tpu.vector_load %arg11[%swap3A_324] {strides = array<i32>} : memref<6400xi32, #tpu.memory_space<vmem>>, vector<16xi32>,
      %swap3A_326 = vector.shape_cast %swap3A_325 : vector<16xi32> to vector<16xi32>
      %swap3A_327 = vector.shape_cast %get3A_313 : vector<16xi32> to vector<16xi32>
      tpu.vector_store %arg11[%swap3A_324], %swap3A_327 {strides = array<i32>} : memref<6400xi32, #tpu.memory_space<vmem>>, vector<16xi32>,
      %mul3A_328 = arith.muli %get3A_317, %min3A_319 : vector<16xi32>
      %mul3A_329 = arith.constant 200 : i32
      %mul3A_330 = arith.muli %scan3A_148, %mul3A_329 : i32
      %add3A_331 = arith.constant 80 : i32
      %add3A_332 = arith.addi %mul3A_330, %add3A_331 : i32
      %swap3A_333 = arith.index_cast %add3A_332 : i32 to index
      %swap3A_334 = tpu.vector_load %arg12[%swap3A_333] {strides = array<i32>} : memref<6400xi32, #tpu.memory_space<vmem>>, vector<16xi32>,
      %swap3A_335 = vector.shape_cast %swap3A_334 : vector<16xi32> to vector<16xi32>
      %swap3A_336 = vector.shape_cast %mul3A_328 : vector<16xi32> to vector<16xi32>
      tpu.vector_store %arg12[%swap3A_333], %swap3A_336 {strides = array<i32>} : memref<6400xi32, #tpu.memory_space<vmem>>, vector<16xi32>,
      %sub3A_337 = arith.subi %broadcast_in_dim3A_25, %min3A_319 : vector<16xi32>
      %swap3A_338 = arith.index_cast %scan3A_148 : i32 to index
      %swap3A_339 = arith.constant 80 : index
      %swap3A_340 = tpu.vector_load %arg10[%swap3A_338, %swap3A_339] {strides = array<i32>} : memref<32x200xi32, #tpu.memory_space<vmem>>, vector<1x16xi32>,
      %swap3A_341 = vector.shape_cast %swap3A_340 : vector<1x16xi32> to vector<16xi32>
      %swap3A_342 = vector.shape_cast %sub3A_337 : vector<16xi32> to vector<1x16xi32>
      tpu.vector_store %arg10[%swap3A_338, %swap3A_339], %swap3A_342 {strides = array<i32>} : memref<32x200xi32, #tpu.memory_space<vmem>>, vector<1x16xi32>,
      %get3A_343 = arith.index_cast %scan3A_148 : i32 to index
      %get3A_344 = arith.constant 96 : index
      %get3A_345 = tpu.vector_load %arg8[%get3A_343, %get3A_344] {strides = array<i32>} : memref<32x200xi32, #tpu.memory_space<vmem>>, vector<1x16xi32>,
      %get3A_346 = vector.shape_cast %get3A_345 : vector<1x16xi32> to vector<16xi32>
      %get3A_347 = arith.index_cast %scan3A_148 : i32 to index
      %get3A_348 = arith.constant 96 : index
      %get3A_349 = tpu.vector_load %arg9[%get3A_347, %get3A_348] {strides = array<i32>} : memref<32x200xi32, #tpu.memory_space<vmem>>, vector<1x16xi32>,
      %get3A_350 = vector.shape_cast %get3A_349 : vector<1x16xi32> to vector<16xi32>
      %abs3A_351 = math.absi %get3A_346 : vector<16xi32>
      %min3A_352 = arith.minsi %abs3A_351, %broadcast_in_dim3A_25 : vector<16xi32>
      %mul3A_353 = arith.constant 200 : i32
      %mul3A_354 = arith.muli %scan3A_148, %mul3A_353 : i32
      %add3A_355 = arith.constant 96 : i32
      %add3A_356 = arith.addi %mul3A_354, %add3A_355 : i32
      %swap3A_357 = arith.index_cast %add3A_356 : i32 to index
      %swap3A_358 = tpu.vector_load %arg11[%swap3A_357] {strides = array<i32>} : memref<6400xi32, #tpu.memory_space<vmem>>, vector<16xi32>,
      %swap3A_359 = vector.shape_cast %swap3A_358 : vector<16xi32> to vector<16xi32>
      %swap3A_360 = vector.shape_cast %get3A_346 : vector<16xi32> to vector<16xi32>
      tpu.vector_store %arg11[%swap3A_357], %swap3A_360 {strides = array<i32>} : memref<6400xi32, #tpu.memory_space<vmem>>, vector<16xi32>,
      %mul3A_361 = arith.muli %get3A_350, %min3A_352 : vector<16xi32>
      %mul3A_362 = arith.constant 200 : i32
      %mul3A_363 = arith.muli %scan3A_148, %mul3A_362 : i32
      %add3A_364 = arith.constant 96 : i32
      %add3A_365 = arith.addi %mul3A_363, %add3A_364 : i32
      %swap3A_366 = arith.index_cast %add3A_365 : i32 to index
      %swap3A_367 = tpu.vector_load %arg12[%swap3A_366] {strides = array<i32>} : memref<6400xi32, #tpu.memory_space<vmem>>, vector<16xi32>,
      %swap3A_368 = vector.shape_cast %swap3A_367 : vector<16xi32> to vector<16xi32>
      %swap3A_369 = vector.shape_cast %mul3A_361 : vector<16xi32> to vector<16xi32>
      tpu.vector_store %arg12[%swap3A_366], %swap3A_369 {strides = array<i32>} : memref<6400xi32, #tpu.memory_space<vmem>>, vector<16xi32>,
      %sub3A_370 = arith.subi %broadcast_in_dim3A_25, %min3A_352 : vector<16xi32>
      %swap3A_371 = arith.index_cast %scan3A_148 : i32 to index
      %swap3A_372 = arith.constant 96 : index
      %swap3A_373 = tpu.vector_load %arg10[%swap3A_371, %swap3A_372] {strides = array<i32>} : memref<32x200xi32, #tpu.memory_space<vmem>>, vector<1x16xi32>,
      %swap3A_374 = vector.shape_cast %swap3A_373 : vector<1x16xi32> to vector<16xi32>
      %swap3A_375 = vector.shape_cast %sub3A_370 : vector<16xi32> to vector<1x16xi32>
      tpu.vector_store %arg10[%swap3A_371, %swap3A_372], %swap3A_375 {strides = array<i32>} : memref<32x200xi32, #tpu.memory_space<vmem>>, vector<1x16xi32>,
      %get3A_376 = arith.index_cast %scan3A_148 : i32 to index
      %get3A_377 = arith.constant 112 : index
      %get3A_378 = tpu.vector_load %arg8[%get3A_376, %get3A_377] {strides = array<i32>} : memref<32x200xi32, #tpu.memory_space<vmem>>, vector<1x16xi32>,
      %get3A_379 = vector.shape_cast %get3A_378 : vector<1x16xi32> to vector<16xi32>
      %get3A_380 = arith.index_cast %scan3A_148 : i32 to index
      %get3A_381 = arith.constant 112 : index
      %get3A_382 = tpu.vector_load %arg9[%get3A_380, %get3A_381] {strides = array<i32>} : memref<32x200xi32, #tpu.memory_space<vmem>>, vector<1x16xi32>,
      %get3A_383 = vector.shape_cast %get3A_382 : vector<1x16xi32> to vector<16xi32>
      %abs3A_384 = math.absi %get3A_379 : vector<16xi32>
      %min3A_385 = arith.minsi %abs3A_384, %broadcast_in_dim3A_25 : vector<16xi32>
      %mul3A_386 = arith.constant 200 : i32
      %mul3A_387 = arith.muli %scan3A_148, %mul3A_386 : i32
      %add3A_388 = arith.constant 112 : i32
      %add3A_389 = arith.addi %mul3A_387, %add3A_388 : i32
      %swap3A_390 = arith.index_cast %add3A_389 : i32 to index
      %swap3A_391 = tpu.vector_load %arg11[%swap3A_390] {strides = array<i32>} : memref<6400xi32, #tpu.memory_space<vmem>>, vector<16xi32>,
      %swap3A_392 = vector.shape_cast %swap3A_391 : vector<16xi32> to vector<16xi32>
      %swap3A_393 = vector.shape_cast %get3A_379 : vector<16xi32> to vector<16xi32>
      tpu.vector_store %arg11[%swap3A_390], %swap3A_393 {strides = array<i32>} : memref<6400xi32, #tpu.memory_space<vmem>>, vector<16xi32>,
      %mul3A_394 = arith.muli %get3A_383, %min3A_385 : vector<16xi32>
      %mul3A_395 = arith.constant 200 : i32
      %mul3A_396 = arith.muli %scan3A_148, %mul3A_395 : i32
      %add3A_397 = arith.constant 112 : i32
      %add3A_398 = arith.addi %mul3A_396, %add3A_397 : i32
      %swap3A_399 = arith.index_cast %add3A_398 : i32 to index
      %swap3A_400 = tpu.vector_load %arg12[%swap3A_399] {strides = array<i32>} : memref<6400xi32, #tpu.memory_space<vmem>>, vector<16xi32>,
      %swap3A_401 = vector.shape_cast %swap3A_400 : vector<16xi32> to vector<16xi32>
      %swap3A_402 = vector.shape_cast %mul3A_394 : vector<16xi32> to vector<16xi32>
      tpu.vector_store %arg12[%swap3A_399], %swap3A_402 {strides = array<i32>} : memref<6400xi32, #tpu.memory_space<vmem>>, vector<16xi32>,
      %sub3A_403 = arith.subi %broadcast_in_dim3A_25, %min3A_385 : vector<16xi32>
      %swap3A_404 = arith.index_cast %scan3A_148 : i32 to index
      %swap3A_405 = arith.constant 112 : index
      %swap3A_406 = tpu.vector_load %arg10[%swap3A_404, %swap3A_405] {strides = array<i32>} : memref<32x200xi32, #tpu.memory_space<vmem>>, vector<1x16xi32>,
      %swap3A_407 = vector.shape_cast %swap3A_406 : vector<1x16xi32> to vector<16xi32>
      %swap3A_408 = vector.shape_cast %sub3A_403 : vector<16xi32> to vector<1x16xi32>
      tpu.vector_store %arg10[%swap3A_404, %swap3A_405], %swap3A_408 {strides = array<i32>} : memref<32x200xi32, #tpu.memory_space<vmem>>, vector<1x16xi32>,
      %get3A_409 = arith.index_cast %scan3A_148 : i32 to index
      %get3A_410 = arith.constant 128 : index
      %get3A_411 = tpu.vector_load %arg8[%get3A_409, %get3A_410] {strides = array<i32>} : memref<32x200xi32, #tpu.memory_space<vmem>>, vector<1x16xi32>,
      %get3A_412 = vector.shape_cast %get3A_411 : vector<1x16xi32> to vector<16xi32>
      %get3A_413 = arith.index_cast %scan3A_148 : i32 to index
      %get3A_414 = arith.constant 128 : index
      %get3A_415 = tpu.vector_load %arg9[%get3A_413, %get3A_414] {strides = array<i32>} : memref<32x200xi32, #tpu.memory_space<vmem>>, vector<1x16xi32>,
      %get3A_416 = vector.shape_cast %get3A_415 : vector<1x16xi32> to vector<16xi32>
      %abs3A_417 = math.absi %get3A_412 : vector<16xi32>
      %min3A_418 = arith.minsi %abs3A_417, %broadcast_in_dim3A_25 : vector<16xi32>
      %mul3A_419 = arith.constant 200 : i32
      %mul3A_420 = arith.muli %scan3A_148, %mul3A_419 : i32
      %add3A_421 = arith.constant 128 : i32
      %add3A_422 = arith.addi %mul3A_420, %add3A_421 : i32
      %swap3A_423 = arith.index_cast %add3A_422 : i32 to index
      %swap3A_424 = tpu.vector_load %arg11[%swap3A_423] {strides = array<i32>} : memref<6400xi32, #tpu.memory_space<vmem>>, vector<16xi32>,
      %swap3A_425 = vector.shape_cast %swap3A_424 : vector<16xi32> to vector<16xi32>
      %swap3A_426 = vector.shape_cast %get3A_412 : vector<16xi32> to vector<16xi32>
      tpu.vector_store %arg11[%swap3A_423], %swap3A_426 {strides = array<i32>} : memref<6400xi32, #tpu.memory_space<vmem>>, vector<16xi32>,
      %mul3A_427 = arith.muli %get3A_416, %min3A_418 : vector<16xi32>
      %mul3A_428 = arith.constant 200 : i32
      %mul3A_429 = arith.muli %scan3A_148, %mul3A_428 : i32
      %add3A_430 = arith.constant 128 : i32
      %add3A_431 = arith.addi %mul3A_429, %add3A_430 : i32
      %swap3A_432 = arith.index_cast %add3A_431 : i32 to index
      %swap3A_433 = tpu.vector_load %arg12[%swap3A_432] {strides = array<i32>} : memref<6400xi32, #tpu.memory_space<vmem>>, vector<16xi32>,
      %swap3A_434 = vector.shape_cast %swap3A_433 : vector<16xi32> to vector<16xi32>
      %swap3A_435 = vector.shape_cast %mul3A_427 : vector<16xi32> to vector<16xi32>
      tpu.vector_store %arg12[%swap3A_432], %swap3A_435 {strides = array<i32>} : memref<6400xi32, #tpu.memory_space<vmem>>, vector<16xi32>,
      %sub3A_436 = arith.subi %broadcast_in_dim3A_25, %min3A_418 : vector<16xi32>
      %swap3A_437 = arith.index_cast %scan3A_148 : i32 to index
      %swap3A_438 = arith.constant 128 : index
      %swap3A_439 = tpu.vector_load %arg10[%swap3A_437, %swap3A_438] {strides = array<i32>} : memref<32x200xi32, #tpu.memory_space<vmem>>, vector<1x16xi32>,
      %swap3A_440 = vector.shape_cast %swap3A_439 : vector<1x16xi32> to vector<16xi32>
      %swap3A_441 = vector.shape_cast %sub3A_436 : vector<16xi32> to vector<1x16xi32>
      tpu.vector_store %arg10[%swap3A_437, %swap3A_438], %swap3A_441 {strides = array<i32>} : memref<32x200xi32, #tpu.memory_space<vmem>>, vector<1x16xi32>,
      %get3A_442 = arith.index_cast %scan3A_148 : i32 to index
      %get3A_443 = arith.constant 144 : index
      %get3A_444 = tpu.vector_load %arg8[%get3A_442, %get3A_443] {strides = array<i32>} : memref<32x200xi32, #tpu.memory_space<vmem>>, vector<1x16xi32>,
      %get3A_445 = vector.shape_cast %get3A_444 : vector<1x16xi32> to vector<16xi32>
      %get3A_446 = arith.index_cast %scan3A_148 : i32 to index
      %get3A_447 = arith.constant 144 : index
      %get3A_448 = tpu.vector_load %arg9[%get3A_446, %get3A_447] {strides = array<i32>} : memref<32x200xi32, #tpu.memory_space<vmem>>, vector<1x16xi32>,
      %get3A_449 = vector.shape_cast %get3A_448 : vector<1x16xi32> to vector<16xi32>
      %abs3A_450 = math.absi %get3A_445 : vector<16xi32>
      %min3A_451 = arith.minsi %abs3A_450, %broadcast_in_dim3A_25 : vector<16xi32>
      %mul3A_452 = arith.constant 200 : i32
      %mul3A_453 = arith.muli %scan3A_148, %mul3A_452 : i32
      %add3A_454 = arith.constant 144 : i32
      %add3A_455 = arith.addi %mul3A_453, %add3A_454 : i32
      %swap3A_456 = arith.index_cast %add3A_455 : i32 to index
      %swap3A_457 = tpu.vector_load %arg11[%swap3A_456] {strides = array<i32>} : memref<6400xi32, #tpu.memory_space<vmem>>, vector<16xi32>,
      %swap3A_458 = vector.shape_cast %swap3A_457 : vector<16xi32> to vector<16xi32>
      %swap3A_459 = vector.shape_cast %get3A_445 : vector<16xi32> to vector<16xi32>
      tpu.vector_store %arg11[%swap3A_456], %swap3A_459 {strides = array<i32>} : memref<6400xi32, #tpu.memory_space<vmem>>, vector<16xi32>,
      %mul3A_460 = arith.muli %get3A_449, %min3A_451 : vector<16xi32>
      %mul3A_461 = arith.constant 200 : i32
      %mul3A_462 = arith.muli %scan3A_148, %mul3A_461 : i32
      %add3A_463 = arith.constant 144 : i32
      %add3A_464 = arith.addi %mul3A_462, %add3A_463 : i32
      %swap3A_465 = arith.index_cast %add3A_464 : i32 to index
      %swap3A_466 = tpu.vector_load %arg12[%swap3A_465] {strides = array<i32>} : memref<6400xi32, #tpu.memory_space<vmem>>, vector<16xi32>,
      %swap3A_467 = vector.shape_cast %swap3A_466 : vector<16xi32> to vector<16xi32>
      %swap3A_468 = vector.shape_cast %mul3A_460 : vector<16xi32> to vector<16xi32>
      tpu.vector_store %arg12[%swap3A_465], %swap3A_468 {strides = array<i32>} : memref<6400xi32, #tpu.memory_space<vmem>>, vector<16xi32>,
      %sub3A_469 = arith.subi %broadcast_in_dim3A_25, %min3A_451 : vector<16xi32>
      %swap3A_470 = arith.index_cast %scan3A_148 : i32 to index
      %swap3A_471 = arith.constant 144 : index
      %swap3A_472 = tpu.vector_load %arg10[%swap3A_470, %swap3A_471] {strides = array<i32>} : memref<32x200xi32, #tpu.memory_space<vmem>>, vector<1x16xi32>,
      %swap3A_473 = vector.shape_cast %swap3A_472 : vector<1x16xi32> to vector<16xi32>
      %swap3A_474 = vector.shape_cast %sub3A_469 : vector<16xi32> to vector<1x16xi32>
      tpu.vector_store %arg10[%swap3A_470, %swap3A_471], %swap3A_474 {strides = array<i32>} : memref<32x200xi32, #tpu.memory_space<vmem>>, vector<1x16xi32>,
      %get3A_475 = arith.index_cast %scan3A_148 : i32 to index
      %get3A_476 = arith.constant 160 : index
      %get3A_477 = tpu.vector_load %arg8[%get3A_475, %get3A_476] {strides = array<i32>} : memref<32x200xi32, #tpu.memory_space<vmem>>, vector<1x16xi32>,
      %get3A_478 = vector.shape_cast %get3A_477 : vector<1x16xi32> to vector<16xi32>
      %get3A_479 = arith.index_cast %scan3A_148 : i32 to index
      %get3A_480 = arith.constant 160 : index
      %get3A_481 = tpu.vector_load %arg9[%get3A_479, %get3A_480] {strides = array<i32>} : memref<32x200xi32, #tpu.memory_space<vmem>>, vector<1x16xi32>,
      %get3A_482 = vector.shape_cast %get3A_481 : vector<1x16xi32> to vector<16xi32>
      %abs3A_483 = math.absi %get3A_478 : vector<16xi32>
      %min3A_484 = arith.minsi %abs3A_483, %broadcast_in_dim3A_25 : vector<16xi32>
      %mul3A_485 = arith.constant 200 : i32
      %mul3A_486 = arith.muli %scan3A_148, %mul3A_485 : i32
      %add3A_487 = arith.constant 160 : i32
      %add3A_488 = arith.addi %mul3A_486, %add3A_487 : i32
      %swap3A_489 = arith.index_cast %add3A_488 : i32 to index
      %swap3A_490 = tpu.vector_load %arg11[%swap3A_489] {strides = array<i32>} : memref<6400xi32, #tpu.memory_space<vmem>>, vector<16xi32>,
      %swap3A_491 = vector.shape_cast %swap3A_490 : vector<16xi32> to vector<16xi32>
      %swap3A_492 = vector.shape_cast %get3A_478 : vector<16xi32> to vector<16xi32>
      tpu.vector_store %arg11[%swap3A_489], %swap3A_492 {strides = array<i32>} : memref<6400xi32, #tpu.memory_space<vmem>>, vector<16xi32>,
      %mul3A_493 = arith.muli %get3A_482, %min3A_484 : vector<16xi32>
      %mul3A_494 = arith.constant 200 : i32
      %mul3A_495 = arith.muli %scan3A_148, %mul3A_494 : i32
      %add3A_496 = arith.constant 160 : i32
      %add3A_497 = arith.addi %mul3A_495, %add3A_496 : i32
      %swap3A_498 = arith.index_cast %add3A_497 : i32 to index
      %swap3A_499 = tpu.vector_load %arg12[%swap3A_498] {strides = array<i32>} : memref<6400xi32, #tpu.memory_space<vmem>>, vector<16xi32>,
      %swap3A_500 = vector.shape_cast %swap3A_499 : vector<16xi32> to vector<16xi32>
      %swap3A_501 = vector.shape_cast %mul3A_493 : vector<16xi32> to vector<16xi32>
      tpu.vector_store %arg12[%swap3A_498], %swap3A_501 {strides = array<i32>} : memref<6400xi32, #tpu.memory_space<vmem>>, vector<16xi32>,
      %sub3A_502 = arith.subi %broadcast_in_dim3A_25, %min3A_484 : vector<16xi32>
      %swap3A_503 = arith.index_cast %scan3A_148 : i32 to index
      %swap3A_504 = arith.constant 160 : index
      %swap3A_505 = tpu.vector_load %arg10[%swap3A_503, %swap3A_504] {strides = array<i32>} : memref<32x200xi32, #tpu.memory_space<vmem>>, vector<1x16xi32>,
      %swap3A_506 = vector.shape_cast %swap3A_505 : vector<1x16xi32> to vector<16xi32>
      %swap3A_507 = vector.shape_cast %sub3A_502 : vector<16xi32> to vector<1x16xi32>
      tpu.vector_store %arg10[%swap3A_503, %swap3A_504], %swap3A_507 {strides = array<i32>} : memref<32x200xi32, #tpu.memory_space<vmem>>, vector<1x16xi32>,
      %get3A_508 = arith.index_cast %scan3A_148 : i32 to index
      %get3A_509 = arith.constant 176 : index
      %get3A_510 = tpu.vector_load %arg8[%get3A_508, %get3A_509] {strides = array<i32>} : memref<32x200xi32, #tpu.memory_space<vmem>>, vector<1x16xi32>,
      %get3A_511 = vector.shape_cast %get3A_510 : vector<1x16xi32> to vector<16xi32>
      %get3A_512 = arith.index_cast %scan3A_148 : i32 to index
      %get3A_513 = arith.constant 176 : index
      %get3A_514 = tpu.vector_load %arg9[%get3A_512, %get3A_513] {strides = array<i32>} : memref<32x200xi32, #tpu.memory_space<vmem>>, vector<1x16xi32>,
      %get3A_515 = vector.shape_cast %get3A_514 : vector<1x16xi32> to vector<16xi32>
      %abs3A_516 = math.absi %get3A_511 : vector<16xi32>
      %min3A_517 = arith.minsi %abs3A_516, %broadcast_in_dim3A_25 : vector<16xi32>
      %mul3A_518 = arith.constant 200 : i32
      %mul3A_519 = arith.muli %scan3A_148, %mul3A_518 : i32
      %add3A_520 = arith.constant 176 : i32
      %add3A_521 = arith.addi %mul3A_519, %add3A_520 : i32
      %swap3A_522 = arith.index_cast %add3A_521 : i32 to index
      %swap3A_523 = tpu.vector_load %arg11[%swap3A_522] {strides = array<i32>} : memref<6400xi32, #tpu.memory_space<vmem>>, vector<16xi32>,
      %swap3A_524 = vector.shape_cast %swap3A_523 : vector<16xi32> to vector<16xi32>
      %swap3A_525 = vector.shape_cast %get3A_511 : vector<16xi32> to vector<16xi32>
      tpu.vector_store %arg11[%swap3A_522], %swap3A_525 {strides = array<i32>} : memref<6400xi32, #tpu.memory_space<vmem>>, vector<16xi32>,
      %mul3A_526 = arith.muli %get3A_515, %min3A_517 : vector<16xi32>
      %mul3A_527 = arith.constant 200 : i32
      %mul3A_528 = arith.muli %scan3A_148, %mul3A_527 : i32
      %add3A_529 = arith.constant 176 : i32
      %add3A_530 = arith.addi %mul3A_528, %add3A_529 : i32
      %swap3A_531 = arith.index_cast %add3A_530 : i32 to index
      %swap3A_532 = tpu.vector_load %arg12[%swap3A_531] {strides = array<i32>} : memref<6400xi32, #tpu.memory_space<vmem>>, vector<16xi32>,
      %swap3A_533 = vector.shape_cast %swap3A_532 : vector<16xi32> to vector<16xi32>
      %swap3A_534 = vector.shape_cast %mul3A_526 : vector<16xi32> to vector<16xi32>
      tpu.vector_store %arg12[%swap3A_531], %swap3A_534 {strides = array<i32>} : memref<6400xi32, #tpu.memory_space<vmem>>, vector<16xi32>,
      %sub3A_535 = arith.subi %broadcast_in_dim3A_25, %min3A_517 : vector<16xi32>
      %swap3A_536 = arith.index_cast %scan3A_148 : i32 to index
      %swap3A_537 = arith.constant 176 : index
      %swap3A_538 = tpu.vector_load %arg10[%swap3A_536, %swap3A_537] {strides = array<i32>} : memref<32x200xi32, #tpu.memory_space<vmem>>, vector<1x16xi32>,
      %swap3A_539 = vector.shape_cast %swap3A_538 : vector<1x16xi32> to vector<16xi32>
      %swap3A_540 = vector.shape_cast %sub3A_535 : vector<16xi32> to vector<1x16xi32>
      tpu.vector_store %arg10[%swap3A_536, %swap3A_537], %swap3A_540 {strides = array<i32>} : memref<32x200xi32, #tpu.memory_space<vmem>>, vector<1x16xi32>,
      %get3A_541 = arith.index_cast %scan3A_148 : i32 to index
      %get3A_542 = arith.constant 184 : index
      %get3A_543 = tpu.vector_load %arg8[%get3A_541, %get3A_542] {strides = array<i32>} : memref<32x200xi32, #tpu.memory_space<vmem>>, vector<1x16xi32>,
      %get3A_544 = vector.shape_cast %get3A_543 : vector<1x16xi32> to vector<16xi32>
      %get3A_545 = arith.index_cast %scan3A_148 : i32 to index
      %get3A_546 = arith.constant 184 : index
      %get3A_547 = tpu.vector_load %arg9[%get3A_545, %get3A_546] {strides = array<i32>} : memref<32x200xi32, #tpu.memory_space<vmem>>, vector<1x16xi32>,
      %get3A_548 = vector.shape_cast %get3A_547 : vector<1x16xi32> to vector<16xi32>
      %abs3A_549 = math.absi %get3A_544 : vector<16xi32>
      %min3A_550 = arith.minsi %abs3A_549, %broadcast_in_dim3A_25 : vector<16xi32>
      %mul3A_551 = arith.constant 200 : i32
      %mul3A_552 = arith.muli %scan3A_148, %mul3A_551 : i32
      %add3A_553 = arith.constant 184 : i32
      %add3A_554 = arith.addi %mul3A_552, %add3A_553 : i32
      %swap3A_555 = arith.index_cast %add3A_554 : i32 to index
      %swap3A_556 = tpu.vector_load %arg11[%swap3A_555] {strides = array<i32>} : memref<6400xi32, #tpu.memory_space<vmem>>, vector<16xi32>,
      %swap3A_557 = vector.shape_cast %swap3A_556 : vector<16xi32> to vector<16xi32>
      %swap3A_558 = vector.shape_cast %get3A_544 : vector<16xi32> to vector<16xi32>
      tpu.vector_store %arg11[%swap3A_555], %swap3A_558 {strides = array<i32>} : memref<6400xi32, #tpu.memory_space<vmem>>, vector<16xi32>,
      %mul3A_559 = arith.muli %get3A_548, %min3A_550 : vector<16xi32>
      %mul3A_560 = arith.constant 200 : i32
      %mul3A_561 = arith.muli %scan3A_148, %mul3A_560 : i32
      %add3A_562 = arith.constant 184 : i32
      %add3A_563 = arith.addi %mul3A_561, %add3A_562 : i32
      %swap3A_564 = arith.index_cast %add3A_563 : i32 to index
      %swap3A_565 = tpu.vector_load %arg12[%swap3A_564] {strides = array<i32>} : memref<6400xi32, #tpu.memory_space<vmem>>, vector<16xi32>,
      %swap3A_566 = vector.shape_cast %swap3A_565 : vector<16xi32> to vector<16xi32>
      %swap3A_567 = vector.shape_cast %mul3A_559 : vector<16xi32> to vector<16xi32>
      tpu.vector_store %arg12[%swap3A_564], %swap3A_567 {strides = array<i32>} : memref<6400xi32, #tpu.memory_space<vmem>>, vector<16xi32>,
      %sub3A_568 = arith.subi %broadcast_in_dim3A_25, %min3A_550 : vector<16xi32>
      %swap3A_569 = arith.index_cast %scan3A_148 : i32 to index
      %swap3A_570 = arith.constant 184 : index
      %swap3A_571 = tpu.vector_load %arg10[%swap3A_569, %swap3A_570] {strides = array<i32>} : memref<32x200xi32, #tpu.memory_space<vmem>>, vector<1x16xi32>,
      %swap3A_572 = vector.shape_cast %swap3A_571 : vector<1x16xi32> to vector<16xi32>
      %swap3A_573 = vector.shape_cast %sub3A_568 : vector<16xi32> to vector<1x16xi32>
      tpu.vector_store %arg10[%swap3A_569, %swap3A_570], %swap3A_573 {strides = array<i32>} : memref<32x200xi32, #tpu.memory_space<vmem>>, vector<1x16xi32>,
      %scan3A_574 = arith.constant 0 : i32
      scf.yield %scan3A_574 : i32
    }
    %scan3A_31 = arith.constant 32 : i32
    %dma_start3A_32 = arith.constant 0 : i32
    %dma_start3A_33 = tpu.memref_slice %arg7[%mul3A_4, %dma_start3A_32] : memref<1024x200xi32, #tpu.memory_space<hbm>> -> memref<32x200xi32, #tpu.memory_space<hbm>>
    %dma_start3A_34 = arith.constant 0 : i32
    %dma_start3A_35 = tpu.memref_slice %arg7[%mul3A_4, %dma_start3A_34] : memref<1024x200xi32, #tpu.memory_space<hbm>> -> memref<32x200xi32, #tpu.memory_space<hbm>>
    tpu.enqueue_dma source(%arg10 : memref<32x200xi32, #tpu.memory_space<vmem>>) target(%dma_start3A_35 : memref<32x200xi32, #tpu.memory_space<hbm>>) target_semaphore(%arg33 : memref<!tpu.dma_semaphore, #tpu.memory_space<semaphore_mem>>)
    %dma_wait3A_36 = arith.constant 0 : i32
    %dma_wait3A_37 = arith.constant 0 : i32
    %dma_wait3A_38 = tpu.memref_slice %arg15[%dma_wait3A_36, %dma_wait3A_37] : memref<512x128xf32, #tpu.memory_space<vmem_shared>> -> memref<32x128xf32, #tpu.memory_space<vmem_shared>>
    %dma_wait3A_39 = arith.constant 0 : i32
    %dma_wait3A_40 = arith.constant 0 : i32
    %dma_wait3A_41 = tpu.memref_slice %arg5[%dma_wait3A_39, %dma_wait3A_40] : memref<512x128xf32, #tpu.memory_space<hbm>> -> memref<32x128xf32, #tpu.memory_space<hbm>>
    tpu.wait_dma2 semaphore(%arg33 : memref<!tpu.dma_semaphore, #tpu.memory_space<semaphore_mem>>) src(%dma_wait3A_41 : memref<32x128xf32, #tpu.memory_space<hbm>>) dst(%dma_wait3A_38 : memref<32x128xf32, #tpu.memory_space<vmem_shared>>)
    %barrier3A = arith.constant 0 : index
    tpu.barrier barrier_id(%barrier3A)
    %dma_start3A_42 = arith.constant 0 : i32
    %dma_start3A_43 = arith.constant 0 : i32
    %dma_start3A_44 = arith.constant 0 : i32
    %dma_start3A_45 = tpu.memref_slice %arg13[%dma_start3A_42, %dma_start3A_43, %dma_start3A_44] : memref<5x64x128xf32, #tpu.memory_space<vmem>> -> memref<1x64x128xf32, #tpu.memory_space<vmem>>
    %dma_start3A_46 = tpu.memref_squeeze %dma_start3A_45 : memref<1x64x128xf32, #tpu.memory_space<vmem>> -> memref<64x128xf32, #tpu.memory_space<vmem>>
    %dma_start3A_47 = arith.constant 0 : i32
    %dma_start3A_48 = tpu.memref_slice %arg11[%dma_start3A_47] : memref<6400xi32, #tpu.memory_space<vmem>> -> memref<64xi32, #tpu.memory_space<vmem>>
    %dma_start3A_49 = arith.constant 0 : i32
    %dma_start3A_50 = arith.constant 0 : i32
    %dma_start3A_51 = tpu.memref_slice %arg4[%dma_start3A_49, %dma_start3A_50] : memref<100000x128xf32, #tpu.memory_space<hbm>> -> memref<100000x128xf32, #tpu.memory_space<hbm>>
    tpu.enqueue_indirect_dma source(%dma_start3A_51 : memref<100000x128xf32, #tpu.memory_space<hbm>>) target(%dma_start3A_46 : memref<64x128xf32, #tpu.memory_space<vmem>>) offsets(%dma_start3A_48 : memref<64xi32, #tpu.memory_space<vmem>>) semaphore(%arg16 : memref<!tpu.dma_semaphore, #tpu.memory_space<semaphore_mem>>)
    %dma_start3A_52 = arith.constant 0 : i32
    %dma_start3A_53 = arith.constant 0 : i32
    %dma_start3A_54 = arith.constant 0 : i32
    %dma_start3A_55 = tpu.memref_slice %arg14[%dma_start3A_52, %dma_start3A_53, %dma_start3A_54] : memref<5x64x128xf32, #tpu.memory_space<vmem>> -> memref<1x64x128xf32, #tpu.memory_space<vmem>>
    %dma_start3A_56 = tpu.memref_squeeze %dma_start3A_55 : memref<1x64x128xf32, #tpu.memory_space<vmem>> -> memref<64x128xf32, #tpu.memory_space<vmem>>
    %dma_start3A_57 = arith.constant 0 : i32
    %dma_start3A_58 = tpu.memref_slice %arg12[%dma_start3A_57] : memref<6400xi32, #tpu.memory_space<vmem>> -> memref<64xi32, #tpu.memory_space<vmem>>
    %dma_start3A_59 = arith.constant 0 : i32
    %dma_start3A_60 = arith.constant 0 : i32
    %dma_start3A_61 = tpu.memref_slice %arg15[%dma_start3A_59, %dma_start3A_60] : memref<512x128xf32, #tpu.memory_space<vmem_shared>> -> memref<512x128xf32, #tpu.memory_space<vmem_shared>>
    tpu.enqueue_indirect_dma source(%dma_start3A_61 : memref<512x128xf32, #tpu.memory_space<vmem_shared>>) target(%dma_start3A_56 : memref<64x128xf32, #tpu.memory_space<vmem>>) offsets(%dma_start3A_58 : memref<64xi32, #tpu.memory_space<vmem>>) semaphore(%arg21 : memref<!tpu.dma_semaphore, #tpu.memory_space<semaphore_mem>>)
    %dma_start3A_62 = arith.constant 1 : i32
    %dma_start3A_63 = arith.constant 0 : i32
    %dma_start3A_64 = arith.constant 0 : i32
    %dma_start3A_65 = tpu.memref_slice %arg13[%dma_start3A_62, %dma_start3A_63, %dma_start3A_64] : memref<5x64x128xf32, #tpu.memory_space<vmem>> -> memref<1x64x128xf32, #tpu.memory_space<vmem>>
    %dma_start3A_66 = tpu.memref_squeeze %dma_start3A_65 : memref<1x64x128xf32, #tpu.memory_space<vmem>> -> memref<64x128xf32, #tpu.memory_space<vmem>>
    %dma_start3A_67 = arith.constant 64 : i32
    %dma_start3A_68 = tpu.memref_slice %arg11[%dma_start3A_67] : memref<6400xi32, #tpu.memory_space<vmem>> -> memref<64xi32, #tpu.memory_space<vmem>>
    %dma_start3A_69 = arith.constant 0 : i32
    %dma_start3A_70 = arith.constant 0 : i32
    %dma_start3A_71 = tpu.memref_slice %arg4[%dma_start3A_69, %dma_start3A_70] : memref<100000x128xf32, #tpu.memory_space<hbm>> -> memref<100000x128xf32, #tpu.memory_space<hbm>>
    tpu.enqueue_indirect_dma source(%dma_start3A_71 : memref<100000x128xf32, #tpu.memory_space<hbm>>) target(%dma_start3A_66 : memref<64x128xf32, #tpu.memory_space<vmem>>) offsets(%dma_start3A_68 : memref<64xi32, #tpu.memory_space<vmem>>) semaphore(%arg17 : memref<!tpu.dma_semaphore, #tpu.memory_space<semaphore_mem>>)
    %dma_start3A_72 = arith.constant 1 : i32
    %dma_start3A_73 = arith.constant 0 : i32
    %dma_start3A_74 = arith.constant 0 : i32
    %dma_start3A_75 = tpu.memref_slice %arg14[%dma_start3A_72, %dma_start3A_73, %dma_start3A_74] : memref<5x64x128xf32, #tpu.memory_space<vmem>> -> memref<1x64x128xf32, #tpu.memory_space<vmem>>
    %dma_start3A_76 = tpu.memref_squeeze %dma_start3A_75 : memref<1x64x128xf32, #tpu.memory_space<vmem>> -> memref<64x128xf32, #tpu.memory_space<vmem>>
    %dma_start3A_77 = arith.constant 64 : i32
    %dma_start3A_78 = tpu.memref_slice %arg12[%dma_start3A_77] : memref<6400xi32, #tpu.memory_space<vmem>> -> memref<64xi32, #tpu.memory_space<vmem>>
    %dma_start3A_79 = arith.constant 0 : i32
    %dma_start3A_80 = arith.constant 0 : i32
    %dma_start3A_81 = tpu.memref_slice %arg15[%dma_start3A_79, %dma_start3A_80] : memref<512x128xf32, #tpu.memory_space<vmem_shared>> -> memref<512x128xf32, #tpu.memory_space<vmem_shared>>
    tpu.enqueue_indirect_dma source(%dma_start3A_81 : memref<512x128xf32, #tpu.memory_space<vmem_shared>>) target(%dma_start3A_76 : memref<64x128xf32, #tpu.memory_space<vmem>>) offsets(%dma_start3A_78 : memref<64xi32, #tpu.memory_space<vmem>>) semaphore(%arg22 : memref<!tpu.dma_semaphore, #tpu.memory_space<semaphore_mem>>)
    %dma_start3A_82 = arith.constant 2 : i32
    %dma_start3A_83 = arith.constant 0 : i32
    %dma_start3A_84 = arith.constant 0 : i32
    %dma_start3A_85 = tpu.memref_slice %arg13[%dma_start3A_82, %dma_start3A_83, %dma_start3A_84] : memref<5x64x128xf32, #tpu.memory_space<vmem>> -> memref<1x64x128xf32, #tpu.memory_space<vmem>>
    %dma_start3A_86 = tpu.memref_squeeze %dma_start3A_85 : memref<1x64x128xf32, #tpu.memory_space<vmem>> -> memref<64x128xf32, #tpu.memory_space<vmem>>
    %dma_start3A_87 = arith.constant 128 : i32
    %dma_start3A_88 = tpu.memref_slice %arg11[%dma_start3A_87] : memref<6400xi32, #tpu.memory_space<vmem>> -> memref<64xi32, #tpu.memory_space<vmem>>
    %dma_start3A_89 = arith.constant 0 : i32
    %dma_start3A_90 = arith.constant 0 : i32
    %dma_start3A_91 = tpu.memref_slice %arg4[%dma_start3A_89, %dma_start3A_90] : memref<100000x128xf32, #tpu.memory_space<hbm>> -> memref<100000x128xf32, #tpu.memory_space<hbm>>
    tpu.enqueue_indirect_dma source(%dma_start3A_91 : memref<100000x128xf32, #tpu.memory_space<hbm>>) target(%dma_start3A_86 : memref<64x128xf32, #tpu.memory_space<vmem>>) offsets(%dma_start3A_88 : memref<64xi32, #tpu.memory_space<vmem>>) semaphore(%arg18 : memref<!tpu.dma_semaphore, #tpu.memory_space<semaphore_mem>>)
    %dma_start3A_92 = arith.constant 2 : i32
    %dma_start3A_93 = arith.constant 0 : i32
    %dma_start3A_94 = arith.constant 0 : i32
    %dma_start3A_95 = tpu.memref_slice %arg14[%dma_start3A_92, %dma_start3A_93, %dma_start3A_94] : memref<5x64x128xf32, #tpu.memory_space<vmem>> -> memref<1x64x128xf32, #tpu.memory_space<vmem>>
    %dma_start3A_96 = tpu.memref_squeeze %dma_start3A_95 : memref<1x64x128xf32, #tpu.memory_space<vmem>> -> memref<64x128xf32, #tpu.memory_space<vmem>>
    %dma_start3A_97 = arith.constant 128 : i32
    %dma_start3A_98 = tpu.memref_slice %arg12[%dma_start3A_97] : memref<6400xi32, #tpu.memory_space<vmem>> -> memref<64xi32, #tpu.memory_space<vmem>>
    %dma_start3A_99 = arith.constant 0 : i32
    %dma_start3A_100 = arith.constant 0 : i32
    %dma_start3A_101 = tpu.memref_slice %arg15[%dma_start3A_99, %dma_start3A_100] : memref<512x128xf32, #tpu.memory_space<vmem_shared>> -> memref<512x128xf32, #tpu.memory_space<vmem_shared>>
    tpu.enqueue_indirect_dma source(%dma_start3A_101 : memref<512x128xf32, #tpu.memory_space<vmem_shared>>) target(%dma_start3A_96 : memref<64x128xf32, #tpu.memory_space<vmem>>) offsets(%dma_start3A_98 : memref<64xi32, #tpu.memory_space<vmem>>) semaphore(%arg23 : memref<!tpu.dma_semaphore, #tpu.memory_space<semaphore_mem>>)
    %dma_start3A_102 = arith.constant 3 : i32
    %dma_start3A_103 = arith.constant 0 : i32
    %dma_start3A_104 = arith.constant 0 : i32
    %dma_start3A_105 = tpu.memref_slice %arg13[%dma_start3A_102, %dma_start3A_103, %dma_start3A_104] : memref<5x64x128xf32, #tpu.memory_space<vmem>> -> memref<1x64x128xf32, #tpu.memory_space<vmem>>
    %dma_start3A_106 = tpu.memref_squeeze %dma_start3A_105 : memref<1x64x128xf32, #tpu.memory_space<vmem>> -> memref<64x128xf32, #tpu.memory_space<vmem>>
    %dma_start3A_107 = arith.constant 192 : i32
    %dma_start3A_108 = tpu.memref_slice %arg11[%dma_start3A_107] : memref<6400xi32, #tpu.memory_space<vmem>> -> memref<64xi32, #tpu.memory_space<vmem>>
    %dma_start3A_109 = arith.constant 0 : i32
    %dma_start3A_110 = arith.constant 0 : i32
    %dma_start3A_111 = tpu.memref_slice %arg4[%dma_start3A_109, %dma_start3A_110] : memref<100000x128xf32, #tpu.memory_space<hbm>> -> memref<100000x128xf32, #tpu.memory_space<hbm>>
    tpu.enqueue_indirect_dma source(%dma_start3A_111 : memref<100000x128xf32, #tpu.memory_space<hbm>>) target(%dma_start3A_106 : memref<64x128xf32, #tpu.memory_space<vmem>>) offsets(%dma_start3A_108 : memref<64xi32, #tpu.memory_space<vmem>>) semaphore(%arg19 : memref<!tpu.dma_semaphore, #tpu.memory_space<semaphore_mem>>)
    %dma_start3A_112 = arith.constant 3 : i32
    %dma_start3A_113 = arith.constant 0 : i32
    %dma_start3A_114 = arith.constant 0 : i32
    %dma_start3A_115 = tpu.memref_slice %arg14[%dma_start3A_112, %dma_start3A_113, %dma_start3A_114] : memref<5x64x128xf32, #tpu.memory_space<vmem>> -> memref<1x64x128xf32, #tpu.memory_space<vmem>>
    %dma_start3A_116 = tpu.memref_squeeze %dma_start3A_115 : memref<1x64x128xf32, #tpu.memory_space<vmem>> -> memref<64x128xf32, #tpu.memory_space<vmem>>
    %dma_start3A_117 = arith.constant 192 : i32
    %dma_start3A_118 = tpu.memref_slice %arg12[%dma_start3A_117] : memref<6400xi32, #tpu.memory_space<vmem>> -> memref<64xi32, #tpu.memory_space<vmem>>
    %dma_start3A_119 = arith.constant 0 : i32
    %dma_start3A_120 = arith.constant 0 : i32
    %dma_start3A_121 = tpu.memref_slice %arg15[%dma_start3A_119, %dma_start3A_120] : memref<512x128xf32, #tpu.memory_space<vmem_shared>> -> memref<512x128xf32, #tpu.memory_space<vmem_shared>>
    tpu.enqueue_indirect_dma source(%dma_start3A_121 : memref<512x128xf32, #tpu.memory_space<vmem_shared>>) target(%dma_start3A_116 : memref<64x128xf32, #tpu.memory_space<vmem>>) offsets(%dma_start3A_118 : memref<64xi32, #tpu.memory_space<vmem>>) semaphore(%arg24 : memref<!tpu.dma_semaphore, #tpu.memory_space<semaphore_mem>>)
    %scan3A_122 = arith.constant 0 : i32
    %scan3A_123 = arith.constant 0 : i32
    %scan3A_124 = arith.constant 20 : i32
    %scan3A_125 = arith.addi %scan3A_123, %scan3A_124 : i32
    %scan3A_126 = arith.constant 1 : i32
    %scan3A_127 = scf.for %scan3A_148 = %scan3A_123 to %scan3A_125 step %scan3A_126 iter_args(%scan3A_149 = %scan3A_122) -> (i32)  : i32 {
      %mul3A_150 = arith.constant 5 : i32
      %mul3A_151 = arith.muli %scan3A_148, %mul3A_150 : i32
      %add3A_152 = arith.constant 0 : i32
      %add3A_153 = arith.addi %mul3A_151, %add3A_152 : i32
      %dma_wait3A_154 = arith.constant 0 : i32
      %dma_wait3A_155 = arith.constant 0 : i32
      %dma_wait3A_156 = arith.constant 0 : i32
      %dma_wait3A_157 = tpu.memref_slice %arg13[%dma_wait3A_154, %dma_wait3A_155, %dma_wait3A_156] : memref<5x64x128xf32, #tpu.memory_space<vmem>> -> memref<1x64x128xf32, #tpu.memory_space<vmem>>
      %dma_wait3A_158 = tpu.memref_squeeze %dma_wait3A_157 : memref<1x64x128xf32, #tpu.memory_space<vmem>> -> memref<64x128xf32, #tpu.memory_space<vmem>>
      %dma_wait3A_159 = arith.constant 0 : i32
      %dma_wait3A_160 = arith.constant 0 : i32
      %dma_wait3A_161 = tpu.memref_slice %arg4[%dma_wait3A_159, %dma_wait3A_160] : memref<100000x128xf32, #tpu.memory_space<hbm>> -> memref<64x128xf32, #tpu.memory_space<hbm>>
      %dma_wait3A_162 = arith.constant 0 : i32
      %dma_wait3A_163 = arith.constant 0 : i32
      %dma_wait3A_164 = tpu.memref_slice %arg13[%dma_wait3A_154, %dma_wait3A_162, %dma_wait3A_163] : memref<5x64x128xf32, #tpu.memory_space<vmem>> -> memref<1x64x128xf32, #tpu.memory_space<vmem>>
      %dma_wait3A_165 = tpu.memref_squeeze %dma_wait3A_164 : memref<1x64x128xf32, #tpu.memory_space<vmem>> -> memref<64x128xf32, #tpu.memory_space<vmem>>
      %dma_wait3A_166 = arith.constant 0 : i32
      %dma_wait3A_167 = arith.constant 0 : i32
      %dma_wait3A_168 = tpu.memref_slice %arg4[%dma_wait3A_166, %dma_wait3A_167] : memref<100000x128xf32, #tpu.memory_space<hbm>> -> memref<64x128xf32, #tpu.memory_space<hbm>>
      tpu.wait_dma2 semaphore(%arg16 : memref<!tpu.dma_semaphore, #tpu.memory_space<semaphore_mem>>) src(%dma_wait3A_168 : memref<64x128xf32, #tpu.memory_space<hbm>>) dst(%dma_wait3A_165 : memref<64x128xf32, #tpu.memory_space<vmem>>)
      %dma_wait3A_169 = arith.constant 0 : i32
      %dma_wait3A_170 = arith.constant 0 : i32
      %dma_wait3A_171 = arith.constant 0 : i32
      %dma_wait3A_172 = tpu.memref_slice %arg13[%dma_wait3A_169, %dma_wait3A_170, %dma_wait3A_171] : memref<5x64x128xf32, #tpu.memory_space<vmem>> -> memref<1x64x128xf32, #tpu.memory_space<vmem>>
      %dma_wait3A_173 = tpu.memref_squeeze %dma_wait3A_172 : memref<1x64x128xf32, #tpu.memory_space<vmem>> -> memref<64x128xf32, #tpu.memory_space<vmem>>
      %dma_wait3A_174 = arith.constant 0 : i32
      %dma_wait3A_175 = arith.constant 0 : i32
      %dma_wait3A_176 = tpu.memref_slice %arg4[%dma_wait3A_174, %dma_wait3A_175] : memref<100000x128xf32, #tpu.memory_space<hbm>> -> memref<64x128xf32, #tpu.memory_space<hbm>>
      %dma_wait3A_177 = arith.constant 0 : i32
      %dma_wait3A_178 = arith.constant 0 : i32
      %dma_wait3A_179 = tpu.memref_slice %arg13[%dma_wait3A_169, %dma_wait3A_177, %dma_wait3A_178] : memref<5x64x128xf32, #tpu.memory_space<vmem>> -> memref<1x64x128xf32, #tpu.memory_space<vmem>>
      %dma_wait3A_180 = tpu.memref_squeeze %dma_wait3A_179 : memref<1x64x128xf32, #tpu.memory_space<vmem>> -> memref<64x128xf32, #tpu.memory_space<vmem>>
      %dma_wait3A_181 = arith.constant 0 : i32
      %dma_wait3A_182 = arith.constant 0 : i32
      %dma_wait3A_183 = tpu.memref_slice %arg4[%dma_wait3A_181, %dma_wait3A_182] : memref<100000x128xf32, #tpu.memory_space<hbm>> -> memref<64x128xf32, #tpu.memory_space<hbm>>
      tpu.wait_dma2 semaphore(%arg21 : memref<!tpu.dma_semaphore, #tpu.memory_space<semaphore_mem>>) src(%dma_wait3A_183 : memref<64x128xf32, #tpu.memory_space<hbm>>) dst(%dma_wait3A_180 : memref<64x128xf32, #tpu.memory_space<vmem>>)
      %scan3A_184 = arith.constant 0 : i32
      %scan3A_185 = arith.constant 0 : i32
      %scan3A_186 = arith.constant 32 : i32
      %scan3A_187 = arith.addi %scan3A_185, %scan3A_186 : i32
      %scan3A_188 = arith.constant 1 : i32
      %scan3A_189 = scf.for %scan3A_492 = %scan3A_185 to %scan3A_187 step %scan3A_188 iter_args(%scan3A_493 = %scan3A_184) -> (i32)  : i32 {
        %mul3A_494 = arith.constant 2 : i32
        %mul3A_495 = arith.muli %scan3A_492, %mul3A_494 : i32
        %add3A_496 = arith.constant 0 : i32
        %add3A_497 = arith.addi %mul3A_495, %add3A_496 : i32
        %mul3A_498 = arith.constant 2 : i32
        %mul3A_499 = arith.muli %scan3A_492, %mul3A_498 : i32
        %add3A_500 = arith.constant 0 : i32
        %add3A_501 = arith.addi %mul3A_499, %add3A_500 : i32
        %get3A = arith.constant 0 : i32
        %get3A_502 = arith.index_cast %get3A : i32 to index
        %get3A_503 = arith.index_cast %add3A_501 : i32 to index
        %get3A_504 = arith.constant 0 : index
        %get3A_505 = tpu.vector_load %arg14[%get3A_502, %get3A_503, %get3A_504] {strides = array<i32>} : memref<5x64x128xf32, #tpu.memory_space<vmem>>, vector<1x1x16xf32>,
        %get3A_506 = vector.shape_cast %get3A_505 : vector<1x1x16xf32> to vector<16xf32>
        %swap3A = arith.constant 0 : i32
        %swap3A_507 = arith.index_cast %swap3A : i32 to index
        %swap3A_508 = arith.index_cast %add3A_497 : i32 to index
        %swap3A_509 = arith.constant 0 : index
        %swap3A_510 = tpu.vector_load %arg13[%swap3A_507, %swap3A_508, %swap3A_509] {strides = array<i32>} : memref<5x64x128xf32, #tpu.memory_space<vmem>>, vector<1x1x16xf32>,
        %swap3A_511 = vector.shape_cast %swap3A_510 : vector<1x1x16xf32> to vector<16xf32>
        %swap3A_512 = vector.shape_cast %get3A_506 : vector<16xf32> to vector<1x1x16xf32>
        tpu.vector_store %arg13[%swap3A_507, %swap3A_508, %swap3A_509], %swap3A_512 {add = true, strides = array<i32>} : memref<5x64x128xf32, #tpu.memory_space<vmem>>, vector<1x1x16xf32>,
        %mul3A_513 = arith.constant 2 : i32
        %mul3A_514 = arith.muli %scan3A_492, %mul3A_513 : i32
        %add3A_515 = arith.constant 0 : i32
        %add3A_516 = arith.addi %mul3A_514, %add3A_515 : i32
        %mul3A_517 = arith.constant 2 : i32
        %mul3A_518 = arith.muli %scan3A_492, %mul3A_517 : i32
        %add3A_519 = arith.constant 0 : i32
        %add3A_520 = arith.addi %mul3A_518, %add3A_519 : i32
        %get3A_521 = arith.constant 0 : i32
        %get3A_522 = arith.index_cast %get3A_521 : i32 to index
        %get3A_523 = arith.index_cast %add3A_520 : i32 to index
        %get3A_524 = arith.constant 16 : index
        %get3A_525 = tpu.vector_load %arg14[%get3A_522, %get3A_523, %get3A_524] {strides = array<i32>} : memref<5x64x128xf32, #tpu.memory_space<vmem>>, vector<1x1x16xf32>,
        %get3A_526 = vector.shape_cast %get3A_525 : vector<1x1x16xf32> to vector<16xf32>
        %swap3A_527 = arith.constant 0 : i32
        %swap3A_528 = arith.index_cast %swap3A_527 : i32 to index
        %swap3A_529 = arith.index_cast %add3A_516 : i32 to index
        %swap3A_530 = arith.constant 16 : index
        %swap3A_531 = tpu.vector_load %arg13[%swap3A_528, %swap3A_529, %swap3A_530] {strides = array<i32>} : memref<5x64x128xf32, #tpu.memory_space<vmem>>, vector<1x1x16xf32>,
        %swap3A_532 = vector.shape_cast %swap3A_531 : vector<1x1x16xf32> to vector<16xf32>
        %swap3A_533 = vector.shape_cast %get3A_526 : vector<16xf32> to vector<1x1x16xf32>
        tpu.vector_store %arg13[%swap3A_528, %swap3A_529, %swap3A_530], %swap3A_533 {add = true, strides = array<i32>} : memref<5x64x128xf32, #tpu.memory_space<vmem>>, vector<1x1x16xf32>,
        %mul3A_534 = arith.constant 2 : i32
        %mul3A_535 = arith.muli %scan3A_492, %mul3A_534 : i32
        %add3A_536 = arith.constant 0 : i32
        %add3A_537 = arith.addi %mul3A_535, %add3A_536 : i32
        %mul3A_538 = arith.constant 2 : i32
        %mul3A_539 = arith.muli %scan3A_492, %mul3A_538 : i32
        %add3A_540 = arith.constant 0 : i32
        %add3A_541 = arith.addi %mul3A_539, %add3A_540 : i32
        %get3A_542 = arith.constant 0 : i32
        %get3A_543 = arith.index_cast %get3A_542 : i32 to index
        %get3A_544 = arith.index_cast %add3A_541 : i32 to index
        %get3A_545 = arith.constant 32 : index
        %get3A_546 = tpu.vector_load %arg14[%get3A_543, %get3A_544, %get3A_545] {strides = array<i32>} : memref<5x64x128xf32, #tpu.memory_space<vmem>>, vector<1x1x16xf32>,
        %get3A_547 = vector.shape_cast %get3A_546 : vector<1x1x16xf32> to vector<16xf32>
        %swap3A_548 = arith.constant 0 : i32
        %swap3A_549 = arith.index_cast %swap3A_548 : i32 to index
        %swap3A_550 = arith.index_cast %add3A_537 : i32 to index
        %swap3A_551 = arith.constant 32 : index
        %swap3A_552 = tpu.vector_load %arg13[%swap3A_549, %swap3A_550, %swap3A_551] {strides = array<i32>} : memref<5x64x128xf32, #tpu.memory_space<vmem>>, vector<1x1x16xf32>,
        %swap3A_553 = vector.shape_cast %swap3A_552 : vector<1x1x16xf32> to vector<16xf32>
        %swap3A_554 = vector.shape_cast %get3A_547 : vector<16xf32> to vector<1x1x16xf32>
        tpu.vector_store %arg13[%swap3A_549, %swap3A_550, %swap3A_551], %swap3A_554 {add = true, strides = array<i32>} : memref<5x64x128xf32, #tpu.memory_space<vmem>>, vector<1x1x16xf32>,
        %mul3A_555 = arith.constant 2 : i32
        %mul3A_556 = arith.muli %scan3A_492, %mul3A_555 : i32
        %add3A_557 = arith.constant 0 : i32
        %add3A_558 = arith.addi %mul3A_556, %add3A_557 : i32
        %mul3A_559 = arith.constant 2 : i32
        %mul3A_560 = arith.muli %scan3A_492, %mul3A_559 : i32
        %add3A_561 = arith.constant 0 : i32
        %add3A_562 = arith.addi %mul3A_560, %add3A_561 : i32
        %get3A_563 = arith.constant 0 : i32
        %get3A_564 = arith.index_cast %get3A_563 : i32 to index
        %get3A_565 = arith.index_cast %add3A_562 : i32 to index
        %get3A_566 = arith.constant 48 : index
        %get3A_567 = tpu.vector_load %arg14[%get3A_564, %get3A_565, %get3A_566] {strides = array<i32>} : memref<5x64x128xf32, #tpu.memory_space<vmem>>, vector<1x1x16xf32>,
        %get3A_568 = vector.shape_cast %get3A_567 : vector<1x1x16xf32> to vector<16xf32>
        %swap3A_569 = arith.constant 0 : i32
        %swap3A_570 = arith.index_cast %swap3A_569 : i32 to index
        %swap3A_571 = arith.index_cast %add3A_558 : i32 to index
        %swap3A_572 = arith.constant 48 : index
        %swap3A_573 = tpu.vector_load %arg13[%swap3A_570, %swap3A_571, %swap3A_572] {strides = array<i32>} : memref<5x64x128xf32, #tpu.memory_space<vmem>>, vector<1x1x16xf32>,
        %swap3A_574 = vector.shape_cast %swap3A_573 : vector<1x1x16xf32> to vector<16xf32>
        %swap3A_575 = vector.shape_cast %get3A_568 : vector<16xf32> to vector<1x1x16xf32>
        tpu.vector_store %arg13[%swap3A_570, %swap3A_571, %swap3A_572], %swap3A_575 {add = true, strides = array<i32>} : memref<5x64x128xf32, #tpu.memory_space<vmem>>, vector<1x1x16xf32>,
        %mul3A_576 = arith.constant 2 : i32
        %mul3A_577 = arith.muli %scan3A_492, %mul3A_576 : i32
        %add3A_578 = arith.constant 0 : i32
        %add3A_579 = arith.addi %mul3A_577, %add3A_578 : i32
        %mul3A_580 = arith.constant 2 : i32
        %mul3A_581 = arith.muli %scan3A_492, %mul3A_580 : i32
        %add3A_582 = arith.constant 0 : i32
        %add3A_583 = arith.addi %mul3A_581, %add3A_582 : i32
        %get3A_584 = arith.constant 0 : i32
        %get3A_585 = arith.index_cast %get3A_584 : i32 to index
        %get3A_586 = arith.index_cast %add3A_583 : i32 to index
        %get3A_587 = arith.constant 64 : index
        %get3A_588 = tpu.vector_load %arg14[%get3A_585, %get3A_586, %get3A_587] {strides = array<i32>} : memref<5x64x128xf32, #tpu.memory_space<vmem>>, vector<1x1x16xf32>,
        %get3A_589 = vector.shape_cast %get3A_588 : vector<1x1x16xf32> to vector<16xf32>
        %swap3A_590 = arith.constant 0 : i32
        %swap3A_591 = arith.index_cast %swap3A_590 : i32 to index
        %swap3A_592 = arith.index_cast %add3A_579 : i32 to index
        %swap3A_593 = arith.constant 64 : index
        %swap3A_594 = tpu.vector_load %arg13[%swap3A_591, %swap3A_592, %swap3A_593] {strides = array<i32>} : memref<5x64x128xf32, #tpu.memory_space<vmem>>, vector<1x1x16xf32>,
        %swap3A_595 = vector.shape_cast %swap3A_594 : vector<1x1x16xf32> to vector<16xf32>
        %swap3A_596 = vector.shape_cast %get3A_589 : vector<16xf32> to vector<1x1x16xf32>
        tpu.vector_store %arg13[%swap3A_591, %swap3A_592, %swap3A_593], %swap3A_596 {add = true, strides = array<i32>} : memref<5x64x128xf32, #tpu.memory_space<vmem>>, vector<1x1x16xf32>,
        %mul3A_597 = arith.constant 2 : i32
        %mul3A_598 = arith.muli %scan3A_492, %mul3A_597 : i32
        %add3A_599 = arith.constant 0 : i32
        %add3A_600 = arith.addi %mul3A_598, %add3A_599 : i32
        %mul3A_601 = arith.constant 2 : i32
        %mul3A_602 = arith.muli %scan3A_492, %mul3A_601 : i32
        %add3A_603 = arith.constant 0 : i32
        %add3A_604 = arith.addi %mul3A_602, %add3A_603 : i32
        %get3A_605 = arith.constant 0 : i32
        %get3A_606 = arith.index_cast %get3A_605 : i32 to index
        %get3A_607 = arith.index_cast %add3A_604 : i32 to index
        %get3A_608 = arith.constant 80 : index
        %get3A_609 = tpu.vector_load %arg14[%get3A_606, %get3A_607, %get3A_608] {strides = array<i32>} : memref<5x64x128xf32, #tpu.memory_space<vmem>>, vector<1x1x16xf32>,
        %get3A_610 = vector.shape_cast %get3A_609 : vector<1x1x16xf32> to vector<16xf32>
        %swap3A_611 = arith.constant 0 : i32
        %swap3A_612 = arith.index_cast %swap3A_611 : i32 to index
        %swap3A_613 = arith.index_cast %add3A_600 : i32 to index
        %swap3A_614 = arith.constant 80 : index
        %swap3A_615 = tpu.vector_load %arg13[%swap3A_612, %swap3A_613, %swap3A_614] {strides = array<i32>} : memref<5x64x128xf32, #tpu.memory_space<vmem>>, vector<1x1x16xf32>,
        %swap3A_616 = vector.shape_cast %swap3A_615 : vector<1x1x16xf32> to vector<16xf32>
        %swap3A_617 = vector.shape_cast %get3A_610 : vector<16xf32> to vector<1x1x16xf32>
        tpu.vector_store %arg13[%swap3A_612, %swap3A_613, %swap3A_614], %swap3A_617 {add = true, strides = array<i32>} : memref<5x64x128xf32, #tpu.memory_space<vmem>>, vector<1x1x16xf32>,
        %mul3A_618 = arith.constant 2 : i32
        %mul3A_619 = arith.muli %scan3A_492, %mul3A_618 : i32
        %add3A_620 = arith.constant 0 : i32
        %add3A_621 = arith.addi %mul3A_619, %add3A_620 : i32
        %mul3A_622 = arith.constant 2 : i32
        %mul3A_623 = arith.muli %scan3A_492, %mul3A_622 : i32
        %add3A_624 = arith.constant 0 : i32
        %add3A_625 = arith.addi %mul3A_623, %add3A_624 : i32
        %get3A_626 = arith.constant 0 : i32
        %get3A_627 = arith.index_cast %get3A_626 : i32 to index
        %get3A_628 = arith.index_cast %add3A_625 : i32 to index
        %get3A_629 = arith.constant 96 : index
        %get3A_630 = tpu.vector_load %arg14[%get3A_627, %get3A_628, %get3A_629] {strides = array<i32>} : memref<5x64x128xf32, #tpu.memory_space<vmem>>, vector<1x1x16xf32>,
        %get3A_631 = vector.shape_cast %get3A_630 : vector<1x1x16xf32> to vector<16xf32>
        %swap3A_632 = arith.constant 0 : i32
        %swap3A_633 = arith.index_cast %swap3A_632 : i32 to index
        %swap3A_634 = arith.index_cast %add3A_621 : i32 to index
        %swap3A_635 = arith.constant 96 : index
        %swap3A_636 = tpu.vector_load %arg13[%swap3A_633, %swap3A_634, %swap3A_635] {strides = array<i32>} : memref<5x64x128xf32, #tpu.memory_space<vmem>>, vector<1x1x16xf32>,
        %swap3A_637 = vector.shape_cast %swap3A_636 : vector<1x1x16xf32> to vector<16xf32>
        %swap3A_638 = vector.shape_cast %get3A_631 : vector<16xf32> to vector<1x1x16xf32>
        tpu.vector_store %arg13[%swap3A_633, %swap3A_634, %swap3A_635], %swap3A_638 {add = true, strides = array<i32>} : memref<5x64x128xf32, #tpu.memory_space<vmem>>, vector<1x1x16xf32>,
        %mul3A_639 = arith.constant 2 : i32
        %mul3A_640 = arith.muli %scan3A_492, %mul3A_639 : i32
        %add3A_641 = arith.constant 0 : i32
        %add3A_642 = arith.addi %mul3A_640, %add3A_641 : i32
        %mul3A_643 = arith.constant 2 : i32
        %mul3A_644 = arith.muli %scan3A_492, %mul3A_643 : i32
        %add3A_645 = arith.constant 0 : i32
        %add3A_646 = arith.addi %mul3A_644, %add3A_645 : i32
        %get3A_647 = arith.constant 0 : i32
        %get3A_648 = arith.index_cast %get3A_647 : i32 to index
        %get3A_649 = arith.index_cast %add3A_646 : i32 to index
        %get3A_650 = arith.constant 112 : index
        %get3A_651 = tpu.vector_load %arg14[%get3A_648, %get3A_649, %get3A_650] {strides = array<i32>} : memref<5x64x128xf32, #tpu.memory_space<vmem>>, vector<1x1x16xf32>,
        %get3A_652 = vector.shape_cast %get3A_651 : vector<1x1x16xf32> to vector<16xf32>
        %swap3A_653 = arith.constant 0 : i32
        %swap3A_654 = arith.index_cast %swap3A_653 : i32 to index
        %swap3A_655 = arith.index_cast %add3A_642 : i32 to index
        %swap3A_656 = arith.constant 112 : index
        %swap3A_657 = tpu.vector_load %arg13[%swap3A_654, %swap3A_655, %swap3A_656] {strides = array<i32>} : memref<5x64x128xf32, #tpu.memory_space<vmem>>, vector<1x1x16xf32>,
        %swap3A_658 = vector.shape_cast %swap3A_657 : vector<1x1x16xf32> to vector<16xf32>
        %swap3A_659 = vector.shape_cast %get3A_652 : vector<16xf32> to vector<1x1x16xf32>
        tpu.vector_store %arg13[%swap3A_654, %swap3A_655, %swap3A_656], %swap3A_659 {add = true, strides = array<i32>} : memref<5x64x128xf32, #tpu.memory_space<vmem>>, vector<1x1x16xf32>,
        %mul3A_660 = arith.constant 2 : i32
        %mul3A_661 = arith.muli %scan3A_492, %mul3A_660 : i32
        %add3A_662 = arith.constant 1 : i32
        %add3A_663 = arith.addi %mul3A_661, %add3A_662 : i32
        %mul3A_664 = arith.constant 2 : i32
        %mul3A_665 = arith.muli %scan3A_492, %mul3A_664 : i32
        %add3A_666 = arith.constant 1 : i32
        %add3A_667 = arith.addi %mul3A_665, %add3A_666 : i32
        %get3A_668 = arith.constant 0 : i32
        %get3A_669 = arith.index_cast %get3A_668 : i32 to index
        %get3A_670 = arith.index_cast %add3A_667 : i32 to index
        %get3A_671 = arith.constant 0 : index
        %get3A_672 = tpu.vector_load %arg14[%get3A_669, %get3A_670, %get3A_671] {strides = array<i32>} : memref<5x64x128xf32, #tpu.memory_space<vmem>>, vector<1x1x16xf32>,
        %get3A_673 = vector.shape_cast %get3A_672 : vector<1x1x16xf32> to vector<16xf32>
        %swap3A_674 = arith.constant 0 : i32
        %swap3A_675 = arith.index_cast %swap3A_674 : i32 to index
        %swap3A_676 = arith.index_cast %add3A_663 : i32 to index
        %swap3A_677 = arith.constant 0 : index
        %swap3A_678 = tpu.vector_load %arg13[%swap3A_675, %swap3A_676, %swap3A_677] {strides = array<i32>} : memref<5x64x128xf32, #tpu.memory_space<vmem>>, vector<1x1x16xf32>,
        %swap3A_679 = vector.shape_cast %swap3A_678 : vector<1x1x16xf32> to vector<16xf32>
        %swap3A_680 = vector.shape_cast %get3A_673 : vector<16xf32> to vector<1x1x16xf32>
        tpu.vector_store %arg13[%swap3A_675, %swap3A_676, %swap3A_677], %swap3A_680 {add = true, strides = array<i32>} : memref<5x64x128xf32, #tpu.memory_space<vmem>>, vector<1x1x16xf32>,
        %mul3A_681 = arith.constant 2 : i32
        %mul3A_682 = arith.muli %scan3A_492, %mul3A_681 : i32
        %add3A_683 = arith.constant 1 : i32
        %add3A_684 = arith.addi %mul3A_682, %add3A_683 : i32
        %mul3A_685 = arith.constant 2 : i32
        %mul3A_686 = arith.muli %scan3A_492, %mul3A_685 : i32
        %add3A_687 = arith.constant 1 : i32
        %add3A_688 = arith.addi %mul3A_686, %add3A_687 : i32
        %get3A_689 = arith.constant 0 : i32
        %get3A_690 = arith.index_cast %get3A_689 : i32 to index
        %get3A_691 = arith.index_cast %add3A_688 : i32 to index
        %get3A_692 = arith.constant 16 : index
        %get3A_693 = tpu.vector_load %arg14[%get3A_690, %get3A_691, %get3A_692] {strides = array<i32>} : memref<5x64x128xf32, #tpu.memory_space<vmem>>, vector<1x1x16xf32>,
        %get3A_694 = vector.shape_cast %get3A_693 : vector<1x1x16xf32> to vector<16xf32>
        %swap3A_695 = arith.constant 0 : i32
        %swap3A_696 = arith.index_cast %swap3A_695 : i32 to index
        %swap3A_697 = arith.index_cast %add3A_684 : i32 to index
        %swap3A_698 = arith.constant 16 : index
        %swap3A_699 = tpu.vector_load %arg13[%swap3A_696, %swap3A_697, %swap3A_698] {strides = array<i32>} : memref<5x64x128xf32, #tpu.memory_space<vmem>>, vector<1x1x16xf32>,
        %swap3A_700 = vector.shape_cast %swap3A_699 : vector<1x1x16xf32> to vector<16xf32>
        %swap3A_701 = vector.shape_cast %get3A_694 : vector<16xf32> to vector<1x1x16xf32>
        tpu.vector_store %arg13[%swap3A_696, %swap3A_697, %swap3A_698], %swap3A_701 {add = true, strides = array<i32>} : memref<5x64x128xf32, #tpu.memory_space<vmem>>, vector<1x1x16xf32>,
        %mul3A_702 = arith.constant 2 : i32
        %mul3A_703 = arith.muli %scan3A_492, %mul3A_702 : i32
        %add3A_704 = arith.constant 1 : i32
        %add3A_705 = arith.addi %mul3A_703, %add3A_704 : i32
        %mul3A_706 = arith.constant 2 : i32
        %mul3A_707 = arith.muli %scan3A_492, %mul3A_706 : i32
        %add3A_708 = arith.constant 1 : i32
        %add3A_709 = arith.addi %mul3A_707, %add3A_708 : i32
        %get3A_710 = arith.constant 0 : i32
        %get3A_711 = arith.index_cast %get3A_710 : i32 to index
        %get3A_712 = arith.index_cast %add3A_709 : i32 to index
        %get3A_713 = arith.constant 32 : index
        %get3A_714 = tpu.vector_load %arg14[%get3A_711, %get3A_712, %get3A_713] {strides = array<i32>} : memref<5x64x128xf32, #tpu.memory_space<vmem>>, vector<1x1x16xf32>,
        %get3A_715 = vector.shape_cast %get3A_714 : vector<1x1x16xf32> to vector<16xf32>
        %swap3A_716 = arith.constant 0 : i32
        %swap3A_717 = arith.index_cast %swap3A_716 : i32 to index
        %swap3A_718 = arith.index_cast %add3A_705 : i32 to index
        %swap3A_719 = arith.constant 32 : index
        %swap3A_720 = tpu.vector_load %arg13[%swap3A_717, %swap3A_718, %swap3A_719] {strides = array<i32>} : memref<5x64x128xf32, #tpu.memory_space<vmem>>, vector<1x1x16xf32>,
        %swap3A_721 = vector.shape_cast %swap3A_720 : vector<1x1x16xf32> to vector<16xf32>
        %swap3A_722 = vector.shape_cast %get3A_715 : vector<16xf32> to vector<1x1x16xf32>
        tpu.vector_store %arg13[%swap3A_717, %swap3A_718, %swap3A_719], %swap3A_722 {add = true, strides = array<i32>} : memref<5x64x128xf32, #tpu.memory_space<vmem>>, vector<1x1x16xf32>,
        %mul3A_723 = arith.constant 2 : i32
        %mul3A_724 = arith.muli %scan3A_492, %mul3A_723 : i32
        %add3A_725 = arith.constant 1 : i32
        %add3A_726 = arith.addi %mul3A_724, %add3A_725 : i32
        %mul3A_727 = arith.constant 2 : i32
        %mul3A_728 = arith.muli %scan3A_492, %mul3A_727 : i32
        %add3A_729 = arith.constant 1 : i32
        %add3A_730 = arith.addi %mul3A_728, %add3A_729 : i32
        %get3A_731 = arith.constant 0 : i32
        %get3A_732 = arith.index_cast %get3A_731 : i32 to index
        %get3A_733 = arith.index_cast %add3A_730 : i32 to index
        %get3A_734 = arith.constant 48 : index
        %get3A_735 = tpu.vector_load %arg14[%get3A_732, %get3A_733, %get3A_734] {strides = array<i32>} : memref<5x64x128xf32, #tpu.memory_space<vmem>>, vector<1x1x16xf32>,
        %get3A_736 = vector.shape_cast %get3A_735 : vector<1x1x16xf32> to vector<16xf32>
        %swap3A_737 = arith.constant 0 : i32
        %swap3A_738 = arith.index_cast %swap3A_737 : i32 to index
        %swap3A_739 = arith.index_cast %add3A_726 : i32 to index
        %swap3A_740 = arith.constant 48 : index
        %swap3A_741 = tpu.vector_load %arg13[%swap3A_738, %swap3A_739, %swap3A_740] {strides = array<i32>} : memref<5x64x128xf32, #tpu.memory_space<vmem>>, vector<1x1x16xf32>,
        %swap3A_742 = vector.shape_cast %swap3A_741 : vector<1x1x16xf32> to vector<16xf32>
        %swap3A_743 = vector.shape_cast %get3A_736 : vector<16xf32> to vector<1x1x16xf32>
        tpu.vector_store %arg13[%swap3A_738, %swap3A_739, %swap3A_740], %swap3A_743 {add = true, strides = array<i32>} : memref<5x64x128xf32, #tpu.memory_space<vmem>>, vector<1x1x16xf32>,
        %mul3A_744 = arith.constant 2 : i32
        %mul3A_745 = arith.muli %scan3A_492, %mul3A_744 : i32
        %add3A_746 = arith.constant 1 : i32
        %add3A_747 = arith.addi %mul3A_745, %add3A_746 : i32
        %mul3A_748 = arith.constant 2 : i32
        %mul3A_749 = arith.muli %scan3A_492, %mul3A_748 : i32
        %add3A_750 = arith.constant 1 : i32
        %add3A_751 = arith.addi %mul3A_749, %add3A_750 : i32
        %get3A_752 = arith.constant 0 : i32
        %get3A_753 = arith.index_cast %get3A_752 : i32 to index
        %get3A_754 = arith.index_cast %add3A_751 : i32 to index
        %get3A_755 = arith.constant 64 : index
        %get3A_756 = tpu.vector_load %arg14[%get3A_753, %get3A_754, %get3A_755] {strides = array<i32>} : memref<5x64x128xf32, #tpu.memory_space<vmem>>, vector<1x1x16xf32>,
        %get3A_757 = vector.shape_cast %get3A_756 : vector<1x1x16xf32> to vector<16xf32>
        %swap3A_758 = arith.constant 0 : i32
        %swap3A_759 = arith.index_cast %swap3A_758 : i32 to index
        %swap3A_760 = arith.index_cast %add3A_747 : i32 to index
        %swap3A_761 = arith.constant 64 : index
        %swap3A_762 = tpu.vector_load %arg13[%swap3A_759, %swap3A_760, %swap3A_761] {strides = array<i32>} : memref<5x64x128xf32, #tpu.memory_space<vmem>>, vector<1x1x16xf32>,
        %swap3A_763 = vector.shape_cast %swap3A_762 : vector<1x1x16xf32> to vector<16xf32>
        %swap3A_764 = vector.shape_cast %get3A_757 : vector<16xf32> to vector<1x1x16xf32>
        tpu.vector_store %arg13[%swap3A_759, %swap3A_760, %swap3A_761], %swap3A_764 {add = true, strides = array<i32>} : memref<5x64x128xf32, #tpu.memory_space<vmem>>, vector<1x1x16xf32>,
        %mul3A_765 = arith.constant 2 : i32
        %mul3A_766 = arith.muli %scan3A_492, %mul3A_765 : i32
        %add3A_767 = arith.constant 1 : i32
        %add3A_768 = arith.addi %mul3A_766, %add3A_767 : i32
        %mul3A_769 = arith.constant 2 : i32
        %mul3A_770 = arith.muli %scan3A_492, %mul3A_769 : i32
        %add3A_771 = arith.constant 1 : i32
        %add3A_772 = arith.addi %mul3A_770, %add3A_771 : i32
        %get3A_773 = arith.constant 0 : i32
        %get3A_774 = arith.index_cast %get3A_773 : i32 to index
        %get3A_775 = arith.index_cast %add3A_772 : i32 to index
        %get3A_776 = arith.constant 80 : index
        %get3A_777 = tpu.vector_load %arg14[%get3A_774, %get3A_775, %get3A_776] {strides = array<i32>} : memref<5x64x128xf32, #tpu.memory_space<vmem>>, vector<1x1x16xf32>,
        %get3A_778 = vector.shape_cast %get3A_777 : vector<1x1x16xf32> to vector<16xf32>
        %swap3A_779 = arith.constant 0 : i32
        %swap3A_780 = arith.index_cast %swap3A_779 : i32 to index
        %swap3A_781 = arith.index_cast %add3A_768 : i32 to index
        %swap3A_782 = arith.constant 80 : index
        %swap3A_783 = tpu.vector_load %arg13[%swap3A_780, %swap3A_781, %swap3A_782] {strides = array<i32>} : memref<5x64x128xf32, #tpu.memory_space<vmem>>, vector<1x1x16xf32>,
        %swap3A_784 = vector.shape_cast %swap3A_783 : vector<1x1x16xf32> to vector<16xf32>
        %swap3A_785 = vector.shape_cast %get3A_778 : vector<16xf32> to vector<1x1x16xf32>
        tpu.vector_store %arg13[%swap3A_780, %swap3A_781, %swap3A_782], %swap3A_785 {add = true, strides = array<i32>} : memref<5x64x128xf32, #tpu.memory_space<vmem>>, vector<1x1x16xf32>,
        %mul3A_786 = arith.constant 2 : i32
        %mul3A_787 = arith.muli %scan3A_492, %mul3A_786 : i32
        %add3A_788 = arith.constant 1 : i32
        %add3A_789 = arith.addi %mul3A_787, %add3A_788 : i32
        %mul3A_790 = arith.constant 2 : i32
        %mul3A_791 = arith.muli %scan3A_492, %mul3A_790 : i32
        %add3A_792 = arith.constant 1 : i32
        %add3A_793 = arith.addi %mul3A_791, %add3A_792 : i32
        %get3A_794 = arith.constant 0 : i32
        %get3A_795 = arith.index_cast %get3A_794 : i32 to index
        %get3A_796 = arith.index_cast %add3A_793 : i32 to index
        %get3A_797 = arith.constant 96 : index
        %get3A_798 = tpu.vector_load %arg14[%get3A_795, %get3A_796, %get3A_797] {strides = array<i32>} : memref<5x64x128xf32, #tpu.memory_space<vmem>>, vector<1x1x16xf32>,
        %get3A_799 = vector.shape_cast %get3A_798 : vector<1x1x16xf32> to vector<16xf32>
        %swap3A_800 = arith.constant 0 : i32
        %swap3A_801 = arith.index_cast %swap3A_800 : i32 to index
        %swap3A_802 = arith.index_cast %add3A_789 : i32 to index
        %swap3A_803 = arith.constant 96 : index
        %swap3A_804 = tpu.vector_load %arg13[%swap3A_801, %swap3A_802, %swap3A_803] {strides = array<i32>} : memref<5x64x128xf32, #tpu.memory_space<vmem>>, vector<1x1x16xf32>,
        %swap3A_805 = vector.shape_cast %swap3A_804 : vector<1x1x16xf32> to vector<16xf32>
        %swap3A_806 = vector.shape_cast %get3A_799 : vector<16xf32> to vector<1x1x16xf32>
        tpu.vector_store %arg13[%swap3A_801, %swap3A_802, %swap3A_803], %swap3A_806 {add = true, strides = array<i32>} : memref<5x64x128xf32, #tpu.memory_space<vmem>>, vector<1x1x16xf32>,
        %mul3A_807 = arith.constant 2 : i32
        %mul3A_808 = arith.muli %scan3A_492, %mul3A_807 : i32
        %add3A_809 = arith.constant 1 : i32
        %add3A_810 = arith.addi %mul3A_808, %add3A_809 : i32
        %mul3A_811 = arith.constant 2 : i32
        %mul3A_812 = arith.muli %scan3A_492, %mul3A_811 : i32
        %add3A_813 = arith.constant 1 : i32
        %add3A_814 = arith.addi %mul3A_812, %add3A_813 : i32
        %get3A_815 = arith.constant 0 : i32
        %get3A_816 = arith.index_cast %get3A_815 : i32 to index
        %get3A_817 = arith.index_cast %add3A_814 : i32 to index
        %get3A_818 = arith.constant 112 : index
        %get3A_819 = tpu.vector_load %arg14[%get3A_816, %get3A_817, %get3A_818] {strides = array<i32>} : memref<5x64x128xf32, #tpu.memory_space<vmem>>, vector<1x1x16xf32>,
        %get3A_820 = vector.shape_cast %get3A_819 : vector<1x1x16xf32> to vector<16xf32>
        %swap3A_821 = arith.constant 0 : i32
        %swap3A_822 = arith.index_cast %swap3A_821 : i32 to index
        %swap3A_823 = arith.index_cast %add3A_810 : i32 to index
        %swap3A_824 = arith.constant 112 : index
        %swap3A_825 = tpu.vector_load %arg13[%swap3A_822, %swap3A_823, %swap3A_824] {strides = array<i32>} : memref<5x64x128xf32, #tpu.memory_space<vmem>>, vector<1x1x16xf32>,
        %swap3A_826 = vector.shape_cast %swap3A_825 : vector<1x1x16xf32> to vector<16xf32>
        %swap3A_827 = vector.shape_cast %get3A_820 : vector<16xf32> to vector<1x1x16xf32>
        tpu.vector_store %arg13[%swap3A_822, %swap3A_823, %swap3A_824], %swap3A_827 {add = true, strides = array<i32>} : memref<5x64x128xf32, #tpu.memory_space<vmem>>, vector<1x1x16xf32>,
        %scan3A_828 = arith.constant 0 : i32
        scf.yield %scan3A_828 : i32
      }
      %scan3A_190 = arith.constant 32 : i32
      %mul3A_191 = arith.constant 64 : i32
      %mul3A_192 = arith.muli %add3A_153, %mul3A_191 : i32
      %add3A_193 = arith.addi %mul3A_2, %mul3A_192 : i32
      %dma_start3A_194 = arith.constant 0 : i32
      %dma_start3A_195 = arith.constant 0 : i32
      %dma_start3A_196 = arith.constant 0 : i32
      %dma_start3A_197 = tpu.memref_slice %arg13[%dma_start3A_194, %dma_start3A_195, %dma_start3A_196] : memref<5x64x128xf32, #tpu.memory_space<vmem>> -> memref<1x64x128xf32, #tpu.memory_space<vmem>>
      %dma_start3A_198 = tpu.memref_squeeze %dma_start3A_197 : memref<1x64x128xf32, #tpu.memory_space<vmem>> -> memref<64x128xf32, #tpu.memory_space<vmem>>
      %dma_start3A_199 = arith.constant 0 : i32
      %dma_start3A_200 = tpu.memref_slice %arg6[%add3A_193, %dma_start3A_199] : memref<204800x128xf32, #tpu.memory_space<hbm>> -> memref<64x128xf32, #tpu.memory_space<hbm>>
      %dma_start3A_201 = arith.constant 0 : i32
      %dma_start3A_202 = tpu.memref_slice %arg6[%add3A_193, %dma_start3A_201] : memref<204800x128xf32, #tpu.memory_space<hbm>> -> memref<64x128xf32, #tpu.memory_space<hbm>>
      %dma_start3A_203 = arith.constant 0 : i32
      %dma_start3A_204 = arith.constant 0 : i32
      %dma_start3A_205 = tpu.memref_slice %arg13[%dma_start3A_194, %dma_start3A_203, %dma_start3A_204] : memref<5x64x128xf32, #tpu.memory_space<vmem>> -> memref<1x64x128xf32, #tpu.memory_space<vmem>>
      %dma_start3A_206 = tpu.memref_squeeze %dma_start3A_205 : memref<1x64x128xf32, #tpu.memory_space<vmem>> -> memref<64x128xf32, #tpu.memory_space<vmem>>
      tpu.enqueue_dma source(%dma_start3A_206 : memref<64x128xf32, #tpu.memory_space<vmem>>) target(%dma_start3A_202 : memref<64x128xf32, #tpu.memory_space<hbm>>) target_semaphore(%arg26 : memref<!tpu.dma_semaphore, #tpu.memory_space<semaphore_mem>>)
      %add3A_207 = arith.constant 4 : i32
      %add3A_208 = arith.addi %add3A_153, %add3A_207 : i32
      %ge3A = arith.constant 1 : i32
      %ge3A_209 = arith.cmpi sge, %add3A_153, %ge3A : i32
      %convert_element_type3A = arith.extui %ge3A_209 : i1 to i32
      %cond3A = arith.constant 0 : i32
      %cond3A_210 = arith.cmpi ne, %convert_element_type3A, %cond3A : i32
      scf.if %cond3A_210 {
        %dma_wait3A_492 = arith.constant 0 : i32
        %dma_wait3A_493 = arith.constant 0 : i32
        %dma_wait3A_494 = arith.constant 0 : i32
        %dma_wait3A_495 = tpu.memref_slice %arg13[%dma_wait3A_492, %dma_wait3A_493, %dma_wait3A_494] : memref<5x64x128xf32, #tpu.memory_space<vmem>> -> memref<1x64x128xf32, #tpu.memory_space<vmem>>
        %dma_wait3A_496 = tpu.memref_squeeze %dma_wait3A_495 : memref<1x64x128xf32, #tpu.memory_space<vmem>> -> memref<64x128xf32, #tpu.memory_space<vmem>>
        %dma_wait3A_497 = arith.constant 0 : i32
        %dma_wait3A_498 = arith.constant 0 : i32
        %dma_wait3A_499 = tpu.memref_slice %arg4[%dma_wait3A_497, %dma_wait3A_498] : memref<100000x128xf32, #tpu.memory_space<hbm>> -> memref<64x128xf32, #tpu.memory_space<hbm>>
        %dma_wait3A_500 = arith.constant 0 : i32
        %dma_wait3A_501 = arith.constant 0 : i32
        %dma_wait3A_502 = tpu.memref_slice %arg13[%dma_wait3A_492, %dma_wait3A_500, %dma_wait3A_501] : memref<5x64x128xf32, #tpu.memory_space<vmem>> -> memref<1x64x128xf32, #tpu.memory_space<vmem>>
        %dma_wait3A_503 = tpu.memref_squeeze %dma_wait3A_502 : memref<1x64x128xf32, #tpu.memory_space<vmem>> -> memref<64x128xf32, #tpu.memory_space<vmem>>
        %dma_wait3A_504 = arith.constant 0 : i32
        %dma_wait3A_505 = arith.constant 0 : i32
        %dma_wait3A_506 = tpu.memref_slice %arg4[%dma_wait3A_504, %dma_wait3A_505] : memref<100000x128xf32, #tpu.memory_space<hbm>> -> memref<64x128xf32, #tpu.memory_space<hbm>>
        tpu.wait_dma2 semaphore(%arg30 : memref<!tpu.dma_semaphore, #tpu.memory_space<semaphore_mem>>) src(%dma_wait3A_506 : memref<64x128xf32, #tpu.memory_space<hbm>>) dst(%dma_wait3A_503 : memref<64x128xf32, #tpu.memory_space<vmem>>)
      } else {
      }
      %lt3A = arith.constant 100 : i32
      %lt3A_211 = arith.cmpi slt, %add3A_208, %lt3A : i32
      %convert_element_type3A_212 = arith.extui %lt3A_211 : i1 to i32
      %cond3A_213 = arith.constant 0 : i32
      %cond3A_214 = arith.cmpi ne, %convert_element_type3A_212, %cond3A_213 : i32
      scf.if %cond3A_214 {
        %mul3A_492 = arith.constant 64 : i32
        %mul3A_493 = arith.muli %add3A_208, %mul3A_492 : i32
        %dma_start3A_494 = arith.constant 4 : i32
        %dma_start3A_495 = arith.constant 0 : i32
        %dma_start3A_496 = arith.constant 0 : i32
        %dma_start3A_497 = tpu.memref_slice %arg13[%dma_start3A_494, %dma_start3A_495, %dma_start3A_496] : memref<5x64x128xf32, #tpu.memory_space<vmem>> -> memref<1x64x128xf32, #tpu.memory_space<vmem>>
        %dma_start3A_498 = tpu.memref_squeeze %dma_start3A_497 : memref<1x64x128xf32, #tpu.memory_space<vmem>> -> memref<64x128xf32, #tpu.memory_space<vmem>>
        %dma_start3A_499 = tpu.memref_slice %arg11[%mul3A_493] : memref<6400xi32, #tpu.memory_space<vmem>> -> memref<64xi32, #tpu.memory_space<vmem>>
        %dma_start3A_500 = arith.constant 0 : i32
        %dma_start3A_501 = arith.constant 0 : i32
        %dma_start3A_502 = tpu.memref_slice %arg4[%dma_start3A_500, %dma_start3A_501] : memref<100000x128xf32, #tpu.memory_space<hbm>> -> memref<100000x128xf32, #tpu.memory_space<hbm>>
        tpu.enqueue_indirect_dma source(%dma_start3A_502 : memref<100000x128xf32, #tpu.memory_space<hbm>>) target(%dma_start3A_498 : memref<64x128xf32, #tpu.memory_space<vmem>>) offsets(%dma_start3A_499 : memref<64xi32, #tpu.memory_space<vmem>>) semaphore(%arg20 : memref<!tpu.dma_semaphore, #tpu.memory_space<semaphore_mem>>)
        %mul3A_503 = arith.constant 64 : i32
        %mul3A_504 = arith.muli %add3A_208, %mul3A_503 : i32
        %dma_start3A_505 = arith.constant 4 : i32
        %dma_start3A_506 = arith.constant 0 : i32
        %dma_start3A_507 = arith.constant 0 : i32
        %dma_start3A_508 = tpu.memref_slice %arg14[%dma_start3A_505, %dma_start3A_506, %dma_start3A_507] : memref<5x64x128xf32, #tpu.memory_space<vmem>> -> memref<1x64x128xf32, #tpu.memory_space<vmem>>
        %dma_start3A_509 = tpu.memref_squeeze %dma_start3A_508 : memref<1x64x128xf32, #tpu.memory_space<vmem>> -> memref<64x128xf32, #tpu.memory_space<vmem>>
        %dma_start3A_510 = tpu.memref_slice %arg12[%mul3A_504] : memref<6400xi32, #tpu.memory_space<vmem>> -> memref<64xi32, #tpu.memory_space<vmem>>
        %dma_start3A_511 = arith.constant 0 : i32
        %dma_start3A_512 = arith.constant 0 : i32
        %dma_start3A_513 = tpu.memref_slice %arg15[%dma_start3A_511, %dma_start3A_512] : memref<512x128xf32, #tpu.memory_space<vmem_shared>> -> memref<512x128xf32, #tpu.memory_space<vmem_shared>>
        tpu.enqueue_indirect_dma source(%dma_start3A_513 : memref<512x128xf32, #tpu.memory_space<vmem_shared>>) target(%dma_start3A_509 : memref<64x128xf32, #tpu.memory_space<vmem>>) offsets(%dma_start3A_510 : memref<64xi32, #tpu.memory_space<vmem>>) semaphore(%arg25 : memref<!tpu.dma_semaphore, #tpu.memory_space<semaphore_mem>>)
      } else {
      }
      %mul3A_215 = arith.constant 5 : i32
      %mul3A_216 = arith.muli %scan3A_148, %mul3A_215 : i32
      %add3A_217 = arith.constant 1 : i32
      %add3A_218 = arith.addi %mul3A_216, %add3A_217 : i32
      %dma_wait3A_219 = arith.constant 1 : i32
      %dma_wait3A_220 = arith.constant 0 : i32
      %dma_wait3A_221 = arith.constant 0 : i32
      %dma_wait3A_222 = tpu.memref_slice %arg13[%dma_wait3A_219, %dma_wait3A_220, %dma_wait3A_221] : memref<5x64x128xf32, #tpu.memory_space<vmem>> -> memref<1x64x128xf32, #tpu.memory_space<vmem>>
      %dma_wait3A_223 = tpu.memref_squeeze %dma_wait3A_222 : memref<1x64x128xf32, #tpu.memory_space<vmem>> -> memref<64x128xf32, #tpu.memory_space<vmem>>
      %dma_wait3A_224 = arith.constant 0 : i32
      %dma_wait3A_225 = arith.constant 0 : i32
      %dma_wait3A_226 = tpu.memref_slice %arg4[%dma_wait3A_224, %dma_wait3A_225] : memref<100000x128xf32, #tpu.memory_space<hbm>> -> memref<64x128xf32, #tpu.memory_space<hbm>>
      %dma_wait3A_227 = arith.constant 0 : i32
      %dma_wait3A_228 = arith.constant 0 : i32
      %dma_wait3A_229 = tpu.memref_slice %arg13[%dma_wait3A_219, %dma_wait3A_227, %dma_wait3A_228] : memref<5x64x128xf32, #tpu.memory_space<vmem>> -> memref<1x64x128xf32, #tpu.memory_space<vmem>>
      %dma_wait3A_230 = tpu.memref_squeeze %dma_wait3A_229 : memref<1x64x128xf32, #tpu.memory_space<vmem>> -> memref<64x128xf32, #tpu.memory_space<vmem>>
      %dma_wait3A_231 = arith.constant 0 : i32
      %dma_wait3A_232 = arith.constant 0 : i32
      %dma_wait3A_233 = tpu.memref_slice %arg4[%dma_wait3A_231, %dma_wait3A_232] : memref<100000x128xf32, #tpu.memory_space<hbm>> -> memref<64x128xf32, #tpu.memory_space<hbm>>
      tpu.wait_dma2 semaphore(%arg17 : memref<!tpu.dma_semaphore, #tpu.memory_space<semaphore_mem>>) src(%dma_wait3A_233 : memref<64x128xf32, #tpu.memory_space<hbm>>) dst(%dma_wait3A_230 : memref<64x128xf32, #tpu.memory_space<vmem>>)
      %dma_wait3A_234 = arith.constant 1 : i32
      %dma_wait3A_235 = arith.constant 0 : i32
      %dma_wait3A_236 = arith.constant 0 : i32
      %dma_wait3A_237 = tpu.memref_slice %arg13[%dma_wait3A_234, %dma_wait3A_235, %dma_wait3A_236] : memref<5x64x128xf32, #tpu.memory_space<vmem>> -> memref<1x64x128xf32, #tpu.memory_space<vmem>>
      %dma_wait3A_238 = tpu.memref_squeeze %dma_wait3A_237 : memref<1x64x128xf32, #tpu.memory_space<vmem>> -> memref<64x128xf32, #tpu.memory_space<vmem>>
      %dma_wait3A_239 = arith.constant 0 : i32
      %dma_wait3A_240 = arith.constant 0 : i32
      %dma_wait3A_241 = tpu.memref_slice %arg4[%dma_wait3A_239, %dma_wait3A_240] : memref<100000x128xf32, #tpu.memory_space<hbm>> -> memref<64x128xf32, #tpu.memory_space<hbm>>
      %dma_wait3A_242 = arith.constant 0 : i32
      %dma_wait3A_243 = arith.constant 0 : i32
      %dma_wait3A_244 = tpu.memref_slice %arg13[%dma_wait3A_234, %dma_wait3A_242, %dma_wait3A_243] : memref<5x64x128xf32, #tpu.memory_space<vmem>> -> memref<1x64x128xf32, #tpu.memory_space<vmem>>
      %dma_wait3A_245 = tpu.memref_squeeze %dma_wait3A_244 : memref<1x64x128xf32, #tpu.memory_space<vmem>> -> memref<64x128xf32, #tpu.memory_space<vmem>>
      %dma_wait3A_246 = arith.constant 0 : i32
      %dma_wait3A_247 = arith.constant 0 : i32
      %dma_wait3A_248 = tpu.memref_slice %arg4[%dma_wait3A_246, %dma_wait3A_247] : memref<100000x128xf32, #tpu.memory_space<hbm>> -> memref<64x128xf32, #tpu.memory_space<hbm>>
      tpu.wait_dma2 semaphore(%arg22 : memref<!tpu.dma_semaphore, #tpu.memory_space<semaphore_mem>>) src(%dma_wait3A_248 : memref<64x128xf32, #tpu.memory_space<hbm>>) dst(%dma_wait3A_245 : memref<64x128xf32, #tpu.memory_space<vmem>>)
      %scan3A_249 = arith.constant 0 : i32
      %scan3A_250 = arith.constant 0 : i32
      %scan3A_251 = arith.constant 32 : i32
      %scan3A_252 = arith.addi %scan3A_250, %scan3A_251 : i32
      %scan3A_253 = arith.constant 1 : i32
      %scan3A_254 = scf.for %scan3A_492 = %scan3A_250 to %scan3A_252 step %scan3A_253 iter_args(%scan3A_493 = %scan3A_249) -> (i32)  : i32 {
        %mul3A_494 = arith.constant 2 : i32
        %mul3A_495 = arith.muli %scan3A_492, %mul3A_494 : i32
        %add3A_496 = arith.constant 0 : i32
        %add3A_497 = arith.addi %mul3A_495, %add3A_496 : i32
        %mul3A_498 = arith.constant 2 : i32
        %mul3A_499 = arith.muli %scan3A_492, %mul3A_498 : i32
        %add3A_500 = arith.constant 0 : i32
        %add3A_501 = arith.addi %mul3A_499, %add3A_500 : i32
        %get3A = arith.constant 1 : i32
        %get3A_502 = arith.index_cast %get3A : i32 to index
        %get3A_503 = arith.index_cast %add3A_501 : i32 to index
        %get3A_504 = arith.constant 0 : index
        %get3A_505 = tpu.vector_load %arg14[%get3A_502, %get3A_503, %get3A_504] {strides = array<i32>} : memref<5x64x128xf32, #tpu.memory_space<vmem>>, vector<1x1x16xf32>,
        %get3A_506 = vector.shape_cast %get3A_505 : vector<1x1x16xf32> to vector<16xf32>
        %swap3A = arith.constant 1 : i32
        %swap3A_507 = arith.index_cast %swap3A : i32 to index
        %swap3A_508 = arith.index_cast %add3A_497 : i32 to index
        %swap3A_509 = arith.constant 0 : index
        %swap3A_510 = tpu.vector_load %arg13[%swap3A_507, %swap3A_508, %swap3A_509] {strides = array<i32>} : memref<5x64x128xf32, #tpu.memory_space<vmem>>, vector<1x1x16xf32>,
        %swap3A_511 = vector.shape_cast %swap3A_510 : vector<1x1x16xf32> to vector<16xf32>
        %swap3A_512 = vector.shape_cast %get3A_506 : vector<16xf32> to vector<1x1x16xf32>
        tpu.vector_store %arg13[%swap3A_507, %swap3A_508, %swap3A_509], %swap3A_512 {add = true, strides = array<i32>} : memref<5x64x128xf32, #tpu.memory_space<vmem>>, vector<1x1x16xf32>,
        %mul3A_513 = arith.constant 2 : i32
        %mul3A_514 = arith.muli %scan3A_492, %mul3A_513 : i32
        %add3A_515 = arith.constant 0 : i32
        %add3A_516 = arith.addi %mul3A_514, %add3A_515 : i32
        %mul3A_517 = arith.constant 2 : i32
        %mul3A_518 = arith.muli %scan3A_492, %mul3A_517 : i32
        %add3A_519 = arith.constant 0 : i32
        %add3A_520 = arith.addi %mul3A_518, %add3A_519 : i32
        %get3A_521 = arith.constant 1 : i32
        %get3A_522 = arith.index_cast %get3A_521 : i32 to index
        %get3A_523 = arith.index_cast %add3A_520 : i32 to index
        %get3A_524 = arith.constant 16 : index
        %get3A_525 = tpu.vector_load %arg14[%get3A_522, %get3A_523, %get3A_524] {strides = array<i32>} : memref<5x64x128xf32, #tpu.memory_space<vmem>>, vector<1x1x16xf32>,
        %get3A_526 = vector.shape_cast %get3A_525 : vector<1x1x16xf32> to vector<16xf32>
        %swap3A_527 = arith.constant 1 : i32
        %swap3A_528 = arith.index_cast %swap3A_527 : i32 to index
        %swap3A_529 = arith.index_cast %add3A_516 : i32 to index
        %swap3A_530 = arith.constant 16 : index
        %swap3A_531 = tpu.vector_load %arg13[%swap3A_528, %swap3A_529, %swap3A_530] {strides = array<i32>} : memref<5x64x128xf32, #tpu.memory_space<vmem>>, vector<1x1x16xf32>,
        %swap3A_532 = vector.shape_cast %swap3A_531 : vector<1x1x16xf32> to vector<16xf32>
        %swap3A_533 = vector.shape_cast %get3A_526 : vector<16xf32> to vector<1x1x16xf32>
        tpu.vector_store %arg13[%swap3A_528, %swap3A_529, %swap3A_530], %swap3A_533 {add = true, strides = array<i32>} : memref<5x64x128xf32, #tpu.memory_space<vmem>>, vector<1x1x16xf32>,
        %mul3A_534 = arith.constant 2 : i32
        %mul3A_535 = arith.muli %scan3A_492, %mul3A_534 : i32
        %add3A_536 = arith.constant 0 : i32
        %add3A_537 = arith.addi %mul3A_535, %add3A_536 : i32
        %mul3A_538 = arith.constant 2 : i32
        %mul3A_539 = arith.muli %scan3A_492, %mul3A_538 : i32
        %add3A_540 = arith.constant 0 : i32
        %add3A_541 = arith.addi %mul3A_539, %add3A_540 : i32
        %get3A_542 = arith.constant 1 : i32
        %get3A_543 = arith.index_cast %get3A_542 : i32 to index
        %get3A_544 = arith.index_cast %add3A_541 : i32 to index
        %get3A_545 = arith.constant 32 : index
        %get3A_546 = tpu.vector_load %arg14[%get3A_543, %get3A_544, %get3A_545] {strides = array<i32>} : memref<5x64x128xf32, #tpu.memory_space<vmem>>, vector<1x1x16xf32>,
        %get3A_547 = vector.shape_cast %get3A_546 : vector<1x1x16xf32> to vector<16xf32>
        %swap3A_548 = arith.constant 1 : i32
        %swap3A_549 = arith.index_cast %swap3A_548 : i32 to index
        %swap3A_550 = arith.index_cast %add3A_537 : i32 to index
        %swap3A_551 = arith.constant 32 : index
        %swap3A_552 = tpu.vector_load %arg13[%swap3A_549, %swap3A_550, %swap3A_551] {strides = array<i32>} : memref<5x64x128xf32, #tpu.memory_space<vmem>>, vector<1x1x16xf32>,
        %swap3A_553 = vector.shape_cast %swap3A_552 : vector<1x1x16xf32> to vector<16xf32>
        %swap3A_554 = vector.shape_cast %get3A_547 : vector<16xf32> to vector<1x1x16xf32>
        tpu.vector_store %arg13[%swap3A_549, %swap3A_550, %swap3A_551], %swap3A_554 {add = true, strides = array<i32>} : memref<5x64x128xf32, #tpu.memory_space<vmem>>, vector<1x1x16xf32>,
        %mul3A_555 = arith.constant 2 : i32
        %mul3A_556 = arith.muli %scan3A_492, %mul3A_555 : i32
        %add3A_557 = arith.constant 0 : i32
        %add3A_558 = arith.addi %mul3A_556, %add3A_557 : i32
        %mul3A_559 = arith.constant 2 : i32
        %mul3A_560 = arith.muli %scan3A_492, %mul3A_559 : i32
        %add3A_561 = arith.constant 0 : i32
        %add3A_562 = arith.addi %mul3A_560, %add3A_561 : i32
        %get3A_563 = arith.constant 1 : i32
        %get3A_564 = arith.index_cast %get3A_563 : i32 to index
        %get3A_565 = arith.index_cast %add3A_562 : i32 to index
        %get3A_566 = arith.constant 48 : index
        %get3A_567 = tpu.vector_load %arg14[%get3A_564, %get3A_565, %get3A_566] {strides = array<i32>} : memref<5x64x128xf32, #tpu.memory_space<vmem>>, vector<1x1x16xf32>,
        %get3A_568 = vector.shape_cast %get3A_567 : vector<1x1x16xf32> to vector<16xf32>
        %swap3A_569 = arith.constant 1 : i32
        %swap3A_570 = arith.index_cast %swap3A_569 : i32 to index
        %swap3A_571 = arith.index_cast %add3A_558 : i32 to index
        %swap3A_572 = arith.constant 48 : index
        %swap3A_573 = tpu.vector_load %arg13[%swap3A_570, %swap3A_571, %swap3A_572] {strides = array<i32>} : memref<5x64x128xf32, #tpu.memory_space<vmem>>, vector<1x1x16xf32>,
        %swap3A_574 = vector.shape_cast %swap3A_573 : vector<1x1x16xf32> to vector<16xf32>
        %swap3A_575 = vector.shape_cast %get3A_568 : vector<16xf32> to vector<1x1x16xf32>
        tpu.vector_store %arg13[%swap3A_570, %swap3A_571, %swap3A_572], %swap3A_575 {add = true, strides = array<i32>} : memref<5x64x128xf32, #tpu.memory_space<vmem>>, vector<1x1x16xf32>,
        %mul3A_576 = arith.constant 2 : i32
        %mul3A_577 = arith.muli %scan3A_492, %mul3A_576 : i32
        %add3A_578 = arith.constant 0 : i32
        %add3A_579 = arith.addi %mul3A_577, %add3A_578 : i32
        %mul3A_580 = arith.constant 2 : i32
        %mul3A_581 = arith.muli %scan3A_492, %mul3A_580 : i32
        %add3A_582 = arith.constant 0 : i32
        %add3A_583 = arith.addi %mul3A_581, %add3A_582 : i32
        %get3A_584 = arith.constant 1 : i32
        %get3A_585 = arith.index_cast %get3A_584 : i32 to index
        %get3A_586 = arith.index_cast %add3A_583 : i32 to index
        %get3A_587 = arith.constant 64 : index
        %get3A_588 = tpu.vector_load %arg14[%get3A_585, %get3A_586, %get3A_587] {strides = array<i32>} : memref<5x64x128xf32, #tpu.memory_space<vmem>>, vector<1x1x16xf32>,
        %get3A_589 = vector.shape_cast %get3A_588 : vector<1x1x16xf32> to vector<16xf32>
        %swap3A_590 = arith.constant 1 : i32
        %swap3A_591 = arith.index_cast %swap3A_590 : i32 to index
        %swap3A_592 = arith.index_cast %add3A_579 : i32 to index
        %swap3A_593 = arith.constant 64 : index
        %swap3A_594 = tpu.vector_load %arg13[%swap3A_591, %swap3A_592, %swap3A_593] {strides = array<i32>} : memref<5x64x128xf32, #tpu.memory_space<vmem>>, vector<1x1x16xf32>,
        %swap3A_595 = vector.shape_cast %swap3A_594 : vector<1x1x16xf32> to vector<16xf32>
        %swap3A_596 = vector.shape_cast %get3A_589 : vector<16xf32> to vector<1x1x16xf32>
        tpu.vector_store %arg13[%swap3A_591, %swap3A_592, %swap3A_593], %swap3A_596 {add = true, strides = array<i32>} : memref<5x64x128xf32, #tpu.memory_space<vmem>>, vector<1x1x16xf32>,
        %mul3A_597 = arith.constant 2 : i32
        %mul3A_598 = arith.muli %scan3A_492, %mul3A_597 : i32
        %add3A_599 = arith.constant 0 : i32
        %add3A_600 = arith.addi %mul3A_598, %add3A_599 : i32
        %mul3A_601 = arith.constant 2 : i32
        %mul3A_602 = arith.muli %scan3A_492, %mul3A_601 : i32
        %add3A_603 = arith.constant 0 : i32
        %add3A_604 = arith.addi %mul3A_602, %add3A_603 : i32
        %get3A_605 = arith.constant 1 : i32
        %get3A_606 = arith.index_cast %get3A_605 : i32 to index
        %get3A_607 = arith.index_cast %add3A_604 : i32 to index
        %get3A_608 = arith.constant 80 : index
        %get3A_609 = tpu.vector_load %arg14[%get3A_606, %get3A_607, %get3A_608] {strides = array<i32>} : memref<5x64x128xf32, #tpu.memory_space<vmem>>, vector<1x1x16xf32>,
        %get3A_610 = vector.shape_cast %get3A_609 : vector<1x1x16xf32> to vector<16xf32>
        %swap3A_611 = arith.constant 1 : i32
        %swap3A_612 = arith.index_cast %swap3A_611 : i32 to index
        %swap3A_613 = arith.index_cast %add3A_600 : i32 to index
        %swap3A_614 = arith.constant 80 : index
        %swap3A_615 = tpu.vector_load %arg13[%swap3A_612, %swap3A_613, %swap3A_614] {strides = array<i32>} : memref<5x64x128xf32, #tpu.memory_space<vmem>>, vector<1x1x16xf32>,
        %swap3A_616 = vector.shape_cast %swap3A_615 : vector<1x1x16xf32> to vector<16xf32>
        %swap3A_617 = vector.shape_cast %get3A_610 : vector<16xf32> to vector<1x1x16xf32>
        tpu.vector_store %arg13[%swap3A_612, %swap3A_613, %swap3A_614], %swap3A_617 {add = true, strides = array<i32>} : memref<5x64x128xf32, #tpu.memory_space<vmem>>, vector<1x1x16xf32>,
        %mul3A_618 = arith.constant 2 : i32
        %mul3A_619 = arith.muli %scan3A_492, %mul3A_618 : i32
        %add3A_620 = arith.constant 0 : i32
        %add3A_621 = arith.addi %mul3A_619, %add3A_620 : i32
        %mul3A_622 = arith.constant 2 : i32
        %mul3A_623 = arith.muli %scan3A_492, %mul3A_622 : i32
        %add3A_624 = arith.constant 0 : i32
        %add3A_625 = arith.addi %mul3A_623, %add3A_624 : i32
        %get3A_626 = arith.constant 1 : i32
        %get3A_627 = arith.index_cast %get3A_626 : i32 to index
        %get3A_628 = arith.index_cast %add3A_625 : i32 to index
        %get3A_629 = arith.constant 96 : index
        %get3A_630 = tpu.vector_load %arg14[%get3A_627, %get3A_628, %get3A_629] {strides = array<i32>} : memref<5x64x128xf32, #tpu.memory_space<vmem>>, vector<1x1x16xf32>,
        %get3A_631 = vector.shape_cast %get3A_630 : vector<1x1x16xf32> to vector<16xf32>
        %swap3A_632 = arith.constant 1 : i32
        %swap3A_633 = arith.index_cast %swap3A_632 : i32 to index
        %swap3A_634 = arith.index_cast %add3A_621 : i32 to index
        %swap3A_635 = arith.constant 96 : index
        %swap3A_636 = tpu.vector_load %arg13[%swap3A_633, %swap3A_634, %swap3A_635] {strides = array<i32>} : memref<5x64x128xf32, #tpu.memory_space<vmem>>, vector<1x1x16xf32>,
        %swap3A_637 = vector.shape_cast %swap3A_636 : vector<1x1x16xf32> to vector<16xf32>
        %swap3A_638 = vector.shape_cast %get3A_631 : vector<16xf32> to vector<1x1x16xf32>
        tpu.vector_store %arg13[%swap3A_633, %swap3A_634, %swap3A_635], %swap3A_638 {add = true, strides = array<i32>} : memref<5x64x128xf32, #tpu.memory_space<vmem>>, vector<1x1x16xf32>,
        %mul3A_639 = arith.constant 2 : i32
        %mul3A_640 = arith.muli %scan3A_492, %mul3A_639 : i32
        %add3A_641 = arith.constant 0 : i32
        %add3A_642 = arith.addi %mul3A_640, %add3A_641 : i32
        %mul3A_643 = arith.constant 2 : i32
        %mul3A_644 = arith.muli %scan3A_492, %mul3A_643 : i32
        %add3A_645 = arith.constant 0 : i32
        %add3A_646 = arith.addi %mul3A_644, %add3A_645 : i32
        %get3A_647 = arith.constant 1 : i32
        %get3A_648 = arith.index_cast %get3A_647 : i32 to index
        %get3A_649 = arith.index_cast %add3A_646 : i32 to index
        %get3A_650 = arith.constant 112 : index
        %get3A_651 = tpu.vector_load %arg14[%get3A_648, %get3A_649, %get3A_650] {strides = array<i32>} : memref<5x64x128xf32, #tpu.memory_space<vmem>>, vector<1x1x16xf32>,
        %get3A_652 = vector.shape_cast %get3A_651 : vector<1x1x16xf32> to vector<16xf32>
        %swap3A_653 = arith.constant 1 : i32
        %swap3A_654 = arith.index_cast %swap3A_653 : i32 to index
        %swap3A_655 = arith.index_cast %add3A_642 : i32 to index
        %swap3A_656 = arith.constant 112 : index
        %swap3A_657 = tpu.vector_load %arg13[%swap3A_654, %swap3A_655, %swap3A_656] {strides = array<i32>} : memref<5x64x128xf32, #tpu.memory_space<vmem>>, vector<1x1x16xf32>,
        %swap3A_658 = vector.shape_cast %swap3A_657 : vector<1x1x16xf32> to vector<16xf32>
        %swap3A_659 = vector.shape_cast %get3A_652 : vector<16xf32> to vector<1x1x16xf32>
        tpu.vector_store %arg13[%swap3A_654, %swap3A_655, %swap3A_656], %swap3A_659 {add = true, strides = array<i32>} : memref<5x64x128xf32, #tpu.memory_space<vmem>>, vector<1x1x16xf32>,
        %mul3A_660 = arith.constant 2 : i32
        %mul3A_661 = arith.muli %scan3A_492, %mul3A_660 : i32
        %add3A_662 = arith.constant 1 : i32
        %add3A_663 = arith.addi %mul3A_661, %add3A_662 : i32
        %mul3A_664 = arith.constant 2 : i32
        %mul3A_665 = arith.muli %scan3A_492, %mul3A_664 : i32
        %add3A_666 = arith.constant 1 : i32
        %add3A_667 = arith.addi %mul3A_665, %add3A_666 : i32
        %get3A_668 = arith.constant 1 : i32
        %get3A_669 = arith.index_cast %get3A_668 : i32 to index
        %get3A_670 = arith.index_cast %add3A_667 : i32 to index
        %get3A_671 = arith.constant 0 : index
        %get3A_672 = tpu.vector_load %arg14[%get3A_669, %get3A_670, %get3A_671] {strides = array<i32>} : memref<5x64x128xf32, #tpu.memory_space<vmem>>, vector<1x1x16xf32>,
        %get3A_673 = vector.shape_cast %get3A_672 : vector<1x1x16xf32> to vector<16xf32>
        %swap3A_674 = arith.constant 1 : i32
        %swap3A_675 = arith.index_cast %swap3A_674 : i32 to index
        %swap3A_676 = arith.index_cast %add3A_663 : i32 to index
        %swap3A_677 = arith.constant 0 : index
        %swap3A_678 = tpu.vector_load %arg13[%swap3A_675, %swap3A_676, %swap3A_677] {strides = array<i32>} : memref<5x64x128xf32, #tpu.memory_space<vmem>>, vector<1x1x16xf32>,
        %swap3A_679 = vector.shape_cast %swap3A_678 : vector<1x1x16xf32> to vector<16xf32>
        %swap3A_680 = vector.shape_cast %get3A_673 : vector<16xf32> to vector<1x1x16xf32>
        tpu.vector_store %arg13[%swap3A_675, %swap3A_676, %swap3A_677], %swap3A_680 {add = true, strides = array<i32>} : memref<5x64x128xf32, #tpu.memory_space<vmem>>, vector<1x1x16xf32>,
        %mul3A_681 = arith.constant 2 : i32
        %mul3A_682 = arith.muli %scan3A_492, %mul3A_681 : i32
        %add3A_683 = arith.constant 1 : i32
        %add3A_684 = arith.addi %mul3A_682, %add3A_683 : i32
        %mul3A_685 = arith.constant 2 : i32
        %mul3A_686 = arith.muli %scan3A_492, %mul3A_685 : i32
        %add3A_687 = arith.constant 1 : i32
        %add3A_688 = arith.addi %mul3A_686, %add3A_687 : i32
        %get3A_689 = arith.constant 1 : i32
        %get3A_690 = arith.index_cast %get3A_689 : i32 to index
        %get3A_691 = arith.index_cast %add3A_688 : i32 to index
        %get3A_692 = arith.constant 16 : index
        %get3A_693 = tpu.vector_load %arg14[%get3A_690, %get3A_691, %get3A_692] {strides = array<i32>} : memref<5x64x128xf32, #tpu.memory_space<vmem>>, vector<1x1x16xf32>,
        %get3A_694 = vector.shape_cast %get3A_693 : vector<1x1x16xf32> to vector<16xf32>
        %swap3A_695 = arith.constant 1 : i32
        %swap3A_696 = arith.index_cast %swap3A_695 : i32 to index
        %swap3A_697 = arith.index_cast %add3A_684 : i32 to index
        %swap3A_698 = arith.constant 16 : index
        %swap3A_699 = tpu.vector_load %arg13[%swap3A_696, %swap3A_697, %swap3A_698] {strides = array<i32>} : memref<5x64x128xf32, #tpu.memory_space<vmem>>, vector<1x1x16xf32>,
        %swap3A_700 = vector.shape_cast %swap3A_699 : vector<1x1x16xf32> to vector<16xf32>
        %swap3A_701 = vector.shape_cast %get3A_694 : vector<16xf32> to vector<1x1x16xf32>
        tpu.vector_store %arg13[%swap3A_696, %swap3A_697, %swap3A_698], %swap3A_701 {add = true, strides = array<i32>} : memref<5x64x128xf32, #tpu.memory_space<vmem>>, vector<1x1x16xf32>,
        %mul3A_702 = arith.constant 2 : i32
        %mul3A_703 = arith.muli %scan3A_492, %mul3A_702 : i32
        %add3A_704 = arith.constant 1 : i32
        %add3A_705 = arith.addi %mul3A_703, %add3A_704 : i32
        %mul3A_706 = arith.constant 2 : i32
        %mul3A_707 = arith.muli %scan3A_492, %mul3A_706 : i32
        %add3A_708 = arith.constant 1 : i32
        %add3A_709 = arith.addi %mul3A_707, %add3A_708 : i32
        %get3A_710 = arith.constant 1 : i32
        %get3A_711 = arith.index_cast %get3A_710 : i32 to index
        %get3A_712 = arith.index_cast %add3A_709 : i32 to index
        %get3A_713 = arith.constant 32 : index
        %get3A_714 = tpu.vector_load %arg14[%get3A_711, %get3A_712, %get3A_713] {strides = array<i32>} : memref<5x64x128xf32, #tpu.memory_space<vmem>>, vector<1x1x16xf32>,
        %get3A_715 = vector.shape_cast %get3A_714 : vector<1x1x16xf32> to vector<16xf32>
        %swap3A_716 = arith.constant 1 : i32
        %swap3A_717 = arith.index_cast %swap3A_716 : i32 to index
        %swap3A_718 = arith.index_cast %add3A_705 : i32 to index
        %swap3A_719 = arith.constant 32 : index
        %swap3A_720 = tpu.vector_load %arg13[%swap3A_717, %swap3A_718, %swap3A_719] {strides = array<i32>} : memref<5x64x128xf32, #tpu.memory_space<vmem>>, vector<1x1x16xf32>,
        %swap3A_721 = vector.shape_cast %swap3A_720 : vector<1x1x16xf32> to vector<16xf32>
        %swap3A_722 = vector.shape_cast %get3A_715 : vector<16xf32> to vector<1x1x16xf32>
        tpu.vector_store %arg13[%swap3A_717, %swap3A_718, %swap3A_719], %swap3A_722 {add = true, strides = array<i32>} : memref<5x64x128xf32, #tpu.memory_space<vmem>>, vector<1x1x16xf32>,
        %mul3A_723 = arith.constant 2 : i32
        %mul3A_724 = arith.muli %scan3A_492, %mul3A_723 : i32
        %add3A_725 = arith.constant 1 : i32
        %add3A_726 = arith.addi %mul3A_724, %add3A_725 : i32
        %mul3A_727 = arith.constant 2 : i32
        %mul3A_728 = arith.muli %scan3A_492, %mul3A_727 : i32
        %add3A_729 = arith.constant 1 : i32
        %add3A_730 = arith.addi %mul3A_728, %add3A_729 : i32
        %get3A_731 = arith.constant 1 : i32
        %get3A_732 = arith.index_cast %get3A_731 : i32 to index
        %get3A_733 = arith.index_cast %add3A_730 : i32 to index
        %get3A_734 = arith.constant 48 : index
        %get3A_735 = tpu.vector_load %arg14[%get3A_732, %get3A_733, %get3A_734] {strides = array<i32>} : memref<5x64x128xf32, #tpu.memory_space<vmem>>, vector<1x1x16xf32>,
        %get3A_736 = vector.shape_cast %get3A_735 : vector<1x1x16xf32> to vector<16xf32>
        %swap3A_737 = arith.constant 1 : i32
        %swap3A_738 = arith.index_cast %swap3A_737 : i32 to index
        %swap3A_739 = arith.index_cast %add3A_726 : i32 to index
        %swap3A_740 = arith.constant 48 : index
        %swap3A_741 = tpu.vector_load %arg13[%swap3A_738, %swap3A_739, %swap3A_740] {strides = array<i32>} : memref<5x64x128xf32, #tpu.memory_space<vmem>>, vector<1x1x16xf32>,
        %swap3A_742 = vector.shape_cast %swap3A_741 : vector<1x1x16xf32> to vector<16xf32>
        %swap3A_743 = vector.shape_cast %get3A_736 : vector<16xf32> to vector<1x1x16xf32>
        tpu.vector_store %arg13[%swap3A_738, %swap3A_739, %swap3A_740], %swap3A_743 {add = true, strides = array<i32>} : memref<5x64x128xf32, #tpu.memory_space<vmem>>, vector<1x1x16xf32>,
        %mul3A_744 = arith.constant 2 : i32
        %mul3A_745 = arith.muli %scan3A_492, %mul3A_744 : i32
        %add3A_746 = arith.constant 1 : i32
        %add3A_747 = arith.addi %mul3A_745, %add3A_746 : i32
        %mul3A_748 = arith.constant 2 : i32
        %mul3A_749 = arith.muli %scan3A_492, %mul3A_748 : i32
        %add3A_750 = arith.constant 1 : i32
        %add3A_751 = arith.addi %mul3A_749, %add3A_750 : i32
        %get3A_752 = arith.constant 1 : i32
        %get3A_753 = arith.index_cast %get3A_752 : i32 to index
        %get3A_754 = arith.index_cast %add3A_751 : i32 to index
        %get3A_755 = arith.constant 64 : index
        %get3A_756 = tpu.vector_load %arg14[%get3A_753, %get3A_754, %get3A_755] {strides = array<i32>} : memref<5x64x128xf32, #tpu.memory_space<vmem>>, vector<1x1x16xf32>,
        %get3A_757 = vector.shape_cast %get3A_756 : vector<1x1x16xf32> to vector<16xf32>
        %swap3A_758 = arith.constant 1 : i32
        %swap3A_759 = arith.index_cast %swap3A_758 : i32 to index
        %swap3A_760 = arith.index_cast %add3A_747 : i32 to index
        %swap3A_761 = arith.constant 64 : index
        %swap3A_762 = tpu.vector_load %arg13[%swap3A_759, %swap3A_760, %swap3A_761] {strides = array<i32>} : memref<5x64x128xf32, #tpu.memory_space<vmem>>, vector<1x1x16xf32>,
        %swap3A_763 = vector.shape_cast %swap3A_762 : vector<1x1x16xf32> to vector<16xf32>
        %swap3A_764 = vector.shape_cast %get3A_757 : vector<16xf32> to vector<1x1x16xf32>
        tpu.vector_store %arg13[%swap3A_759, %swap3A_760, %swap3A_761], %swap3A_764 {add = true, strides = array<i32>} : memref<5x64x128xf32, #tpu.memory_space<vmem>>, vector<1x1x16xf32>,
        %mul3A_765 = arith.constant 2 : i32
        %mul3A_766 = arith.muli %scan3A_492, %mul3A_765 : i32
        %add3A_767 = arith.constant 1 : i32
        %add3A_768 = arith.addi %mul3A_766, %add3A_767 : i32
        %mul3A_769 = arith.constant 2 : i32
        %mul3A_770 = arith.muli %scan3A_492, %mul3A_769 : i32
        %add3A_771 = arith.constant 1 : i32
        %add3A_772 = arith.addi %mul3A_770, %add3A_771 : i32
        %get3A_773 = arith.constant 1 : i32
        %get3A_774 = arith.index_cast %get3A_773 : i32 to index
        %get3A_775 = arith.index_cast %add3A_772 : i32 to index
        %get3A_776 = arith.constant 80 : index
        %get3A_777 = tpu.vector_load %arg14[%get3A_774, %get3A_775, %get3A_776] {strides = array<i32>} : memref<5x64x128xf32, #tpu.memory_space<vmem>>, vector<1x1x16xf32>,
        %get3A_778 = vector.shape_cast %get3A_777 : vector<1x1x16xf32> to vector<16xf32>
        %swap3A_779 = arith.constant 1 : i32
        %swap3A_780 = arith.index_cast %swap3A_779 : i32 to index
        %swap3A_781 = arith.index_cast %add3A_768 : i32 to index
        %swap3A_782 = arith.constant 80 : index
        %swap3A_783 = tpu.vector_load %arg13[%swap3A_780, %swap3A_781, %swap3A_782] {strides = array<i32>} : memref<5x64x128xf32, #tpu.memory_space<vmem>>, vector<1x1x16xf32>,
        %swap3A_784 = vector.shape_cast %swap3A_783 : vector<1x1x16xf32> to vector<16xf32>
        %swap3A_785 = vector.shape_cast %get3A_778 : vector<16xf32> to vector<1x1x16xf32>
        tpu.vector_store %arg13[%swap3A_780, %swap3A_781, %swap3A_782], %swap3A_785 {add = true, strides = array<i32>} : memref<5x64x128xf32, #tpu.memory_space<vmem>>, vector<1x1x16xf32>,
        %mul3A_786 = arith.constant 2 : i32
        %mul3A_787 = arith.muli %scan3A_492, %mul3A_786 : i32
        %add3A_788 = arith.constant 1 : i32
        %add3A_789 = arith.addi %mul3A_787, %add3A_788 : i32
        %mul3A_790 = arith.constant 2 : i32
        %mul3A_791 = arith.muli %scan3A_492, %mul3A_790 : i32
        %add3A_792 = arith.constant 1 : i32
        %add3A_793 = arith.addi %mul3A_791, %add3A_792 : i32
        %get3A_794 = arith.constant 1 : i32
        %get3A_795 = arith.index_cast %get3A_794 : i32 to index
        %get3A_796 = arith.index_cast %add3A_793 : i32 to index
        %get3A_797 = arith.constant 96 : index
        %get3A_798 = tpu.vector_load %arg14[%get3A_795, %get3A_796, %get3A_797] {strides = array<i32>} : memref<5x64x128xf32, #tpu.memory_space<vmem>>, vector<1x1x16xf32>,
        %get3A_799 = vector.shape_cast %get3A_798 : vector<1x1x16xf32> to vector<16xf32>
        %swap3A_800 = arith.constant 1 : i32
        %swap3A_801 = arith.index_cast %swap3A_800 : i32 to index
        %swap3A_802 = arith.index_cast %add3A_789 : i32 to index
        %swap3A_803 = arith.constant 96 : index
        %swap3A_804 = tpu.vector_load %arg13[%swap3A_801, %swap3A_802, %swap3A_803] {strides = array<i32>} : memref<5x64x128xf32, #tpu.memory_space<vmem>>, vector<1x1x16xf32>,
        %swap3A_805 = vector.shape_cast %swap3A_804 : vector<1x1x16xf32> to vector<16xf32>
        %swap3A_806 = vector.shape_cast %get3A_799 : vector<16xf32> to vector<1x1x16xf32>
        tpu.vector_store %arg13[%swap3A_801, %swap3A_802, %swap3A_803], %swap3A_806 {add = true, strides = array<i32>} : memref<5x64x128xf32, #tpu.memory_space<vmem>>, vector<1x1x16xf32>,
        %mul3A_807 = arith.constant 2 : i32
        %mul3A_808 = arith.muli %scan3A_492, %mul3A_807 : i32
        %add3A_809 = arith.constant 1 : i32
        %add3A_810 = arith.addi %mul3A_808, %add3A_809 : i32
        %mul3A_811 = arith.constant 2 : i32
        %mul3A_812 = arith.muli %scan3A_492, %mul3A_811 : i32
        %add3A_813 = arith.constant 1 : i32
        %add3A_814 = arith.addi %mul3A_812, %add3A_813 : i32
        %get3A_815 = arith.constant 1 : i32
        %get3A_816 = arith.index_cast %get3A_815 : i32 to index
        %get3A_817 = arith.index_cast %add3A_814 : i32 to index
        %get3A_818 = arith.constant 112 : index
        %get3A_819 = tpu.vector_load %arg14[%get3A_816, %get3A_817, %get3A_818] {strides = array<i32>} : memref<5x64x128xf32, #tpu.memory_space<vmem>>, vector<1x1x16xf32>,
        %get3A_820 = vector.shape_cast %get3A_819 : vector<1x1x16xf32> to vector<16xf32>
        %swap3A_821 = arith.constant 1 : i32
        %swap3A_822 = arith.index_cast %swap3A_821 : i32 to index
        %swap3A_823 = arith.index_cast %add3A_810 : i32 to index
        %swap3A_824 = arith.constant 112 : index
        %swap3A_825 = tpu.vector_load %arg13[%swap3A_822, %swap3A_823, %swap3A_824] {strides = array<i32>} : memref<5x64x128xf32, #tpu.memory_space<vmem>>, vector<1x1x16xf32>,
        %swap3A_826 = vector.shape_cast %swap3A_825 : vector<1x1x16xf32> to vector<16xf32>
        %swap3A_827 = vector.shape_cast %get3A_820 : vector<16xf32> to vector<1x1x16xf32>
        tpu.vector_store %arg13[%swap3A_822, %swap3A_823, %swap3A_824], %swap3A_827 {add = true, strides = array<i32>} : memref<5x64x128xf32, #tpu.memory_space<vmem>>, vector<1x1x16xf32>,
        %scan3A_828 = arith.constant 0 : i32
        scf.yield %scan3A_828 : i32
      }
      %scan3A_255 = arith.constant 32 : i32
      %mul3A_256 = arith.constant 64 : i32
      %mul3A_257 = arith.muli %add3A_218, %mul3A_256 : i32
      %add3A_258 = arith.addi %mul3A_2, %mul3A_257 : i32
      %dma_start3A_259 = arith.constant 1 : i32
      %dma_start3A_260 = arith.constant 0 : i32
      %dma_start3A_261 = arith.constant 0 : i32
      %dma_start3A_262 = tpu.memref_slice %arg13[%dma_start3A_259, %dma_start3A_260, %dma_start3A_261] : memref<5x64x128xf32, #tpu.memory_space<vmem>> -> memref<1x64x128xf32, #tpu.memory_space<vmem>>
      %dma_start3A_263 = tpu.memref_squeeze %dma_start3A_262 : memref<1x64x128xf32, #tpu.memory_space<vmem>> -> memref<64x128xf32, #tpu.memory_space<vmem>>
      %dma_start3A_264 = arith.constant 0 : i32
      %dma_start3A_265 = tpu.memref_slice %arg6[%add3A_258, %dma_start3A_264] : memref<204800x128xf32, #tpu.memory_space<hbm>> -> memref<64x128xf32, #tpu.memory_space<hbm>>
      %dma_start3A_266 = arith.constant 0 : i32
      %dma_start3A_267 = tpu.memref_slice %arg6[%add3A_258, %dma_start3A_266] : memref<204800x128xf32, #tpu.memory_space<hbm>> -> memref<64x128xf32, #tpu.memory_space<hbm>>
      %dma_start3A_268 = arith.constant 0 : i32
      %dma_start3A_269 = arith.constant 0 : i32
      %dma_start3A_270 = tpu.memref_slice %arg13[%dma_start3A_259, %dma_start3A_268, %dma_start3A_269] : memref<5x64x128xf32, #tpu.memory_space<vmem>> -> memref<1x64x128xf32, #tpu.memory_space<vmem>>
      %dma_start3A_271 = tpu.memref_squeeze %dma_start3A_270 : memref<1x64x128xf32, #tpu.memory_space<vmem>> -> memref<64x128xf32, #tpu.memory_space<vmem>>
      tpu.enqueue_dma source(%dma_start3A_271 : memref<64x128xf32, #tpu.memory_space<vmem>>) target(%dma_start3A_267 : memref<64x128xf32, #tpu.memory_space<hbm>>) target_semaphore(%arg27 : memref<!tpu.dma_semaphore, #tpu.memory_space<semaphore_mem>>)
      %add3A_272 = arith.constant 4 : i32
      %add3A_273 = arith.addi %add3A_218, %add3A_272 : i32
      %ge3A_274 = arith.constant 1 : i32
      %ge3A_275 = arith.cmpi sge, %add3A_218, %ge3A_274 : i32
      %convert_element_type3A_276 = arith.extui %ge3A_275 : i1 to i32
      %cond3A_277 = arith.constant 0 : i32
      %cond3A_278 = arith.cmpi ne, %convert_element_type3A_276, %cond3A_277 : i32
      scf.if %cond3A_278 {
        %dma_wait3A_492 = arith.constant 1 : i32
        %dma_wait3A_493 = arith.constant 0 : i32
        %dma_wait3A_494 = arith.constant 0 : i32
        %dma_wait3A_495 = tpu.memref_slice %arg13[%dma_wait3A_492, %dma_wait3A_493, %dma_wait3A_494] : memref<5x64x128xf32, #tpu.memory_space<vmem>> -> memref<1x64x128xf32, #tpu.memory_space<vmem>>
        %dma_wait3A_496 = tpu.memref_squeeze %dma_wait3A_495 : memref<1x64x128xf32, #tpu.memory_space<vmem>> -> memref<64x128xf32, #tpu.memory_space<vmem>>
        %dma_wait3A_497 = arith.constant 0 : i32
        %dma_wait3A_498 = arith.constant 0 : i32
        %dma_wait3A_499 = tpu.memref_slice %arg4[%dma_wait3A_497, %dma_wait3A_498] : memref<100000x128xf32, #tpu.memory_space<hbm>> -> memref<64x128xf32, #tpu.memory_space<hbm>>
        %dma_wait3A_500 = arith.constant 0 : i32
        %dma_wait3A_501 = arith.constant 0 : i32
        %dma_wait3A_502 = tpu.memref_slice %arg13[%dma_wait3A_492, %dma_wait3A_500, %dma_wait3A_501] : memref<5x64x128xf32, #tpu.memory_space<vmem>> -> memref<1x64x128xf32, #tpu.memory_space<vmem>>
        %dma_wait3A_503 = tpu.memref_squeeze %dma_wait3A_502 : memref<1x64x128xf32, #tpu.memory_space<vmem>> -> memref<64x128xf32, #tpu.memory_space<vmem>>
        %dma_wait3A_504 = arith.constant 0 : i32
        %dma_wait3A_505 = arith.constant 0 : i32
        %dma_wait3A_506 = tpu.memref_slice %arg4[%dma_wait3A_504, %dma_wait3A_505] : memref<100000x128xf32, #tpu.memory_space<hbm>> -> memref<64x128xf32, #tpu.memory_space<hbm>>
        tpu.wait_dma2 semaphore(%arg26 : memref<!tpu.dma_semaphore, #tpu.memory_space<semaphore_mem>>) src(%dma_wait3A_506 : memref<64x128xf32, #tpu.memory_space<hbm>>) dst(%dma_wait3A_503 : memref<64x128xf32, #tpu.memory_space<vmem>>)
      } else {
      }
      %lt3A_279 = arith.constant 100 : i32
      %lt3A_280 = arith.cmpi slt, %add3A_273, %lt3A_279 : i32
      %convert_element_type3A_281 = arith.extui %lt3A_280 : i1 to i32
      %cond3A_282 = arith.constant 0 : i32
      %cond3A_283 = arith.cmpi ne, %convert_element_type3A_281, %cond3A_282 : i32
      scf.if %cond3A_283 {
        %mul3A_492 = arith.constant 64 : i32
        %mul3A_493 = arith.muli %add3A_273, %mul3A_492 : i32
        %dma_start3A_494 = arith.constant 0 : i32
        %dma_start3A_495 = arith.constant 0 : i32
        %dma_start3A_496 = arith.constant 0 : i32
        %dma_start3A_497 = tpu.memref_slice %arg13[%dma_start3A_494, %dma_start3A_495, %dma_start3A_496] : memref<5x64x128xf32, #tpu.memory_space<vmem>> -> memref<1x64x128xf32, #tpu.memory_space<vmem>>
        %dma_start3A_498 = tpu.memref_squeeze %dma_start3A_497 : memref<1x64x128xf32, #tpu.memory_space<vmem>> -> memref<64x128xf32, #tpu.memory_space<vmem>>
        %dma_start3A_499 = tpu.memref_slice %arg11[%mul3A_493] : memref<6400xi32, #tpu.memory_space<vmem>> -> memref<64xi32, #tpu.memory_space<vmem>>
        %dma_start3A_500 = arith.constant 0 : i32
        %dma_start3A_501 = arith.constant 0 : i32
        %dma_start3A_502 = tpu.memref_slice %arg4[%dma_start3A_500, %dma_start3A_501] : memref<100000x128xf32, #tpu.memory_space<hbm>> -> memref<100000x128xf32, #tpu.memory_space<hbm>>
        tpu.enqueue_indirect_dma source(%dma_start3A_502 : memref<100000x128xf32, #tpu.memory_space<hbm>>) target(%dma_start3A_498 : memref<64x128xf32, #tpu.memory_space<vmem>>) offsets(%dma_start3A_499 : memref<64xi32, #tpu.memory_space<vmem>>) semaphore(%arg16 : memref<!tpu.dma_semaphore, #tpu.memory_space<semaphore_mem>>)
        %mul3A_503 = arith.constant 64 : i32
        %mul3A_504 = arith.muli %add3A_273, %mul3A_503 : i32
        %dma_start3A_505 = arith.constant 0 : i32
        %dma_start3A_506 = arith.constant 0 : i32
        %dma_start3A_507 = arith.constant 0 : i32
        %dma_start3A_508 = tpu.memref_slice %arg14[%dma_start3A_505, %dma_start3A_506, %dma_start3A_507] : memref<5x64x128xf32, #tpu.memory_space<vmem>> -> memref<1x64x128xf32, #tpu.memory_space<vmem>>
        %dma_start3A_509 = tpu.memref_squeeze %dma_start3A_508 : memref<1x64x128xf32, #tpu.memory_space<vmem>> -> memref<64x128xf32, #tpu.memory_space<vmem>>
        %dma_start3A_510 = tpu.memref_slice %arg12[%mul3A_504] : memref<6400xi32, #tpu.memory_space<vmem>> -> memref<64xi32, #tpu.memory_space<vmem>>
        %dma_start3A_511 = arith.constant 0 : i32
        %dma_start3A_512 = arith.constant 0 : i32
        %dma_start3A_513 = tpu.memref_slice %arg15[%dma_start3A_511, %dma_start3A_512] : memref<512x128xf32, #tpu.memory_space<vmem_shared>> -> memref<512x128xf32, #tpu.memory_space<vmem_shared>>
        tpu.enqueue_indirect_dma source(%dma_start3A_513 : memref<512x128xf32, #tpu.memory_space<vmem_shared>>) target(%dma_start3A_509 : memref<64x128xf32, #tpu.memory_space<vmem>>) offsets(%dma_start3A_510 : memref<64xi32, #tpu.memory_space<vmem>>) semaphore(%arg21 : memref<!tpu.dma_semaphore, #tpu.memory_space<semaphore_mem>>)
      } else {
      }
      %mul3A_284 = arith.constant 5 : i32
      %mul3A_285 = arith.muli %scan3A_148, %mul3A_284 : i32
      %add3A_286 = arith.constant 2 : i32
      %add3A_287 = arith.addi %mul3A_285, %add3A_286 : i32
      %dma_wait3A_288 = arith.constant 2 : i32
      %dma_wait3A_289 = arith.constant 0 : i32
      %dma_wait3A_290 = arith.constant 0 : i32
      %dma_wait3A_291 = tpu.memref_slice %arg13[%dma_wait3A_288, %dma_wait3A_289, %dma_wait3A_290] : memref<5x64x128xf32, #tpu.memory_space<vmem>> -> memref<1x64x128xf32, #tpu.memory_space<vmem>>
      %dma_wait3A_292 = tpu.memref_squeeze %dma_wait3A_291 : memref<1x64x128xf32, #tpu.memory_space<vmem>> -> memref<64x128xf32, #tpu.memory_space<vmem>>
      %dma_wait3A_293 = arith.constant 0 : i32
      %dma_wait3A_294 = arith.constant 0 : i32
      %dma_wait3A_295 = tpu.memref_slice %arg4[%dma_wait3A_293, %dma_wait3A_294] : memref<100000x128xf32, #tpu.memory_space<hbm>> -> memref<64x128xf32, #tpu.memory_space<hbm>>
      %dma_wait3A_296 = arith.constant 0 : i32
      %dma_wait3A_297 = arith.constant 0 : i32
      %dma_wait3A_298 = tpu.memref_slice %arg13[%dma_wait3A_288, %dma_wait3A_296, %dma_wait3A_297] : memref<5x64x128xf32, #tpu.memory_space<vmem>> -> memref<1x64x128xf32, #tpu.memory_space<vmem>>
      %dma_wait3A_299 = tpu.memref_squeeze %dma_wait3A_298 : memref<1x64x128xf32, #tpu.memory_space<vmem>> -> memref<64x128xf32, #tpu.memory_space<vmem>>
      %dma_wait3A_300 = arith.constant 0 : i32
      %dma_wait3A_301 = arith.constant 0 : i32
      %dma_wait3A_302 = tpu.memref_slice %arg4[%dma_wait3A_300, %dma_wait3A_301] : memref<100000x128xf32, #tpu.memory_space<hbm>> -> memref<64x128xf32, #tpu.memory_space<hbm>>
      tpu.wait_dma2 semaphore(%arg18 : memref<!tpu.dma_semaphore, #tpu.memory_space<semaphore_mem>>) src(%dma_wait3A_302 : memref<64x128xf32, #tpu.memory_space<hbm>>) dst(%dma_wait3A_299 : memref<64x128xf32, #tpu.memory_space<vmem>>)
      %dma_wait3A_303 = arith.constant 2 : i32
      %dma_wait3A_304 = arith.constant 0 : i32
      %dma_wait3A_305 = arith.constant 0 : i32
      %dma_wait3A_306 = tpu.memref_slice %arg13[%dma_wait3A_303, %dma_wait3A_304, %dma_wait3A_305] : memref<5x64x128xf32, #tpu.memory_space<vmem>> -> memref<1x64x128xf32, #tpu.memory_space<vmem>>
      %dma_wait3A_307 = tpu.memref_squeeze %dma_wait3A_306 : memref<1x64x128xf32, #tpu.memory_space<vmem>> -> memref<64x128xf32, #tpu.memory_space<vmem>>
      %dma_wait3A_308 = arith.constant 0 : i32
      %dma_wait3A_309 = arith.constant 0 : i32
      %dma_wait3A_310 = tpu.memref_slice %arg4[%dma_wait3A_308, %dma_wait3A_309] : memref<100000x128xf32, #tpu.memory_space<hbm>> -> memref<64x128xf32, #tpu.memory_space<hbm>>
      %dma_wait3A_311 = arith.constant 0 : i32
      %dma_wait3A_312 = arith.constant 0 : i32
      %dma_wait3A_313 = tpu.memref_slice %arg13[%dma_wait3A_303, %dma_wait3A_311, %dma_wait3A_312] : memref<5x64x128xf32, #tpu.memory_space<vmem>> -> memref<1x64x128xf32, #tpu.memory_space<vmem>>
      %dma_wait3A_314 = tpu.memref_squeeze %dma_wait3A_313 : memref<1x64x128xf32, #tpu.memory_space<vmem>> -> memref<64x128xf32, #tpu.memory_space<vmem>>
      %dma_wait3A_315 = arith.constant 0 : i32
      %dma_wait3A_316 = arith.constant 0 : i32
      %dma_wait3A_317 = tpu.memref_slice %arg4[%dma_wait3A_315, %dma_wait3A_316] : memref<100000x128xf32, #tpu.memory_space<hbm>> -> memref<64x128xf32, #tpu.memory_space<hbm>>
      tpu.wait_dma2 semaphore(%arg23 : memref<!tpu.dma_semaphore, #tpu.memory_space<semaphore_mem>>) src(%dma_wait3A_317 : memref<64x128xf32, #tpu.memory_space<hbm>>) dst(%dma_wait3A_314 : memref<64x128xf32, #tpu.memory_space<vmem>>)
      %scan3A_318 = arith.constant 0 : i32
      %scan3A_319 = arith.constant 0 : i32
      %scan3A_320 = arith.constant 32 : i32
      %scan3A_321 = arith.addi %scan3A_319, %scan3A_320 : i32
      %scan3A_322 = arith.constant 1 : i32
      %scan3A_323 = scf.for %scan3A_492 = %scan3A_319 to %scan3A_321 step %scan3A_322 iter_args(%scan3A_493 = %scan3A_318) -> (i32)  : i32 {
        %mul3A_494 = arith.constant 2 : i32
        %mul3A_495 = arith.muli %scan3A_492, %mul3A_494 : i32
        %add3A_496 = arith.constant 0 : i32
        %add3A_497 = arith.addi %mul3A_495, %add3A_496 : i32
        %mul3A_498 = arith.constant 2 : i32
        %mul3A_499 = arith.muli %scan3A_492, %mul3A_498 : i32
        %add3A_500 = arith.constant 0 : i32
        %add3A_501 = arith.addi %mul3A_499, %add3A_500 : i32
        %get3A = arith.constant 2 : i32
        %get3A_502 = arith.index_cast %get3A : i32 to index
        %get3A_503 = arith.index_cast %add3A_501 : i32 to index
        %get3A_504 = arith.constant 0 : index
        %get3A_505 = tpu.vector_load %arg14[%get3A_502, %get3A_503, %get3A_504] {strides = array<i32>} : memref<5x64x128xf32, #tpu.memory_space<vmem>>, vector<1x1x16xf32>,
        %get3A_506 = vector.shape_cast %get3A_505 : vector<1x1x16xf32> to vector<16xf32>
        %swap3A = arith.constant 2 : i32
        %swap3A_507 = arith.index_cast %swap3A : i32 to index
        %swap3A_508 = arith.index_cast %add3A_497 : i32 to index
        %swap3A_509 = arith.constant 0 : index
        %swap3A_510 = tpu.vector_load %arg13[%swap3A_507, %swap3A_508, %swap3A_509] {strides = array<i32>} : memref<5x64x128xf32, #tpu.memory_space<vmem>>, vector<1x1x16xf32>,
        %swap3A_511 = vector.shape_cast %swap3A_510 : vector<1x1x16xf32> to vector<16xf32>
        %swap3A_512 = vector.shape_cast %get3A_506 : vector<16xf32> to vector<1x1x16xf32>
        tpu.vector_store %arg13[%swap3A_507, %swap3A_508, %swap3A_509], %swap3A_512 {add = true, strides = array<i32>} : memref<5x64x128xf32, #tpu.memory_space<vmem>>, vector<1x1x16xf32>,
        %mul3A_513 = arith.constant 2 : i32
        %mul3A_514 = arith.muli %scan3A_492, %mul3A_513 : i32
        %add3A_515 = arith.constant 0 : i32
        %add3A_516 = arith.addi %mul3A_514, %add3A_515 : i32
        %mul3A_517 = arith.constant 2 : i32
        %mul3A_518 = arith.muli %scan3A_492, %mul3A_517 : i32
        %add3A_519 = arith.constant 0 : i32
        %add3A_520 = arith.addi %mul3A_518, %add3A_519 : i32
        %get3A_521 = arith.constant 2 : i32
        %get3A_522 = arith.index_cast %get3A_521 : i32 to index
        %get3A_523 = arith.index_cast %add3A_520 : i32 to index
        %get3A_524 = arith.constant 16 : index
        %get3A_525 = tpu.vector_load %arg14[%get3A_522, %get3A_523, %get3A_524] {strides = array<i32>} : memref<5x64x128xf32, #tpu.memory_space<vmem>>, vector<1x1x16xf32>,
        %get3A_526 = vector.shape_cast %get3A_525 : vector<1x1x16xf32> to vector<16xf32>
        %swap3A_527 = arith.constant 2 : i32
        %swap3A_528 = arith.index_cast %swap3A_527 : i32 to index
        %swap3A_529 = arith.index_cast %add3A_516 : i32 to index
        %swap3A_530 = arith.constant 16 : index
        %swap3A_531 = tpu.vector_load %arg13[%swap3A_528, %swap3A_529, %swap3A_530] {strides = array<i32>} : memref<5x64x128xf32, #tpu.memory_space<vmem>>, vector<1x1x16xf32>,
        %swap3A_532 = vector.shape_cast %swap3A_531 : vector<1x1x16xf32> to vector<16xf32>
        %swap3A_533 = vector.shape_cast %get3A_526 : vector<16xf32> to vector<1x1x16xf32>
        tpu.vector_store %arg13[%swap3A_528, %swap3A_529, %swap3A_530], %swap3A_533 {add = true, strides = array<i32>} : memref<5x64x128xf32, #tpu.memory_space<vmem>>, vector<1x1x16xf32>,
        %mul3A_534 = arith.constant 2 : i32
        %mul3A_535 = arith.muli %scan3A_492, %mul3A_534 : i32
        %add3A_536 = arith.constant 0 : i32
        %add3A_537 = arith.addi %mul3A_535, %add3A_536 : i32
        %mul3A_538 = arith.constant 2 : i32
        %mul3A_539 = arith.muli %scan3A_492, %mul3A_538 : i32
        %add3A_540 = arith.constant 0 : i32
        %add3A_541 = arith.addi %mul3A_539, %add3A_540 : i32
        %get3A_542 = arith.constant 2 : i32
        %get3A_543 = arith.index_cast %get3A_542 : i32 to index
        %get3A_544 = arith.index_cast %add3A_541 : i32 to index
        %get3A_545 = arith.constant 32 : index
        %get3A_546 = tpu.vector_load %arg14[%get3A_543, %get3A_544, %get3A_545] {strides = array<i32>} : memref<5x64x128xf32, #tpu.memory_space<vmem>>, vector<1x1x16xf32>,
        %get3A_547 = vector.shape_cast %get3A_546 : vector<1x1x16xf32> to vector<16xf32>
        %swap3A_548 = arith.constant 2 : i32
        %swap3A_549 = arith.index_cast %swap3A_548 : i32 to index
        %swap3A_550 = arith.index_cast %add3A_537 : i32 to index
        %swap3A_551 = arith.constant 32 : index
        %swap3A_552 = tpu.vector_load %arg13[%swap3A_549, %swap3A_550, %swap3A_551] {strides = array<i32>} : memref<5x64x128xf32, #tpu.memory_space<vmem>>, vector<1x1x16xf32>,
        %swap3A_553 = vector.shape_cast %swap3A_552 : vector<1x1x16xf32> to vector<16xf32>
        %swap3A_554 = vector.shape_cast %get3A_547 : vector<16xf32> to vector<1x1x16xf32>
        tpu.vector_store %arg13[%swap3A_549, %swap3A_550, %swap3A_551], %swap3A_554 {add = true, strides = array<i32>} : memref<5x64x128xf32, #tpu.memory_space<vmem>>, vector<1x1x16xf32>,
        %mul3A_555 = arith.constant 2 : i32
        %mul3A_556 = arith.muli %scan3A_492, %mul3A_555 : i32
        %add3A_557 = arith.constant 0 : i32
        %add3A_558 = arith.addi %mul3A_556, %add3A_557 : i32
        %mul3A_559 = arith.constant 2 : i32
        %mul3A_560 = arith.muli %scan3A_492, %mul3A_559 : i32
        %add3A_561 = arith.constant 0 : i32
        %add3A_562 = arith.addi %mul3A_560, %add3A_561 : i32
        %get3A_563 = arith.constant 2 : i32
        %get3A_564 = arith.index_cast %get3A_563 : i32 to index
        %get3A_565 = arith.index_cast %add3A_562 : i32 to index
        %get3A_566 = arith.constant 48 : index
        %get3A_567 = tpu.vector_load %arg14[%get3A_564, %get3A_565, %get3A_566] {strides = array<i32>} : memref<5x64x128xf32, #tpu.memory_space<vmem>>, vector<1x1x16xf32>,
        %get3A_568 = vector.shape_cast %get3A_567 : vector<1x1x16xf32> to vector<16xf32>
        %swap3A_569 = arith.constant 2 : i32
        %swap3A_570 = arith.index_cast %swap3A_569 : i32 to index
        %swap3A_571 = arith.index_cast %add3A_558 : i32 to index
        %swap3A_572 = arith.constant 48 : index
        %swap3A_573 = tpu.vector_load %arg13[%swap3A_570, %swap3A_571, %swap3A_572] {strides = array<i32>} : memref<5x64x128xf32, #tpu.memory_space<vmem>>, vector<1x1x16xf32>,
        %swap3A_574 = vector.shape_cast %swap3A_573 : vector<1x1x16xf32> to vector<16xf32>
        %swap3A_575 = vector.shape_cast %get3A_568 : vector<16xf32> to vector<1x1x16xf32>
        tpu.vector_store %arg13[%swap3A_570, %swap3A_571, %swap3A_572], %swap3A_575 {add = true, strides = array<i32>} : memref<5x64x128xf32, #tpu.memory_space<vmem>>, vector<1x1x16xf32>,
        %mul3A_576 = arith.constant 2 : i32
        %mul3A_577 = arith.muli %scan3A_492, %mul3A_576 : i32
        %add3A_578 = arith.constant 0 : i32
        %add3A_579 = arith.addi %mul3A_577, %add3A_578 : i32
        %mul3A_580 = arith.constant 2 : i32
        %mul3A_581 = arith.muli %scan3A_492, %mul3A_580 : i32
        %add3A_582 = arith.constant 0 : i32
        %add3A_583 = arith.addi %mul3A_581, %add3A_582 : i32
        %get3A_584 = arith.constant 2 : i32
        %get3A_585 = arith.index_cast %get3A_584 : i32 to index
        %get3A_586 = arith.index_cast %add3A_583 : i32 to index
        %get3A_587 = arith.constant 64 : index
        %get3A_588 = tpu.vector_load %arg14[%get3A_585, %get3A_586, %get3A_587] {strides = array<i32>} : memref<5x64x128xf32, #tpu.memory_space<vmem>>, vector<1x1x16xf32>,
        %get3A_589 = vector.shape_cast %get3A_588 : vector<1x1x16xf32> to vector<16xf32>
        %swap3A_590 = arith.constant 2 : i32
        %swap3A_591 = arith.index_cast %swap3A_590 : i32 to index
        %swap3A_592 = arith.index_cast %add3A_579 : i32 to index
        %swap3A_593 = arith.constant 64 : index
        %swap3A_594 = tpu.vector_load %arg13[%swap3A_591, %swap3A_592, %swap3A_593] {strides = array<i32>} : memref<5x64x128xf32, #tpu.memory_space<vmem>>, vector<1x1x16xf32>,
        %swap3A_595 = vector.shape_cast %swap3A_594 : vector<1x1x16xf32> to vector<16xf32>
        %swap3A_596 = vector.shape_cast %get3A_589 : vector<16xf32> to vector<1x1x16xf32>
        tpu.vector_store %arg13[%swap3A_591, %swap3A_592, %swap3A_593], %swap3A_596 {add = true, strides = array<i32>} : memref<5x64x128xf32, #tpu.memory_space<vmem>>, vector<1x1x16xf32>,
        %mul3A_597 = arith.constant 2 : i32
        %mul3A_598 = arith.muli %scan3A_492, %mul3A_597 : i32
        %add3A_599 = arith.constant 0 : i32
        %add3A_600 = arith.addi %mul3A_598, %add3A_599 : i32
        %mul3A_601 = arith.constant 2 : i32
        %mul3A_602 = arith.muli %scan3A_492, %mul3A_601 : i32
        %add3A_603 = arith.constant 0 : i32
        %add3A_604 = arith.addi %mul3A_602, %add3A_603 : i32
        %get3A_605 = arith.constant 2 : i32
        %get3A_606 = arith.index_cast %get3A_605 : i32 to index
        %get3A_607 = arith.index_cast %add3A_604 : i32 to index
        %get3A_608 = arith.constant 80 : index
        %get3A_609 = tpu.vector_load %arg14[%get3A_606, %get3A_607, %get3A_608] {strides = array<i32>} : memref<5x64x128xf32, #tpu.memory_space<vmem>>, vector<1x1x16xf32>,
        %get3A_610 = vector.shape_cast %get3A_609 : vector<1x1x16xf32> to vector<16xf32>
        %swap3A_611 = arith.constant 2 : i32
        %swap3A_612 = arith.index_cast %swap3A_611 : i32 to index
        %swap3A_613 = arith.index_cast %add3A_600 : i32 to index
        %swap3A_614 = arith.constant 80 : index
        %swap3A_615 = tpu.vector_load %arg13[%swap3A_612, %swap3A_613, %swap3A_614] {strides = array<i32>} : memref<5x64x128xf32, #tpu.memory_space<vmem>>, vector<1x1x16xf32>,
        %swap3A_616 = vector.shape_cast %swap3A_615 : vector<1x1x16xf32> to vector<16xf32>
        %swap3A_617 = vector.shape_cast %get3A_610 : vector<16xf32> to vector<1x1x16xf32>
        tpu.vector_store %arg13[%swap3A_612, %swap3A_613, %swap3A_614], %swap3A_617 {add = true, strides = array<i32>} : memref<5x64x128xf32, #tpu.memory_space<vmem>>, vector<1x1x16xf32>,
        %mul3A_618 = arith.constant 2 : i32
        %mul3A_619 = arith.muli %scan3A_492, %mul3A_618 : i32
        %add3A_620 = arith.constant 0 : i32
        %add3A_621 = arith.addi %mul3A_619, %add3A_620 : i32
        %mul3A_622 = arith.constant 2 : i32
        %mul3A_623 = arith.muli %scan3A_492, %mul3A_622 : i32
        %add3A_624 = arith.constant 0 : i32
        %add3A_625 = arith.addi %mul3A_623, %add3A_624 : i32
        %get3A_626 = arith.constant 2 : i32
        %get3A_627 = arith.index_cast %get3A_626 : i32 to index
        %get3A_628 = arith.index_cast %add3A_625 : i32 to index
        %get3A_629 = arith.constant 96 : index
        %get3A_630 = tpu.vector_load %arg14[%get3A_627, %get3A_628, %get3A_629] {strides = array<i32>} : memref<5x64x128xf32, #tpu.memory_space<vmem>>, vector<1x1x16xf32>,
        %get3A_631 = vector.shape_cast %get3A_630 : vector<1x1x16xf32> to vector<16xf32>
        %swap3A_632 = arith.constant 2 : i32
        %swap3A_633 = arith.index_cast %swap3A_632 : i32 to index
        %swap3A_634 = arith.index_cast %add3A_621 : i32 to index
        %swap3A_635 = arith.constant 96 : index
        %swap3A_636 = tpu.vector_load %arg13[%swap3A_633, %swap3A_634, %swap3A_635] {strides = array<i32>} : memref<5x64x128xf32, #tpu.memory_space<vmem>>, vector<1x1x16xf32>,
        %swap3A_637 = vector.shape_cast %swap3A_636 : vector<1x1x16xf32> to vector<16xf32>
        %swap3A_638 = vector.shape_cast %get3A_631 : vector<16xf32> to vector<1x1x16xf32>
        tpu.vector_store %arg13[%swap3A_633, %swap3A_634, %swap3A_635], %swap3A_638 {add = true, strides = array<i32>} : memref<5x64x128xf32, #tpu.memory_space<vmem>>, vector<1x1x16xf32>,
        %mul3A_639 = arith.constant 2 : i32
        %mul3A_640 = arith.muli %scan3A_492, %mul3A_639 : i32
        %add3A_641 = arith.constant 0 : i32
        %add3A_642 = arith.addi %mul3A_640, %add3A_641 : i32
        %mul3A_643 = arith.constant 2 : i32
        %mul3A_644 = arith.muli %scan3A_492, %mul3A_643 : i32
        %add3A_645 = arith.constant 0 : i32
        %add3A_646 = arith.addi %mul3A_644, %add3A_645 : i32
        %get3A_647 = arith.constant 2 : i32
        %get3A_648 = arith.index_cast %get3A_647 : i32 to index
        %get3A_649 = arith.index_cast %add3A_646 : i32 to index
        %get3A_650 = arith.constant 112 : index
        %get3A_651 = tpu.vector_load %arg14[%get3A_648, %get3A_649, %get3A_650] {strides = array<i32>} : memref<5x64x128xf32, #tpu.memory_space<vmem>>, vector<1x1x16xf32>,
        %get3A_652 = vector.shape_cast %get3A_651 : vector<1x1x16xf32> to vector<16xf32>
        %swap3A_653 = arith.constant 2 : i32
        %swap3A_654 = arith.index_cast %swap3A_653 : i32 to index
        %swap3A_655 = arith.index_cast %add3A_642 : i32 to index
        %swap3A_656 = arith.constant 112 : index
        %swap3A_657 = tpu.vector_load %arg13[%swap3A_654, %swap3A_655, %swap3A_656] {strides = array<i32>} : memref<5x64x128xf32, #tpu.memory_space<vmem>>, vector<1x1x16xf32>,
        %swap3A_658 = vector.shape_cast %swap3A_657 : vector<1x1x16xf32> to vector<16xf32>
        %swap3A_659 = vector.shape_cast %get3A_652 : vector<16xf32> to vector<1x1x16xf32>
        tpu.vector_store %arg13[%swap3A_654, %swap3A_655, %swap3A_656], %swap3A_659 {add = true, strides = array<i32>} : memref<5x64x128xf32, #tpu.memory_space<vmem>>, vector<1x1x16xf32>,
        %mul3A_660 = arith.constant 2 : i32
        %mul3A_661 = arith.muli %scan3A_492, %mul3A_660 : i32
        %add3A_662 = arith.constant 1 : i32
        %add3A_663 = arith.addi %mul3A_661, %add3A_662 : i32
        %mul3A_664 = arith.constant 2 : i32
        %mul3A_665 = arith.muli %scan3A_492, %mul3A_664 : i32
        %add3A_666 = arith.constant 1 : i32
        %add3A_667 = arith.addi %mul3A_665, %add3A_666 : i32
        %get3A_668 = arith.constant 2 : i32
        %get3A_669 = arith.index_cast %get3A_668 : i32 to index
        %get3A_670 = arith.index_cast %add3A_667 : i32 to index
        %get3A_671 = arith.constant 0 : index
        %get3A_672 = tpu.vector_load %arg14[%get3A_669, %get3A_670, %get3A_671] {strides = array<i32>} : memref<5x64x128xf32, #tpu.memory_space<vmem>>, vector<1x1x16xf32>,
        %get3A_673 = vector.shape_cast %get3A_672 : vector<1x1x16xf32> to vector<16xf32>
        %swap3A_674 = arith.constant 2 : i32
        %swap3A_675 = arith.index_cast %swap3A_674 : i32 to index
        %swap3A_676 = arith.index_cast %add3A_663 : i32 to index
        %swap3A_677 = arith.constant 0 : index
        %swap3A_678 = tpu.vector_load %arg13[%swap3A_675, %swap3A_676, %swap3A_677] {strides = array<i32>} : memref<5x64x128xf32, #tpu.memory_space<vmem>>, vector<1x1x16xf32>,
        %swap3A_679 = vector.shape_cast %swap3A_678 : vector<1x1x16xf32> to vector<16xf32>
        %swap3A_680 = vector.shape_cast %get3A_673 : vector<16xf32> to vector<1x1x16xf32>
        tpu.vector_store %arg13[%swap3A_675, %swap3A_676, %swap3A_677], %swap3A_680 {add = true, strides = array<i32>} : memref<5x64x128xf32, #tpu.memory_space<vmem>>, vector<1x1x16xf32>,
        %mul3A_681 = arith.constant 2 : i32
        %mul3A_682 = arith.muli %scan3A_492, %mul3A_681 : i32
        %add3A_683 = arith.constant 1 : i32
        %add3A_684 = arith.addi %mul3A_682, %add3A_683 : i32
        %mul3A_685 = arith.constant 2 : i32
        %mul3A_686 = arith.muli %scan3A_492, %mul3A_685 : i32
        %add3A_687 = arith.constant 1 : i32
        %add3A_688 = arith.addi %mul3A_686, %add3A_687 : i32
        %get3A_689 = arith.constant 2 : i32
        %get3A_690 = arith.index_cast %get3A_689 : i32 to index
        %get3A_691 = arith.index_cast %add3A_688 : i32 to index
        %get3A_692 = arith.constant 16 : index
        %get3A_693 = tpu.vector_load %arg14[%get3A_690, %get3A_691, %get3A_692] {strides = array<i32>} : memref<5x64x128xf32, #tpu.memory_space<vmem>>, vector<1x1x16xf32>,
        %get3A_694 = vector.shape_cast %get3A_693 : vector<1x1x16xf32> to vector<16xf32>
        %swap3A_695 = arith.constant 2 : i32
        %swap3A_696 = arith.index_cast %swap3A_695 : i32 to index
        %swap3A_697 = arith.index_cast %add3A_684 : i32 to index
        %swap3A_698 = arith.constant 16 : index
        %swap3A_699 = tpu.vector_load %arg13[%swap3A_696, %swap3A_697, %swap3A_698] {strides = array<i32>} : memref<5x64x128xf32, #tpu.memory_space<vmem>>, vector<1x1x16xf32>,
        %swap3A_700 = vector.shape_cast %swap3A_699 : vector<1x1x16xf32> to vector<16xf32>
        %swap3A_701 = vector.shape_cast %get3A_694 : vector<16xf32> to vector<1x1x16xf32>
        tpu.vector_store %arg13[%swap3A_696, %swap3A_697, %swap3A_698], %swap3A_701 {add = true, strides = array<i32>} : memref<5x64x128xf32, #tpu.memory_space<vmem>>, vector<1x1x16xf32>,
        %mul3A_702 = arith.constant 2 : i32
        %mul3A_703 = arith.muli %scan3A_492, %mul3A_702 : i32
        %add3A_704 = arith.constant 1 : i32
        %add3A_705 = arith.addi %mul3A_703, %add3A_704 : i32
        %mul3A_706 = arith.constant 2 : i32
        %mul3A_707 = arith.muli %scan3A_492, %mul3A_706 : i32
        %add3A_708 = arith.constant 1 : i32
        %add3A_709 = arith.addi %mul3A_707, %add3A_708 : i32
        %get3A_710 = arith.constant 2 : i32
        %get3A_711 = arith.index_cast %get3A_710 : i32 to index
        %get3A_712 = arith.index_cast %add3A_709 : i32 to index
        %get3A_713 = arith.constant 32 : index
        %get3A_714 = tpu.vector_load %arg14[%get3A_711, %get3A_712, %get3A_713] {strides = array<i32>} : memref<5x64x128xf32, #tpu.memory_space<vmem>>, vector<1x1x16xf32>,
        %get3A_715 = vector.shape_cast %get3A_714 : vector<1x1x16xf32> to vector<16xf32>
        %swap3A_716 = arith.constant 2 : i32
        %swap3A_717 = arith.index_cast %swap3A_716 : i32 to index
        %swap3A_718 = arith.index_cast %add3A_705 : i32 to index
        %swap3A_719 = arith.constant 32 : index
        %swap3A_720 = tpu.vector_load %arg13[%swap3A_717, %swap3A_718, %swap3A_719] {strides = array<i32>} : memref<5x64x128xf32, #tpu.memory_space<vmem>>, vector<1x1x16xf32>,
        %swap3A_721 = vector.shape_cast %swap3A_720 : vector<1x1x16xf32> to vector<16xf32>
        %swap3A_722 = vector.shape_cast %get3A_715 : vector<16xf32> to vector<1x1x16xf32>
        tpu.vector_store %arg13[%swap3A_717, %swap3A_718, %swap3A_719], %swap3A_722 {add = true, strides = array<i32>} : memref<5x64x128xf32, #tpu.memory_space<vmem>>, vector<1x1x16xf32>,
        %mul3A_723 = arith.constant 2 : i32
        %mul3A_724 = arith.muli %scan3A_492, %mul3A_723 : i32
        %add3A_725 = arith.constant 1 : i32
        %add3A_726 = arith.addi %mul3A_724, %add3A_725 : i32
        %mul3A_727 = arith.constant 2 : i32
        %mul3A_728 = arith.muli %scan3A_492, %mul3A_727 : i32
        %add3A_729 = arith.constant 1 : i32
        %add3A_730 = arith.addi %mul3A_728, %add3A_729 : i32
        %get3A_731 = arith.constant 2 : i32
        %get3A_732 = arith.index_cast %get3A_731 : i32 to index
        %get3A_733 = arith.index_cast %add3A_730 : i32 to index
        %get3A_734 = arith.constant 48 : index
        %get3A_735 = tpu.vector_load %arg14[%get3A_732, %get3A_733, %get3A_734] {strides = array<i32>} : memref<5x64x128xf32, #tpu.memory_space<vmem>>, vector<1x1x16xf32>,
        %get3A_736 = vector.shape_cast %get3A_735 : vector<1x1x16xf32> to vector<16xf32>
        %swap3A_737 = arith.constant 2 : i32
        %swap3A_738 = arith.index_cast %swap3A_737 : i32 to index
        %swap3A_739 = arith.index_cast %add3A_726 : i32 to index
        %swap3A_740 = arith.constant 48 : index
        %swap3A_741 = tpu.vector_load %arg13[%swap3A_738, %swap3A_739, %swap3A_740] {strides = array<i32>} : memref<5x64x128xf32, #tpu.memory_space<vmem>>, vector<1x1x16xf32>,
        %swap3A_742 = vector.shape_cast %swap3A_741 : vector<1x1x16xf32> to vector<16xf32>
        %swap3A_743 = vector.shape_cast %get3A_736 : vector<16xf32> to vector<1x1x16xf32>
        tpu.vector_store %arg13[%swap3A_738, %swap3A_739, %swap3A_740], %swap3A_743 {add = true, strides = array<i32>} : memref<5x64x128xf32, #tpu.memory_space<vmem>>, vector<1x1x16xf32>,
        %mul3A_744 = arith.constant 2 : i32
        %mul3A_745 = arith.muli %scan3A_492, %mul3A_744 : i32
        %add3A_746 = arith.constant 1 : i32
        %add3A_747 = arith.addi %mul3A_745, %add3A_746 : i32
        %mul3A_748 = arith.constant 2 : i32
        %mul3A_749 = arith.muli %scan3A_492, %mul3A_748 : i32
        %add3A_750 = arith.constant 1 : i32
        %add3A_751 = arith.addi %mul3A_749, %add3A_750 : i32
        %get3A_752 = arith.constant 2 : i32
        %get3A_753 = arith.index_cast %get3A_752 : i32 to index
        %get3A_754 = arith.index_cast %add3A_751 : i32 to index
        %get3A_755 = arith.constant 64 : index
        %get3A_756 = tpu.vector_load %arg14[%get3A_753, %get3A_754, %get3A_755] {strides = array<i32>} : memref<5x64x128xf32, #tpu.memory_space<vmem>>, vector<1x1x16xf32>,
        %get3A_757 = vector.shape_cast %get3A_756 : vector<1x1x16xf32> to vector<16xf32>
        %swap3A_758 = arith.constant 2 : i32
        %swap3A_759 = arith.index_cast %swap3A_758 : i32 to index
        %swap3A_760 = arith.index_cast %add3A_747 : i32 to index
        %swap3A_761 = arith.constant 64 : index
        %swap3A_762 = tpu.vector_load %arg13[%swap3A_759, %swap3A_760, %swap3A_761] {strides = array<i32>} : memref<5x64x128xf32, #tpu.memory_space<vmem>>, vector<1x1x16xf32>,
        %swap3A_763 = vector.shape_cast %swap3A_762 : vector<1x1x16xf32> to vector<16xf32>
        %swap3A_764 = vector.shape_cast %get3A_757 : vector<16xf32> to vector<1x1x16xf32>
        tpu.vector_store %arg13[%swap3A_759, %swap3A_760, %swap3A_761], %swap3A_764 {add = true, strides = array<i32>} : memref<5x64x128xf32, #tpu.memory_space<vmem>>, vector<1x1x16xf32>,
        %mul3A_765 = arith.constant 2 : i32
        %mul3A_766 = arith.muli %scan3A_492, %mul3A_765 : i32
        %add3A_767 = arith.constant 1 : i32
        %add3A_768 = arith.addi %mul3A_766, %add3A_767 : i32
        %mul3A_769 = arith.constant 2 : i32
        %mul3A_770 = arith.muli %scan3A_492, %mul3A_769 : i32
        %add3A_771 = arith.constant 1 : i32
        %add3A_772 = arith.addi %mul3A_770, %add3A_771 : i32
        %get3A_773 = arith.constant 2 : i32
        %get3A_774 = arith.index_cast %get3A_773 : i32 to index
        %get3A_775 = arith.index_cast %add3A_772 : i32 to index
        %get3A_776 = arith.constant 80 : index
        %get3A_777 = tpu.vector_load %arg14[%get3A_774, %get3A_775, %get3A_776] {strides = array<i32>} : memref<5x64x128xf32, #tpu.memory_space<vmem>>, vector<1x1x16xf32>,
        %get3A_778 = vector.shape_cast %get3A_777 : vector<1x1x16xf32> to vector<16xf32>
        %swap3A_779 = arith.constant 2 : i32
        %swap3A_780 = arith.index_cast %swap3A_779 : i32 to index
        %swap3A_781 = arith.index_cast %add3A_768 : i32 to index
        %swap3A_782 = arith.constant 80 : index
        %swap3A_783 = tpu.vector_load %arg13[%swap3A_780, %swap3A_781, %swap3A_782] {strides = array<i32>} : memref<5x64x128xf32, #tpu.memory_space<vmem>>, vector<1x1x16xf32>,
        %swap3A_784 = vector.shape_cast %swap3A_783 : vector<1x1x16xf32> to vector<16xf32>
        %swap3A_785 = vector.shape_cast %get3A_778 : vector<16xf32> to vector<1x1x16xf32>
        tpu.vector_store %arg13[%swap3A_780, %swap3A_781, %swap3A_782], %swap3A_785 {add = true, strides = array<i32>} : memref<5x64x128xf32, #tpu.memory_space<vmem>>, vector<1x1x16xf32>,
        %mul3A_786 = arith.constant 2 : i32
        %mul3A_787 = arith.muli %scan3A_492, %mul3A_786 : i32
        %add3A_788 = arith.constant 1 : i32
        %add3A_789 = arith.addi %mul3A_787, %add3A_788 : i32
        %mul3A_790 = arith.constant 2 : i32
        %mul3A_791 = arith.muli %scan3A_492, %mul3A_790 : i32
        %add3A_792 = arith.constant 1 : i32
        %add3A_793 = arith.addi %mul3A_791, %add3A_792 : i32
        %get3A_794 = arith.constant 2 : i32
        %get3A_795 = arith.index_cast %get3A_794 : i32 to index
        %get3A_796 = arith.index_cast %add3A_793 : i32 to index
        %get3A_797 = arith.constant 96 : index
        %get3A_798 = tpu.vector_load %arg14[%get3A_795, %get3A_796, %get3A_797] {strides = array<i32>} : memref<5x64x128xf32, #tpu.memory_space<vmem>>, vector<1x1x16xf32>,
        %get3A_799 = vector.shape_cast %get3A_798 : vector<1x1x16xf32> to vector<16xf32>
        %swap3A_800 = arith.constant 2 : i32
        %swap3A_801 = arith.index_cast %swap3A_800 : i32 to index
        %swap3A_802 = arith.index_cast %add3A_789 : i32 to index
        %swap3A_803 = arith.constant 96 : index
        %swap3A_804 = tpu.vector_load %arg13[%swap3A_801, %swap3A_802, %swap3A_803] {strides = array<i32>} : memref<5x64x128xf32, #tpu.memory_space<vmem>>, vector<1x1x16xf32>,
        %swap3A_805 = vector.shape_cast %swap3A_804 : vector<1x1x16xf32> to vector<16xf32>
        %swap3A_806 = vector.shape_cast %get3A_799 : vector<16xf32> to vector<1x1x16xf32>
        tpu.vector_store %arg13[%swap3A_801, %swap3A_802, %swap3A_803], %swap3A_806 {add = true, strides = array<i32>} : memref<5x64x128xf32, #tpu.memory_space<vmem>>, vector<1x1x16xf32>,
        %mul3A_807 = arith.constant 2 : i32
        %mul3A_808 = arith.muli %scan3A_492, %mul3A_807 : i32
        %add3A_809 = arith.constant 1 : i32
        %add3A_810 = arith.addi %mul3A_808, %add3A_809 : i32
        %mul3A_811 = arith.constant 2 : i32
        %mul3A_812 = arith.muli %scan3A_492, %mul3A_811 : i32
        %add3A_813 = arith.constant 1 : i32
        %add3A_814 = arith.addi %mul3A_812, %add3A_813 : i32
        %get3A_815 = arith.constant 2 : i32
        %get3A_816 = arith.index_cast %get3A_815 : i32 to index
        %get3A_817 = arith.index_cast %add3A_814 : i32 to index
        %get3A_818 = arith.constant 112 : index
        %get3A_819 = tpu.vector_load %arg14[%get3A_816, %get3A_817, %get3A_818] {strides = array<i32>} : memref<5x64x128xf32, #tpu.memory_space<vmem>>, vector<1x1x16xf32>,
        %get3A_820 = vector.shape_cast %get3A_819 : vector<1x1x16xf32> to vector<16xf32>
        %swap3A_821 = arith.constant 2 : i32
        %swap3A_822 = arith.index_cast %swap3A_821 : i32 to index
        %swap3A_823 = arith.index_cast %add3A_810 : i32 to index
        %swap3A_824 = arith.constant 112 : index
        %swap3A_825 = tpu.vector_load %arg13[%swap3A_822, %swap3A_823, %swap3A_824] {strides = array<i32>} : memref<5x64x128xf32, #tpu.memory_space<vmem>>, vector<1x1x16xf32>,
        %swap3A_826 = vector.shape_cast %swap3A_825 : vector<1x1x16xf32> to vector<16xf32>
        %swap3A_827 = vector.shape_cast %get3A_820 : vector<16xf32> to vector<1x1x16xf32>
        tpu.vector_store %arg13[%swap3A_822, %swap3A_823, %swap3A_824], %swap3A_827 {add = true, strides = array<i32>} : memref<5x64x128xf32, #tpu.memory_space<vmem>>, vector<1x1x16xf32>,
        %scan3A_828 = arith.constant 0 : i32
        scf.yield %scan3A_828 : i32
      }
      %scan3A_324 = arith.constant 32 : i32
      %mul3A_325 = arith.constant 64 : i32
      %mul3A_326 = arith.muli %add3A_287, %mul3A_325 : i32
      %add3A_327 = arith.addi %mul3A_2, %mul3A_326 : i32
      %dma_start3A_328 = arith.constant 2 : i32
      %dma_start3A_329 = arith.constant 0 : i32
      %dma_start3A_330 = arith.constant 0 : i32
      %dma_start3A_331 = tpu.memref_slice %arg13[%dma_start3A_328, %dma_start3A_329, %dma_start3A_330] : memref<5x64x128xf32, #tpu.memory_space<vmem>> -> memref<1x64x128xf32, #tpu.memory_space<vmem>>
      %dma_start3A_332 = tpu.memref_squeeze %dma_start3A_331 : memref<1x64x128xf32, #tpu.memory_space<vmem>> -> memref<64x128xf32, #tpu.memory_space<vmem>>
      %dma_start3A_333 = arith.constant 0 : i32
      %dma_start3A_334 = tpu.memref_slice %arg6[%add3A_327, %dma_start3A_333] : memref<204800x128xf32, #tpu.memory_space<hbm>> -> memref<64x128xf32, #tpu.memory_space<hbm>>
      %dma_start3A_335 = arith.constant 0 : i32
      %dma_start3A_336 = tpu.memref_slice %arg6[%add3A_327, %dma_start3A_335] : memref<204800x128xf32, #tpu.memory_space<hbm>> -> memref<64x128xf32, #tpu.memory_space<hbm>>
      %dma_start3A_337 = arith.constant 0 : i32
      %dma_start3A_338 = arith.constant 0 : i32
      %dma_start3A_339 = tpu.memref_slice %arg13[%dma_start3A_328, %dma_start3A_337, %dma_start3A_338] : memref<5x64x128xf32, #tpu.memory_space<vmem>> -> memref<1x64x128xf32, #tpu.memory_space<vmem>>
      %dma_start3A_340 = tpu.memref_squeeze %dma_start3A_339 : memref<1x64x128xf32, #tpu.memory_space<vmem>> -> memref<64x128xf32, #tpu.memory_space<vmem>>
      tpu.enqueue_dma source(%dma_start3A_340 : memref<64x128xf32, #tpu.memory_space<vmem>>) target(%dma_start3A_336 : memref<64x128xf32, #tpu.memory_space<hbm>>) target_semaphore(%arg28 : memref<!tpu.dma_semaphore, #tpu.memory_space<semaphore_mem>>)
      %add3A_341 = arith.constant 4 : i32
      %add3A_342 = arith.addi %add3A_287, %add3A_341 : i32
      %ge3A_343 = arith.constant 1 : i32
      %ge3A_344 = arith.cmpi sge, %add3A_287, %ge3A_343 : i32
      %convert_element_type3A_345 = arith.extui %ge3A_344 : i1 to i32
      %cond3A_346 = arith.constant 0 : i32
      %cond3A_347 = arith.cmpi ne, %convert_element_type3A_345, %cond3A_346 : i32
      scf.if %cond3A_347 {
        %dma_wait3A_492 = arith.constant 2 : i32
        %dma_wait3A_493 = arith.constant 0 : i32
        %dma_wait3A_494 = arith.constant 0 : i32
        %dma_wait3A_495 = tpu.memref_slice %arg13[%dma_wait3A_492, %dma_wait3A_493, %dma_wait3A_494] : memref<5x64x128xf32, #tpu.memory_space<vmem>> -> memref<1x64x128xf32, #tpu.memory_space<vmem>>
        %dma_wait3A_496 = tpu.memref_squeeze %dma_wait3A_495 : memref<1x64x128xf32, #tpu.memory_space<vmem>> -> memref<64x128xf32, #tpu.memory_space<vmem>>
        %dma_wait3A_497 = arith.constant 0 : i32
        %dma_wait3A_498 = arith.constant 0 : i32
        %dma_wait3A_499 = tpu.memref_slice %arg4[%dma_wait3A_497, %dma_wait3A_498] : memref<100000x128xf32, #tpu.memory_space<hbm>> -> memref<64x128xf32, #tpu.memory_space<hbm>>
        %dma_wait3A_500 = arith.constant 0 : i32
        %dma_wait3A_501 = arith.constant 0 : i32
        %dma_wait3A_502 = tpu.memref_slice %arg13[%dma_wait3A_492, %dma_wait3A_500, %dma_wait3A_501] : memref<5x64x128xf32, #tpu.memory_space<vmem>> -> memref<1x64x128xf32, #tpu.memory_space<vmem>>
        %dma_wait3A_503 = tpu.memref_squeeze %dma_wait3A_502 : memref<1x64x128xf32, #tpu.memory_space<vmem>> -> memref<64x128xf32, #tpu.memory_space<vmem>>
        %dma_wait3A_504 = arith.constant 0 : i32
        %dma_wait3A_505 = arith.constant 0 : i32
        %dma_wait3A_506 = tpu.memref_slice %arg4[%dma_wait3A_504, %dma_wait3A_505] : memref<100000x128xf32, #tpu.memory_space<hbm>> -> memref<64x128xf32, #tpu.memory_space<hbm>>
        tpu.wait_dma2 semaphore(%arg27 : memref<!tpu.dma_semaphore, #tpu.memory_space<semaphore_mem>>) src(%dma_wait3A_506 : memref<64x128xf32, #tpu.memory_space<hbm>>) dst(%dma_wait3A_503 : memref<64x128xf32, #tpu.memory_space<vmem>>)
      } else {
      }
      %lt3A_348 = arith.constant 100 : i32
      %lt3A_349 = arith.cmpi slt, %add3A_342, %lt3A_348 : i32
      %convert_element_type3A_350 = arith.extui %lt3A_349 : i1 to i32
      %cond3A_351 = arith.constant 0 : i32
      %cond3A_352 = arith.cmpi ne, %convert_element_type3A_350, %cond3A_351 : i32
      scf.if %cond3A_352 {
        %mul3A_492 = arith.constant 64 : i32
        %mul3A_493 = arith.muli %add3A_342, %mul3A_492 : i32
        %dma_start3A_494 = arith.constant 1 : i32
        %dma_start3A_495 = arith.constant 0 : i32
        %dma_start3A_496 = arith.constant 0 : i32
        %dma_start3A_497 = tpu.memref_slice %arg13[%dma_start3A_494, %dma_start3A_495, %dma_start3A_496] : memref<5x64x128xf32, #tpu.memory_space<vmem>> -> memref<1x64x128xf32, #tpu.memory_space<vmem>>
        %dma_start3A_498 = tpu.memref_squeeze %dma_start3A_497 : memref<1x64x128xf32, #tpu.memory_space<vmem>> -> memref<64x128xf32, #tpu.memory_space<vmem>>
        %dma_start3A_499 = tpu.memref_slice %arg11[%mul3A_493] : memref<6400xi32, #tpu.memory_space<vmem>> -> memref<64xi32, #tpu.memory_space<vmem>>
        %dma_start3A_500 = arith.constant 0 : i32
        %dma_start3A_501 = arith.constant 0 : i32
        %dma_start3A_502 = tpu.memref_slice %arg4[%dma_start3A_500, %dma_start3A_501] : memref<100000x128xf32, #tpu.memory_space<hbm>> -> memref<100000x128xf32, #tpu.memory_space<hbm>>
        tpu.enqueue_indirect_dma source(%dma_start3A_502 : memref<100000x128xf32, #tpu.memory_space<hbm>>) target(%dma_start3A_498 : memref<64x128xf32, #tpu.memory_space<vmem>>) offsets(%dma_start3A_499 : memref<64xi32, #tpu.memory_space<vmem>>) semaphore(%arg17 : memref<!tpu.dma_semaphore, #tpu.memory_space<semaphore_mem>>)
        %mul3A_503 = arith.constant 64 : i32
        %mul3A_504 = arith.muli %add3A_342, %mul3A_503 : i32
        %dma_start3A_505 = arith.constant 1 : i32
        %dma_start3A_506 = arith.constant 0 : i32
        %dma_start3A_507 = arith.constant 0 : i32
        %dma_start3A_508 = tpu.memref_slice %arg14[%dma_start3A_505, %dma_start3A_506, %dma_start3A_507] : memref<5x64x128xf32, #tpu.memory_space<vmem>> -> memref<1x64x128xf32, #tpu.memory_space<vmem>>
        %dma_start3A_509 = tpu.memref_squeeze %dma_start3A_508 : memref<1x64x128xf32, #tpu.memory_space<vmem>> -> memref<64x128xf32, #tpu.memory_space<vmem>>
        %dma_start3A_510 = tpu.memref_slice %arg12[%mul3A_504] : memref<6400xi32, #tpu.memory_space<vmem>> -> memref<64xi32, #tpu.memory_space<vmem>>
        %dma_start3A_511 = arith.constant 0 : i32
        %dma_start3A_512 = arith.constant 0 : i32
        %dma_start3A_513 = tpu.memref_slice %arg15[%dma_start3A_511, %dma_start3A_512] : memref<512x128xf32, #tpu.memory_space<vmem_shared>> -> memref<512x128xf32, #tpu.memory_space<vmem_shared>>
        tpu.enqueue_indirect_dma source(%dma_start3A_513 : memref<512x128xf32, #tpu.memory_space<vmem_shared>>) target(%dma_start3A_509 : memref<64x128xf32, #tpu.memory_space<vmem>>) offsets(%dma_start3A_510 : memref<64xi32, #tpu.memory_space<vmem>>) semaphore(%arg22 : memref<!tpu.dma_semaphore, #tpu.memory_space<semaphore_mem>>)
      } else {
      }
      %mul3A_353 = arith.constant 5 : i32
      %mul3A_354 = arith.muli %scan3A_148, %mul3A_353 : i32
      %add3A_355 = arith.constant 3 : i32
      %add3A_356 = arith.addi %mul3A_354, %add3A_355 : i32
      %dma_wait3A_357 = arith.constant 3 : i32
      %dma_wait3A_358 = arith.constant 0 : i32
      %dma_wait3A_359 = arith.constant 0 : i32
      %dma_wait3A_360 = tpu.memref_slice %arg13[%dma_wait3A_357, %dma_wait3A_358, %dma_wait3A_359] : memref<5x64x128xf32, #tpu.memory_space<vmem>> -> memref<1x64x128xf32, #tpu.memory_space<vmem>>
      %dma_wait3A_361 = tpu.memref_squeeze %dma_wait3A_360 : memref<1x64x128xf32, #tpu.memory_space<vmem>> -> memref<64x128xf32, #tpu.memory_space<vmem>>
      %dma_wait3A_362 = arith.constant 0 : i32
      %dma_wait3A_363 = arith.constant 0 : i32
      %dma_wait3A_364 = tpu.memref_slice %arg4[%dma_wait3A_362, %dma_wait3A_363] : memref<100000x128xf32, #tpu.memory_space<hbm>> -> memref<64x128xf32, #tpu.memory_space<hbm>>
      %dma_wait3A_365 = arith.constant 0 : i32
      %dma_wait3A_366 = arith.constant 0 : i32
      %dma_wait3A_367 = tpu.memref_slice %arg13[%dma_wait3A_357, %dma_wait3A_365, %dma_wait3A_366] : memref<5x64x128xf32, #tpu.memory_space<vmem>> -> memref<1x64x128xf32, #tpu.memory_space<vmem>>
      %dma_wait3A_368 = tpu.memref_squeeze %dma_wait3A_367 : memref<1x64x128xf32, #tpu.memory_space<vmem>> -> memref<64x128xf32, #tpu.memory_space<vmem>>
      %dma_wait3A_369 = arith.constant 0 : i32
      %dma_wait3A_370 = arith.constant 0 : i32
      %dma_wait3A_371 = tpu.memref_slice %arg4[%dma_wait3A_369, %dma_wait3A_370] : memref<100000x128xf32, #tpu.memory_space<hbm>> -> memref<64x128xf32, #tpu.memory_space<hbm>>
      tpu.wait_dma2 semaphore(%arg19 : memref<!tpu.dma_semaphore, #tpu.memory_space<semaphore_mem>>) src(%dma_wait3A_371 : memref<64x128xf32, #tpu.memory_space<hbm>>) dst(%dma_wait3A_368 : memref<64x128xf32, #tpu.memory_space<vmem>>)
      %dma_wait3A_372 = arith.constant 3 : i32
      %dma_wait3A_373 = arith.constant 0 : i32
      %dma_wait3A_374 = arith.constant 0 : i32
      %dma_wait3A_375 = tpu.memref_slice %arg13[%dma_wait3A_372, %dma_wait3A_373, %dma_wait3A_374] : memref<5x64x128xf32, #tpu.memory_space<vmem>> -> memref<1x64x128xf32, #tpu.memory_space<vmem>>
      %dma_wait3A_376 = tpu.memref_squeeze %dma_wait3A_375 : memref<1x64x128xf32, #tpu.memory_space<vmem>> -> memref<64x128xf32, #tpu.memory_space<vmem>>
      %dma_wait3A_377 = arith.constant 0 : i32
      %dma_wait3A_378 = arith.constant 0 : i32
      %dma_wait3A_379 = tpu.memref_slice %arg4[%dma_wait3A_377, %dma_wait3A_378] : memref<100000x128xf32, #tpu.memory_space<hbm>> -> memref<64x128xf32, #tpu.memory_space<hbm>>
      %dma_wait3A_380 = arith.constant 0 : i32
      %dma_wait3A_381 = arith.constant 0 : i32
      %dma_wait3A_382 = tpu.memref_slice %arg13[%dma_wait3A_372, %dma_wait3A_380, %dma_wait3A_381] : memref<5x64x128xf32, #tpu.memory_space<vmem>> -> memref<1x64x128xf32, #tpu.memory_space<vmem>>
      %dma_wait3A_383 = tpu.memref_squeeze %dma_wait3A_382 : memref<1x64x128xf32, #tpu.memory_space<vmem>> -> memref<64x128xf32, #tpu.memory_space<vmem>>
      %dma_wait3A_384 = arith.constant 0 : i32
      %dma_wait3A_385 = arith.constant 0 : i32
      %dma_wait3A_386 = tpu.memref_slice %arg4[%dma_wait3A_384, %dma_wait3A_385] : memref<100000x128xf32, #tpu.memory_space<hbm>> -> memref<64x128xf32, #tpu.memory_space<hbm>>
      tpu.wait_dma2 semaphore(%arg24 : memref<!tpu.dma_semaphore, #tpu.memory_space<semaphore_mem>>) src(%dma_wait3A_386 : memref<64x128xf32, #tpu.memory_space<hbm>>) dst(%dma_wait3A_383 : memref<64x128xf32, #tpu.memory_space<vmem>>)
      %scan3A_387 = arith.constant 0 : i32
      %scan3A_388 = arith.constant 0 : i32
      %scan3A_389 = arith.constant 32 : i32
      %scan3A_390 = arith.addi %scan3A_388, %scan3A_389 : i32
      %scan3A_391 = arith.constant 1 : i32
      %scan3A_392 = scf.for %scan3A_492 = %scan3A_388 to %scan3A_390 step %scan3A_391 iter_args(%scan3A_493 = %scan3A_387) -> (i32)  : i32 {
        %mul3A_494 = arith.constant 2 : i32
        %mul3A_495 = arith.muli %scan3A_492, %mul3A_494 : i32
        %add3A_496 = arith.constant 0 : i32
        %add3A_497 = arith.addi %mul3A_495, %add3A_496 : i32
        %mul3A_498 = arith.constant 2 : i32
        %mul3A_499 = arith.muli %scan3A_492, %mul3A_498 : i32
        %add3A_500 = arith.constant 0 : i32
        %add3A_501 = arith.addi %mul3A_499, %add3A_500 : i32
        %get3A = arith.constant 3 : i32
        %get3A_502 = arith.index_cast %get3A : i32 to index
        %get3A_503 = arith.index_cast %add3A_501 : i32 to index
        %get3A_504 = arith.constant 0 : index
        %get3A_505 = tpu.vector_load %arg14[%get3A_502, %get3A_503, %get3A_504] {strides = array<i32>} : memref<5x64x128xf32, #tpu.memory_space<vmem>>, vector<1x1x16xf32>,
        %get3A_506 = vector.shape_cast %get3A_505 : vector<1x1x16xf32> to vector<16xf32>
        %swap3A = arith.constant 3 : i32
        %swap3A_507 = arith.index_cast %swap3A : i32 to index
        %swap3A_508 = arith.index_cast %add3A_497 : i32 to index
        %swap3A_509 = arith.constant 0 : index
        %swap3A_510 = tpu.vector_load %arg13[%swap3A_507, %swap3A_508, %swap3A_509] {strides = array<i32>} : memref<5x64x128xf32, #tpu.memory_space<vmem>>, vector<1x1x16xf32>,
        %swap3A_511 = vector.shape_cast %swap3A_510 : vector<1x1x16xf32> to vector<16xf32>
        %swap3A_512 = vector.shape_cast %get3A_506 : vector<16xf32> to vector<1x1x16xf32>
        tpu.vector_store %arg13[%swap3A_507, %swap3A_508, %swap3A_509], %swap3A_512 {add = true, strides = array<i32>} : memref<5x64x128xf32, #tpu.memory_space<vmem>>, vector<1x1x16xf32>,
        %mul3A_513 = arith.constant 2 : i32
        %mul3A_514 = arith.muli %scan3A_492, %mul3A_513 : i32
        %add3A_515 = arith.constant 0 : i32
        %add3A_516 = arith.addi %mul3A_514, %add3A_515 : i32
        %mul3A_517 = arith.constant 2 : i32
        %mul3A_518 = arith.muli %scan3A_492, %mul3A_517 : i32
        %add3A_519 = arith.constant 0 : i32
        %add3A_520 = arith.addi %mul3A_518, %add3A_519 : i32
        %get3A_521 = arith.constant 3 : i32
        %get3A_522 = arith.index_cast %get3A_521 : i32 to index
        %get3A_523 = arith.index_cast %add3A_520 : i32 to index
        %get3A_524 = arith.constant 16 : index
        %get3A_525 = tpu.vector_load %arg14[%get3A_522, %get3A_523, %get3A_524] {strides = array<i32>} : memref<5x64x128xf32, #tpu.memory_space<vmem>>, vector<1x1x16xf32>,
        %get3A_526 = vector.shape_cast %get3A_525 : vector<1x1x16xf32> to vector<16xf32>
        %swap3A_527 = arith.constant 3 : i32
        %swap3A_528 = arith.index_cast %swap3A_527 : i32 to index
        %swap3A_529 = arith.index_cast %add3A_516 : i32 to index
        %swap3A_530 = arith.constant 16 : index
        %swap3A_531 = tpu.vector_load %arg13[%swap3A_528, %swap3A_529, %swap3A_530] {strides = array<i32>} : memref<5x64x128xf32, #tpu.memory_space<vmem>>, vector<1x1x16xf32>,
        %swap3A_532 = vector.shape_cast %swap3A_531 : vector<1x1x16xf32> to vector<16xf32>
        %swap3A_533 = vector.shape_cast %get3A_526 : vector<16xf32> to vector<1x1x16xf32>
        tpu.vector_store %arg13[%swap3A_528, %swap3A_529, %swap3A_530], %swap3A_533 {add = true, strides = array<i32>} : memref<5x64x128xf32, #tpu.memory_space<vmem>>, vector<1x1x16xf32>,
        %mul3A_534 = arith.constant 2 : i32
        %mul3A_535 = arith.muli %scan3A_492, %mul3A_534 : i32
        %add3A_536 = arith.constant 0 : i32
        %add3A_537 = arith.addi %mul3A_535, %add3A_536 : i32
        %mul3A_538 = arith.constant 2 : i32
        %mul3A_539 = arith.muli %scan3A_492, %mul3A_538 : i32
        %add3A_540 = arith.constant 0 : i32
        %add3A_541 = arith.addi %mul3A_539, %add3A_540 : i32
        %get3A_542 = arith.constant 3 : i32
        %get3A_543 = arith.index_cast %get3A_542 : i32 to index
        %get3A_544 = arith.index_cast %add3A_541 : i32 to index
        %get3A_545 = arith.constant 32 : index
        %get3A_546 = tpu.vector_load %arg14[%get3A_543, %get3A_544, %get3A_545] {strides = array<i32>} : memref<5x64x128xf32, #tpu.memory_space<vmem>>, vector<1x1x16xf32>,
        %get3A_547 = vector.shape_cast %get3A_546 : vector<1x1x16xf32> to vector<16xf32>
        %swap3A_548 = arith.constant 3 : i32
        %swap3A_549 = arith.index_cast %swap3A_548 : i32 to index
        %swap3A_550 = arith.index_cast %add3A_537 : i32 to index
        %swap3A_551 = arith.constant 32 : index
        %swap3A_552 = tpu.vector_load %arg13[%swap3A_549, %swap3A_550, %swap3A_551] {strides = array<i32>} : memref<5x64x128xf32, #tpu.memory_space<vmem>>, vector<1x1x16xf32>,
        %swap3A_553 = vector.shape_cast %swap3A_552 : vector<1x1x16xf32> to vector<16xf32>
        %swap3A_554 = vector.shape_cast %get3A_547 : vector<16xf32> to vector<1x1x16xf32>
        tpu.vector_store %arg13[%swap3A_549, %swap3A_550, %swap3A_551], %swap3A_554 {add = true, strides = array<i32>} : memref<5x64x128xf32, #tpu.memory_space<vmem>>, vector<1x1x16xf32>,
        %mul3A_555 = arith.constant 2 : i32
        %mul3A_556 = arith.muli %scan3A_492, %mul3A_555 : i32
        %add3A_557 = arith.constant 0 : i32
        %add3A_558 = arith.addi %mul3A_556, %add3A_557 : i32
        %mul3A_559 = arith.constant 2 : i32
        %mul3A_560 = arith.muli %scan3A_492, %mul3A_559 : i32
        %add3A_561 = arith.constant 0 : i32
        %add3A_562 = arith.addi %mul3A_560, %add3A_561 : i32
        %get3A_563 = arith.constant 3 : i32
        %get3A_564 = arith.index_cast %get3A_563 : i32 to index
        %get3A_565 = arith.index_cast %add3A_562 : i32 to index
        %get3A_566 = arith.constant 48 : index
        %get3A_567 = tpu.vector_load %arg14[%get3A_564, %get3A_565, %get3A_566] {strides = array<i32>} : memref<5x64x128xf32, #tpu.memory_space<vmem>>, vector<1x1x16xf32>,
        %get3A_568 = vector.shape_cast %get3A_567 : vector<1x1x16xf32> to vector<16xf32>
        %swap3A_569 = arith.constant 3 : i32
        %swap3A_570 = arith.index_cast %swap3A_569 : i32 to index
        %swap3A_571 = arith.index_cast %add3A_558 : i32 to index
        %swap3A_572 = arith.constant 48 : index
        %swap3A_573 = tpu.vector_load %arg13[%swap3A_570, %swap3A_571, %swap3A_572] {strides = array<i32>} : memref<5x64x128xf32, #tpu.memory_space<vmem>>, vector<1x1x16xf32>,
        %swap3A_574 = vector.shape_cast %swap3A_573 : vector<1x1x16xf32> to vector<16xf32>
        %swap3A_575 = vector.shape_cast %get3A_568 : vector<16xf32> to vector<1x1x16xf32>
        tpu.vector_store %arg13[%swap3A_570, %swap3A_571, %swap3A_572], %swap3A_575 {add = true, strides = array<i32>} : memref<5x64x128xf32, #tpu.memory_space<vmem>>, vector<1x1x16xf32>,
        %mul3A_576 = arith.constant 2 : i32
        %mul3A_577 = arith.muli %scan3A_492, %mul3A_576 : i32
        %add3A_578 = arith.constant 0 : i32
        %add3A_579 = arith.addi %mul3A_577, %add3A_578 : i32
        %mul3A_580 = arith.constant 2 : i32
        %mul3A_581 = arith.muli %scan3A_492, %mul3A_580 : i32
        %add3A_582 = arith.constant 0 : i32
        %add3A_583 = arith.addi %mul3A_581, %add3A_582 : i32
        %get3A_584 = arith.constant 3 : i32
        %get3A_585 = arith.index_cast %get3A_584 : i32 to index
        %get3A_586 = arith.index_cast %add3A_583 : i32 to index
        %get3A_587 = arith.constant 64 : index
        %get3A_588 = tpu.vector_load %arg14[%get3A_585, %get3A_586, %get3A_587] {strides = array<i32>} : memref<5x64x128xf32, #tpu.memory_space<vmem>>, vector<1x1x16xf32>,
        %get3A_589 = vector.shape_cast %get3A_588 : vector<1x1x16xf32> to vector<16xf32>
        %swap3A_590 = arith.constant 3 : i32
        %swap3A_591 = arith.index_cast %swap3A_590 : i32 to index
        %swap3A_592 = arith.index_cast %add3A_579 : i32 to index
        %swap3A_593 = arith.constant 64 : index
        %swap3A_594 = tpu.vector_load %arg13[%swap3A_591, %swap3A_592, %swap3A_593] {strides = array<i32>} : memref<5x64x128xf32, #tpu.memory_space<vmem>>, vector<1x1x16xf32>,
        %swap3A_595 = vector.shape_cast %swap3A_594 : vector<1x1x16xf32> to vector<16xf32>
        %swap3A_596 = vector.shape_cast %get3A_589 : vector<16xf32> to vector<1x1x16xf32>
        tpu.vector_store %arg13[%swap3A_591, %swap3A_592, %swap3A_593], %swap3A_596 {add = true, strides = array<i32>} : memref<5x64x128xf32, #tpu.memory_space<vmem>>, vector<1x1x16xf32>,
        %mul3A_597 = arith.constant 2 : i32
        %mul3A_598 = arith.muli %scan3A_492, %mul3A_597 : i32
        %add3A_599 = arith.constant 0 : i32
        %add3A_600 = arith.addi %mul3A_598, %add3A_599 : i32
        %mul3A_601 = arith.constant 2 : i32
        %mul3A_602 = arith.muli %scan3A_492, %mul3A_601 : i32
        %add3A_603 = arith.constant 0 : i32
        %add3A_604 = arith.addi %mul3A_602, %add3A_603 : i32
        %get3A_605 = arith.constant 3 : i32
        %get3A_606 = arith.index_cast %get3A_605 : i32 to index
        %get3A_607 = arith.index_cast %add3A_604 : i32 to index
        %get3A_608 = arith.constant 80 : index
        %get3A_609 = tpu.vector_load %arg14[%get3A_606, %get3A_607, %get3A_608] {strides = array<i32>} : memref<5x64x128xf32, #tpu.memory_space<vmem>>, vector<1x1x16xf32>,
        %get3A_610 = vector.shape_cast %get3A_609 : vector<1x1x16xf32> to vector<16xf32>
        %swap3A_611 = arith.constant 3 : i32
        %swap3A_612 = arith.index_cast %swap3A_611 : i32 to index
        %swap3A_613 = arith.index_cast %add3A_600 : i32 to index
        %swap3A_614 = arith.constant 80 : index
        %swap3A_615 = tpu.vector_load %arg13[%swap3A_612, %swap3A_613, %swap3A_614] {strides = array<i32>} : memref<5x64x128xf32, #tpu.memory_space<vmem>>, vector<1x1x16xf32>,
        %swap3A_616 = vector.shape_cast %swap3A_615 : vector<1x1x16xf32> to vector<16xf32>
        %swap3A_617 = vector.shape_cast %get3A_610 : vector<16xf32> to vector<1x1x16xf32>
        tpu.vector_store %arg13[%swap3A_612, %swap3A_613, %swap3A_614], %swap3A_617 {add = true, strides = array<i32>} : memref<5x64x128xf32, #tpu.memory_space<vmem>>, vector<1x1x16xf32>,
        %mul3A_618 = arith.constant 2 : i32
        %mul3A_619 = arith.muli %scan3A_492, %mul3A_618 : i32
        %add3A_620 = arith.constant 0 : i32
        %add3A_621 = arith.addi %mul3A_619, %add3A_620 : i32
        %mul3A_622 = arith.constant 2 : i32
        %mul3A_623 = arith.muli %scan3A_492, %mul3A_622 : i32
        %add3A_624 = arith.constant 0 : i32
        %add3A_625 = arith.addi %mul3A_623, %add3A_624 : i32
        %get3A_626 = arith.constant 3 : i32
        %get3A_627 = arith.index_cast %get3A_626 : i32 to index
        %get3A_628 = arith.index_cast %add3A_625 : i32 to index
        %get3A_629 = arith.constant 96 : index
        %get3A_630 = tpu.vector_load %arg14[%get3A_627, %get3A_628, %get3A_629] {strides = array<i32>} : memref<5x64x128xf32, #tpu.memory_space<vmem>>, vector<1x1x16xf32>,
        %get3A_631 = vector.shape_cast %get3A_630 : vector<1x1x16xf32> to vector<16xf32>
        %swap3A_632 = arith.constant 3 : i32
        %swap3A_633 = arith.index_cast %swap3A_632 : i32 to index
        %swap3A_634 = arith.index_cast %add3A_621 : i32 to index
        %swap3A_635 = arith.constant 96 : index
        %swap3A_636 = tpu.vector_load %arg13[%swap3A_633, %swap3A_634, %swap3A_635] {strides = array<i32>} : memref<5x64x128xf32, #tpu.memory_space<vmem>>, vector<1x1x16xf32>,
        %swap3A_637 = vector.shape_cast %swap3A_636 : vector<1x1x16xf32> to vector<16xf32>
        %swap3A_638 = vector.shape_cast %get3A_631 : vector<16xf32> to vector<1x1x16xf32>
        tpu.vector_store %arg13[%swap3A_633, %swap3A_634, %swap3A_635], %swap3A_638 {add = true, strides = array<i32>} : memref<5x64x128xf32, #tpu.memory_space<vmem>>, vector<1x1x16xf32>,
        %mul3A_639 = arith.constant 2 : i32
        %mul3A_640 = arith.muli %scan3A_492, %mul3A_639 : i32
        %add3A_641 = arith.constant 0 : i32
        %add3A_642 = arith.addi %mul3A_640, %add3A_641 : i32
        %mul3A_643 = arith.constant 2 : i32
        %mul3A_644 = arith.muli %scan3A_492, %mul3A_643 : i32
        %add3A_645 = arith.constant 0 : i32
        %add3A_646 = arith.addi %mul3A_644, %add3A_645 : i32
        %get3A_647 = arith.constant 3 : i32
        %get3A_648 = arith.index_cast %get3A_647 : i32 to index
        %get3A_649 = arith.index_cast %add3A_646 : i32 to index
        %get3A_650 = arith.constant 112 : index
        %get3A_651 = tpu.vector_load %arg14[%get3A_648, %get3A_649, %get3A_650] {strides = array<i32>} : memref<5x64x128xf32, #tpu.memory_space<vmem>>, vector<1x1x16xf32>,
        %get3A_652 = vector.shape_cast %get3A_651 : vector<1x1x16xf32> to vector<16xf32>
        %swap3A_653 = arith.constant 3 : i32
        %swap3A_654 = arith.index_cast %swap3A_653 : i32 to index
        %swap3A_655 = arith.index_cast %add3A_642 : i32 to index
        %swap3A_656 = arith.constant 112 : index
        %swap3A_657 = tpu.vector_load %arg13[%swap3A_654, %swap3A_655, %swap3A_656] {strides = array<i32>} : memref<5x64x128xf32, #tpu.memory_space<vmem>>, vector<1x1x16xf32>,
        %swap3A_658 = vector.shape_cast %swap3A_657 : vector<1x1x16xf32> to vector<16xf32>
        %swap3A_659 = vector.shape_cast %get3A_652 : vector<16xf32> to vector<1x1x16xf32>
        tpu.vector_store %arg13[%swap3A_654, %swap3A_655, %swap3A_656], %swap3A_659 {add = true, strides = array<i32>} : memref<5x64x128xf32, #tpu.memory_space<vmem>>, vector<1x1x16xf32>,
        %mul3A_660 = arith.constant 2 : i32
        %mul3A_661 = arith.muli %scan3A_492, %mul3A_660 : i32
        %add3A_662 = arith.constant 1 : i32
        %add3A_663 = arith.addi %mul3A_661, %add3A_662 : i32
        %mul3A_664 = arith.constant 2 : i32
        %mul3A_665 = arith.muli %scan3A_492, %mul3A_664 : i32
        %add3A_666 = arith.constant 1 : i32
        %add3A_667 = arith.addi %mul3A_665, %add3A_666 : i32
        %get3A_668 = arith.constant 3 : i32
        %get3A_669 = arith.index_cast %get3A_668 : i32 to index
        %get3A_670 = arith.index_cast %add3A_667 : i32 to index
        %get3A_671 = arith.constant 0 : index
        %get3A_672 = tpu.vector_load %arg14[%get3A_669, %get3A_670, %get3A_671] {strides = array<i32>} : memref<5x64x128xf32, #tpu.memory_space<vmem>>, vector<1x1x16xf32>,
        %get3A_673 = vector.shape_cast %get3A_672 : vector<1x1x16xf32> to vector<16xf32>
        %swap3A_674 = arith.constant 3 : i32
        %swap3A_675 = arith.index_cast %swap3A_674 : i32 to index
        %swap3A_676 = arith.index_cast %add3A_663 : i32 to index
        %swap3A_677 = arith.constant 0 : index
        %swap3A_678 = tpu.vector_load %arg13[%swap3A_675, %swap3A_676, %swap3A_677] {strides = array<i32>} : memref<5x64x128xf32, #tpu.memory_space<vmem>>, vector<1x1x16xf32>,
        %swap3A_679 = vector.shape_cast %swap3A_678 : vector<1x1x16xf32> to vector<16xf32>
        %swap3A_680 = vector.shape_cast %get3A_673 : vector<16xf32> to vector<1x1x16xf32>
        tpu.vector_store %arg13[%swap3A_675, %swap3A_676, %swap3A_677], %swap3A_680 {add = true, strides = array<i32>} : memref<5x64x128xf32, #tpu.memory_space<vmem>>, vector<1x1x16xf32>,
        %mul3A_681 = arith.constant 2 : i32
        %mul3A_682 = arith.muli %scan3A_492, %mul3A_681 : i32
        %add3A_683 = arith.constant 1 : i32
        %add3A_684 = arith.addi %mul3A_682, %add3A_683 : i32
        %mul3A_685 = arith.constant 2 : i32
        %mul3A_686 = arith.muli %scan3A_492, %mul3A_685 : i32
        %add3A_687 = arith.constant 1 : i32
        %add3A_688 = arith.addi %mul3A_686, %add3A_687 : i32
        %get3A_689 = arith.constant 3 : i32
        %get3A_690 = arith.index_cast %get3A_689 : i32 to index
        %get3A_691 = arith.index_cast %add3A_688 : i32 to index
        %get3A_692 = arith.constant 16 : index
        %get3A_693 = tpu.vector_load %arg14[%get3A_690, %get3A_691, %get3A_692] {strides = array<i32>} : memref<5x64x128xf32, #tpu.memory_space<vmem>>, vector<1x1x16xf32>,
        %get3A_694 = vector.shape_cast %get3A_693 : vector<1x1x16xf32> to vector<16xf32>
        %swap3A_695 = arith.constant 3 : i32
        %swap3A_696 = arith.index_cast %swap3A_695 : i32 to index
        %swap3A_697 = arith.index_cast %add3A_684 : i32 to index
        %swap3A_698 = arith.constant 16 : index
        %swap3A_699 = tpu.vector_load %arg13[%swap3A_696, %swap3A_697, %swap3A_698] {strides = array<i32>} : memref<5x64x128xf32, #tpu.memory_space<vmem>>, vector<1x1x16xf32>,
        %swap3A_700 = vector.shape_cast %swap3A_699 : vector<1x1x16xf32> to vector<16xf32>
        %swap3A_701 = vector.shape_cast %get3A_694 : vector<16xf32> to vector<1x1x16xf32>
        tpu.vector_store %arg13[%swap3A_696, %swap3A_697, %swap3A_698], %swap3A_701 {add = true, strides = array<i32>} : memref<5x64x128xf32, #tpu.memory_space<vmem>>, vector<1x1x16xf32>,
        %mul3A_702 = arith.constant 2 : i32
        %mul3A_703 = arith.muli %scan3A_492, %mul3A_702 : i32
        %add3A_704 = arith.constant 1 : i32
        %add3A_705 = arith.addi %mul3A_703, %add3A_704 : i32
        %mul3A_706 = arith.constant 2 : i32
        %mul3A_707 = arith.muli %scan3A_492, %mul3A_706 : i32
        %add3A_708 = arith.constant 1 : i32
        %add3A_709 = arith.addi %mul3A_707, %add3A_708 : i32
        %get3A_710 = arith.constant 3 : i32
        %get3A_711 = arith.index_cast %get3A_710 : i32 to index
        %get3A_712 = arith.index_cast %add3A_709 : i32 to index
        %get3A_713 = arith.constant 32 : index
        %get3A_714 = tpu.vector_load %arg14[%get3A_711, %get3A_712, %get3A_713] {strides = array<i32>} : memref<5x64x128xf32, #tpu.memory_space<vmem>>, vector<1x1x16xf32>,
        %get3A_715 = vector.shape_cast %get3A_714 : vector<1x1x16xf32> to vector<16xf32>
        %swap3A_716 = arith.constant 3 : i32
        %swap3A_717 = arith.index_cast %swap3A_716 : i32 to index
        %swap3A_718 = arith.index_cast %add3A_705 : i32 to index
        %swap3A_719 = arith.constant 32 : index
        %swap3A_720 = tpu.vector_load %arg13[%swap3A_717, %swap3A_718, %swap3A_719] {strides = array<i32>} : memref<5x64x128xf32, #tpu.memory_space<vmem>>, vector<1x1x16xf32>,
        %swap3A_721 = vector.shape_cast %swap3A_720 : vector<1x1x16xf32> to vector<16xf32>
        %swap3A_722 = vector.shape_cast %get3A_715 : vector<16xf32> to vector<1x1x16xf32>
        tpu.vector_store %arg13[%swap3A_717, %swap3A_718, %swap3A_719], %swap3A_722 {add = true, strides = array<i32>} : memref<5x64x128xf32, #tpu.memory_space<vmem>>, vector<1x1x16xf32>,
        %mul3A_723 = arith.constant 2 : i32
        %mul3A_724 = arith.muli %scan3A_492, %mul3A_723 : i32
        %add3A_725 = arith.constant 1 : i32
        %add3A_726 = arith.addi %mul3A_724, %add3A_725 : i32
        %mul3A_727 = arith.constant 2 : i32
        %mul3A_728 = arith.muli %scan3A_492, %mul3A_727 : i32
        %add3A_729 = arith.constant 1 : i32
        %add3A_730 = arith.addi %mul3A_728, %add3A_729 : i32
        %get3A_731 = arith.constant 3 : i32
        %get3A_732 = arith.index_cast %get3A_731 : i32 to index
        %get3A_733 = arith.index_cast %add3A_730 : i32 to index
        %get3A_734 = arith.constant 48 : index
        %get3A_735 = tpu.vector_load %arg14[%get3A_732, %get3A_733, %get3A_734] {strides = array<i32>} : memref<5x64x128xf32, #tpu.memory_space<vmem>>, vector<1x1x16xf32>,
        %get3A_736 = vector.shape_cast %get3A_735 : vector<1x1x16xf32> to vector<16xf32>
        %swap3A_737 = arith.constant 3 : i32
        %swap3A_738 = arith.index_cast %swap3A_737 : i32 to index
        %swap3A_739 = arith.index_cast %add3A_726 : i32 to index
        %swap3A_740 = arith.constant 48 : index
        %swap3A_741 = tpu.vector_load %arg13[%swap3A_738, %swap3A_739, %swap3A_740] {strides = array<i32>} : memref<5x64x128xf32, #tpu.memory_space<vmem>>, vector<1x1x16xf32>,
        %swap3A_742 = vector.shape_cast %swap3A_741 : vector<1x1x16xf32> to vector<16xf32>
        %swap3A_743 = vector.shape_cast %get3A_736 : vector<16xf32> to vector<1x1x16xf32>
        tpu.vector_store %arg13[%swap3A_738, %swap3A_739, %swap3A_740], %swap3A_743 {add = true, strides = array<i32>} : memref<5x64x128xf32, #tpu.memory_space<vmem>>, vector<1x1x16xf32>,
        %mul3A_744 = arith.constant 2 : i32
        %mul3A_745 = arith.muli %scan3A_492, %mul3A_744 : i32
        %add3A_746 = arith.constant 1 : i32
        %add3A_747 = arith.addi %mul3A_745, %add3A_746 : i32
        %mul3A_748 = arith.constant 2 : i32
        %mul3A_749 = arith.muli %scan3A_492, %mul3A_748 : i32
        %add3A_750 = arith.constant 1 : i32
        %add3A_751 = arith.addi %mul3A_749, %add3A_750 : i32
        %get3A_752 = arith.constant 3 : i32
        %get3A_753 = arith.index_cast %get3A_752 : i32 to index
        %get3A_754 = arith.index_cast %add3A_751 : i32 to index
        %get3A_755 = arith.constant 64 : index
        %get3A_756 = tpu.vector_load %arg14[%get3A_753, %get3A_754, %get3A_755] {strides = array<i32>} : memref<5x64x128xf32, #tpu.memory_space<vmem>>, vector<1x1x16xf32>,
        %get3A_757 = vector.shape_cast %get3A_756 : vector<1x1x16xf32> to vector<16xf32>
        %swap3A_758 = arith.constant 3 : i32
        %swap3A_759 = arith.index_cast %swap3A_758 : i32 to index
        %swap3A_760 = arith.index_cast %add3A_747 : i32 to index
        %swap3A_761 = arith.constant 64 : index
        %swap3A_762 = tpu.vector_load %arg13[%swap3A_759, %swap3A_760, %swap3A_761] {strides = array<i32>} : memref<5x64x128xf32, #tpu.memory_space<vmem>>, vector<1x1x16xf32>,
        %swap3A_763 = vector.shape_cast %swap3A_762 : vector<1x1x16xf32> to vector<16xf32>
        %swap3A_764 = vector.shape_cast %get3A_757 : vector<16xf32> to vector<1x1x16xf32>
        tpu.vector_store %arg13[%swap3A_759, %swap3A_760, %swap3A_761], %swap3A_764 {add = true, strides = array<i32>} : memref<5x64x128xf32, #tpu.memory_space<vmem>>, vector<1x1x16xf32>,
        %mul3A_765 = arith.constant 2 : i32
        %mul3A_766 = arith.muli %scan3A_492, %mul3A_765 : i32
        %add3A_767 = arith.constant 1 : i32
        %add3A_768 = arith.addi %mul3A_766, %add3A_767 : i32
        %mul3A_769 = arith.constant 2 : i32
        %mul3A_770 = arith.muli %scan3A_492, %mul3A_769 : i32
        %add3A_771 = arith.constant 1 : i32
        %add3A_772 = arith.addi %mul3A_770, %add3A_771 : i32
        %get3A_773 = arith.constant 3 : i32
        %get3A_774 = arith.index_cast %get3A_773 : i32 to index
        %get3A_775 = arith.index_cast %add3A_772 : i32 to index
        %get3A_776 = arith.constant 80 : index
        %get3A_777 = tpu.vector_load %arg14[%get3A_774, %get3A_775, %get3A_776] {strides = array<i32>} : memref<5x64x128xf32, #tpu.memory_space<vmem>>, vector<1x1x16xf32>,
        %get3A_778 = vector.shape_cast %get3A_777 : vector<1x1x16xf32> to vector<16xf32>
        %swap3A_779 = arith.constant 3 : i32
        %swap3A_780 = arith.index_cast %swap3A_779 : i32 to index
        %swap3A_781 = arith.index_cast %add3A_768 : i32 to index
        %swap3A_782 = arith.constant 80 : index
        %swap3A_783 = tpu.vector_load %arg13[%swap3A_780, %swap3A_781, %swap3A_782] {strides = array<i32>} : memref<5x64x128xf32, #tpu.memory_space<vmem>>, vector<1x1x16xf32>,
        %swap3A_784 = vector.shape_cast %swap3A_783 : vector<1x1x16xf32> to vector<16xf32>
        %swap3A_785 = vector.shape_cast %get3A_778 : vector<16xf32> to vector<1x1x16xf32>
        tpu.vector_store %arg13[%swap3A_780, %swap3A_781, %swap3A_782], %swap3A_785 {add = true, strides = array<i32>} : memref<5x64x128xf32, #tpu.memory_space<vmem>>, vector<1x1x16xf32>,
        %mul3A_786 = arith.constant 2 : i32
        %mul3A_787 = arith.muli %scan3A_492, %mul3A_786 : i32
        %add3A_788 = arith.constant 1 : i32
        %add3A_789 = arith.addi %mul3A_787, %add3A_788 : i32
        %mul3A_790 = arith.constant 2 : i32
        %mul3A_791 = arith.muli %scan3A_492, %mul3A_790 : i32
        %add3A_792 = arith.constant 1 : i32
        %add3A_793 = arith.addi %mul3A_791, %add3A_792 : i32
        %get3A_794 = arith.constant 3 : i32
        %get3A_795 = arith.index_cast %get3A_794 : i32 to index
        %get3A_796 = arith.index_cast %add3A_793 : i32 to index
        %get3A_797 = arith.constant 96 : index
        %get3A_798 = tpu.vector_load %arg14[%get3A_795, %get3A_796, %get3A_797] {strides = array<i32>} : memref<5x64x128xf32, #tpu.memory_space<vmem>>, vector<1x1x16xf32>,
        %get3A_799 = vector.shape_cast %get3A_798 : vector<1x1x16xf32> to vector<16xf32>
        %swap3A_800 = arith.constant 3 : i32
        %swap3A_801 = arith.index_cast %swap3A_800 : i32 to index
        %swap3A_802 = arith.index_cast %add3A_789 : i32 to index
        %swap3A_803 = arith.constant 96 : index
        %swap3A_804 = tpu.vector_load %arg13[%swap3A_801, %swap3A_802, %swap3A_803] {strides = array<i32>} : memref<5x64x128xf32, #tpu.memory_space<vmem>>, vector<1x1x16xf32>,
        %swap3A_805 = vector.shape_cast %swap3A_804 : vector<1x1x16xf32> to vector<16xf32>
        %swap3A_806 = vector.shape_cast %get3A_799 : vector<16xf32> to vector<1x1x16xf32>
        tpu.vector_store %arg13[%swap3A_801, %swap3A_802, %swap3A_803], %swap3A_806 {add = true, strides = array<i32>} : memref<5x64x128xf32, #tpu.memory_space<vmem>>, vector<1x1x16xf32>,
        %mul3A_807 = arith.constant 2 : i32
        %mul3A_808 = arith.muli %scan3A_492, %mul3A_807 : i32
        %add3A_809 = arith.constant 1 : i32
        %add3A_810 = arith.addi %mul3A_808, %add3A_809 : i32
        %mul3A_811 = arith.constant 2 : i32
        %mul3A_812 = arith.muli %scan3A_492, %mul3A_811 : i32
        %add3A_813 = arith.constant 1 : i32
        %add3A_814 = arith.addi %mul3A_812, %add3A_813 : i32
        %get3A_815 = arith.constant 3 : i32
        %get3A_816 = arith.index_cast %get3A_815 : i32 to index
        %get3A_817 = arith.index_cast %add3A_814 : i32 to index
        %get3A_818 = arith.constant 112 : index
        %get3A_819 = tpu.vector_load %arg14[%get3A_816, %get3A_817, %get3A_818] {strides = array<i32>} : memref<5x64x128xf32, #tpu.memory_space<vmem>>, vector<1x1x16xf32>,
        %get3A_820 = vector.shape_cast %get3A_819 : vector<1x1x16xf32> to vector<16xf32>
        %swap3A_821 = arith.constant 3 : i32
        %swap3A_822 = arith.index_cast %swap3A_821 : i32 to index
        %swap3A_823 = arith.index_cast %add3A_810 : i32 to index
        %swap3A_824 = arith.constant 112 : index
        %swap3A_825 = tpu.vector_load %arg13[%swap3A_822, %swap3A_823, %swap3A_824] {strides = array<i32>} : memref<5x64x128xf32, #tpu.memory_space<vmem>>, vector<1x1x16xf32>,
        %swap3A_826 = vector.shape_cast %swap3A_825 : vector<1x1x16xf32> to vector<16xf32>
        %swap3A_827 = vector.shape_cast %get3A_820 : vector<16xf32> to vector<1x1x16xf32>
        tpu.vector_store %arg13[%swap3A_822, %swap3A_823, %swap3A_824], %swap3A_827 {add = true, strides = array<i32>} : memref<5x64x128xf32, #tpu.memory_space<vmem>>, vector<1x1x16xf32>,
        %scan3A_828 = arith.constant 0 : i32
        scf.yield %scan3A_828 : i32
      }
      %scan3A_393 = arith.constant 32 : i32
      %mul3A_394 = arith.constant 64 : i32
      %mul3A_395 = arith.muli %add3A_356, %mul3A_394 : i32
      %add3A_396 = arith.addi %mul3A_2, %mul3A_395 : i32
      %dma_start3A_397 = arith.constant 3 : i32
      %dma_start3A_398 = arith.constant 0 : i32
      %dma_start3A_399 = arith.constant 0 : i32
      %dma_start3A_400 = tpu.memref_slice %arg13[%dma_start3A_397, %dma_start3A_398, %dma_start3A_399] : memref<5x64x128xf32, #tpu.memory_space<vmem>> -> memref<1x64x128xf32, #tpu.memory_space<vmem>>
      %dma_start3A_401 = tpu.memref_squeeze %dma_start3A_400 : memref<1x64x128xf32, #tpu.memory_space<vmem>> -> memref<64x128xf32, #tpu.memory_space<vmem>>
      %dma_start3A_402 = arith.constant 0 : i32
      %dma_start3A_403 = tpu.memref_slice %arg6[%add3A_396, %dma_start3A_402] : memref<204800x128xf32, #tpu.memory_space<hbm>> -> memref<64x128xf32, #tpu.memory_space<hbm>>
      %dma_start3A_404 = arith.constant 0 : i32
      %dma_start3A_405 = tpu.memref_slice %arg6[%add3A_396, %dma_start3A_404] : memref<204800x128xf32, #tpu.memory_space<hbm>> -> memref<64x128xf32, #tpu.memory_space<hbm>>
      %dma_start3A_406 = arith.constant 0 : i32
      %dma_start3A_407 = arith.constant 0 : i32
      %dma_start3A_408 = tpu.memref_slice %arg13[%dma_start3A_397, %dma_start3A_406, %dma_start3A_407] : memref<5x64x128xf32, #tpu.memory_space<vmem>> -> memref<1x64x128xf32, #tpu.memory_space<vmem>>
      %dma_start3A_409 = tpu.memref_squeeze %dma_start3A_408 : memref<1x64x128xf32, #tpu.memory_space<vmem>> -> memref<64x128xf32, #tpu.memory_space<vmem>>
      tpu.enqueue_dma source(%dma_start3A_409 : memref<64x128xf32, #tpu.memory_space<vmem>>) target(%dma_start3A_405 : memref<64x128xf32, #tpu.memory_space<hbm>>) target_semaphore(%arg29 : memref<!tpu.dma_semaphore, #tpu.memory_space<semaphore_mem>>)
      %add3A_410 = arith.constant 4 : i32
      %add3A_411 = arith.addi %add3A_356, %add3A_410 : i32
      %ge3A_412 = arith.constant 1 : i32
      %ge3A_413 = arith.cmpi sge, %add3A_356, %ge3A_412 : i32
      %convert_element_type3A_414 = arith.extui %ge3A_413 : i1 to i32
      %cond3A_415 = arith.constant 0 : i32
      %cond3A_416 = arith.cmpi ne, %convert_element_type3A_414, %cond3A_415 : i32
      scf.if %cond3A_416 {
        %dma_wait3A_492 = arith.constant 3 : i32
        %dma_wait3A_493 = arith.constant 0 : i32
        %dma_wait3A_494 = arith.constant 0 : i32
        %dma_wait3A_495 = tpu.memref_slice %arg13[%dma_wait3A_492, %dma_wait3A_493, %dma_wait3A_494] : memref<5x64x128xf32, #tpu.memory_space<vmem>> -> memref<1x64x128xf32, #tpu.memory_space<vmem>>
        %dma_wait3A_496 = tpu.memref_squeeze %dma_wait3A_495 : memref<1x64x128xf32, #tpu.memory_space<vmem>> -> memref<64x128xf32, #tpu.memory_space<vmem>>
        %dma_wait3A_497 = arith.constant 0 : i32
        %dma_wait3A_498 = arith.constant 0 : i32
        %dma_wait3A_499 = tpu.memref_slice %arg4[%dma_wait3A_497, %dma_wait3A_498] : memref<100000x128xf32, #tpu.memory_space<hbm>> -> memref<64x128xf32, #tpu.memory_space<hbm>>
        %dma_wait3A_500 = arith.constant 0 : i32
        %dma_wait3A_501 = arith.constant 0 : i32
        %dma_wait3A_502 = tpu.memref_slice %arg13[%dma_wait3A_492, %dma_wait3A_500, %dma_wait3A_501] : memref<5x64x128xf32, #tpu.memory_space<vmem>> -> memref<1x64x128xf32, #tpu.memory_space<vmem>>
        %dma_wait3A_503 = tpu.memref_squeeze %dma_wait3A_502 : memref<1x64x128xf32, #tpu.memory_space<vmem>> -> memref<64x128xf32, #tpu.memory_space<vmem>>
        %dma_wait3A_504 = arith.constant 0 : i32
        %dma_wait3A_505 = arith.constant 0 : i32
        %dma_wait3A_506 = tpu.memref_slice %arg4[%dma_wait3A_504, %dma_wait3A_505] : memref<100000x128xf32, #tpu.memory_space<hbm>> -> memref<64x128xf32, #tpu.memory_space<hbm>>
        tpu.wait_dma2 semaphore(%arg28 : memref<!tpu.dma_semaphore, #tpu.memory_space<semaphore_mem>>) src(%dma_wait3A_506 : memref<64x128xf32, #tpu.memory_space<hbm>>) dst(%dma_wait3A_503 : memref<64x128xf32, #tpu.memory_space<vmem>>)
      } else {
      }
      %lt3A_417 = arith.constant 100 : i32
      %lt3A_418 = arith.cmpi slt, %add3A_411, %lt3A_417 : i32
      %convert_element_type3A_419 = arith.extui %lt3A_418 : i1 to i32
      %cond3A_420 = arith.constant 0 : i32
      %cond3A_421 = arith.cmpi ne, %convert_element_type3A_419, %cond3A_420 : i32
      scf.if %cond3A_421 {
        %mul3A_492 = arith.constant 64 : i32
        %mul3A_493 = arith.muli %add3A_411, %mul3A_492 : i32
        %dma_start3A_494 = arith.constant 2 : i32
        %dma_start3A_495 = arith.constant 0 : i32
        %dma_start3A_496 = arith.constant 0 : i32
        %dma_start3A_497 = tpu.memref_slice %arg13[%dma_start3A_494, %dma_start3A_495, %dma_start3A_496] : memref<5x64x128xf32, #tpu.memory_space<vmem>> -> memref<1x64x128xf32, #tpu.memory_space<vmem>>
        %dma_start3A_498 = tpu.memref_squeeze %dma_start3A_497 : memref<1x64x128xf32, #tpu.memory_space<vmem>> -> memref<64x128xf32, #tpu.memory_space<vmem>>
        %dma_start3A_499 = tpu.memref_slice %arg11[%mul3A_493] : memref<6400xi32, #tpu.memory_space<vmem>> -> memref<64xi32, #tpu.memory_space<vmem>>
        %dma_start3A_500 = arith.constant 0 : i32
        %dma_start3A_501 = arith.constant 0 : i32
        %dma_start3A_502 = tpu.memref_slice %arg4[%dma_start3A_500, %dma_start3A_501] : memref<100000x128xf32, #tpu.memory_space<hbm>> -> memref<100000x128xf32, #tpu.memory_space<hbm>>
        tpu.enqueue_indirect_dma source(%dma_start3A_502 : memref<100000x128xf32, #tpu.memory_space<hbm>>) target(%dma_start3A_498 : memref<64x128xf32, #tpu.memory_space<vmem>>) offsets(%dma_start3A_499 : memref<64xi32, #tpu.memory_space<vmem>>) semaphore(%arg18 : memref<!tpu.dma_semaphore, #tpu.memory_space<semaphore_mem>>)
        %mul3A_503 = arith.constant 64 : i32
        %mul3A_504 = arith.muli %add3A_411, %mul3A_503 : i32
        %dma_start3A_505 = arith.constant 2 : i32
        %dma_start3A_506 = arith.constant 0 : i32
        %dma_start3A_507 = arith.constant 0 : i32
        %dma_start3A_508 = tpu.memref_slice %arg14[%dma_start3A_505, %dma_start3A_506, %dma_start3A_507] : memref<5x64x128xf32, #tpu.memory_space<vmem>> -> memref<1x64x128xf32, #tpu.memory_space<vmem>>
        %dma_start3A_509 = tpu.memref_squeeze %dma_start3A_508 : memref<1x64x128xf32, #tpu.memory_space<vmem>> -> memref<64x128xf32, #tpu.memory_space<vmem>>
        %dma_start3A_510 = tpu.memref_slice %arg12[%mul3A_504] : memref<6400xi32, #tpu.memory_space<vmem>> -> memref<64xi32, #tpu.memory_space<vmem>>
        %dma_start3A_511 = arith.constant 0 : i32
        %dma_start3A_512 = arith.constant 0 : i32
        %dma_start3A_513 = tpu.memref_slice %arg15[%dma_start3A_511, %dma_start3A_512] : memref<512x128xf32, #tpu.memory_space<vmem_shared>> -> memref<512x128xf32, #tpu.memory_space<vmem_shared>>
        tpu.enqueue_indirect_dma source(%dma_start3A_513 : memref<512x128xf32, #tpu.memory_space<vmem_shared>>) target(%dma_start3A_509 : memref<64x128xf32, #tpu.memory_space<vmem>>) offsets(%dma_start3A_510 : memref<64xi32, #tpu.memory_space<vmem>>) semaphore(%arg23 : memref<!tpu.dma_semaphore, #tpu.memory_space<semaphore_mem>>)
      } else {
      }
      %mul3A_422 = arith.constant 5 : i32
      %mul3A_423 = arith.muli %scan3A_148, %mul3A_422 : i32
      %add3A_424 = arith.constant 4 : i32
      %add3A_425 = arith.addi %mul3A_423, %add3A_424 : i32
      %dma_wait3A_426 = arith.constant 4 : i32
      %dma_wait3A_427 = arith.constant 0 : i32
      %dma_wait3A_428 = arith.constant 0 : i32
      %dma_wait3A_429 = tpu.memref_slice %arg13[%dma_wait3A_426, %dma_wait3A_427, %dma_wait3A_428] : memref<5x64x128xf32, #tpu.memory_space<vmem>> -> memref<1x64x128xf32, #tpu.memory_space<vmem>>
      %dma_wait3A_430 = tpu.memref_squeeze %dma_wait3A_429 : memref<1x64x128xf32, #tpu.memory_space<vmem>> -> memref<64x128xf32, #tpu.memory_space<vmem>>
      %dma_wait3A_431 = arith.constant 0 : i32
      %dma_wait3A_432 = arith.constant 0 : i32
      %dma_wait3A_433 = tpu.memref_slice %arg4[%dma_wait3A_431, %dma_wait3A_432] : memref<100000x128xf32, #tpu.memory_space<hbm>> -> memref<64x128xf32, #tpu.memory_space<hbm>>
      %dma_wait3A_434 = arith.constant 0 : i32
      %dma_wait3A_435 = arith.constant 0 : i32
      %dma_wait3A_436 = tpu.memref_slice %arg13[%dma_wait3A_426, %dma_wait3A_434, %dma_wait3A_435] : memref<5x64x128xf32, #tpu.memory_space<vmem>> -> memref<1x64x128xf32, #tpu.memory_space<vmem>>
      %dma_wait3A_437 = tpu.memref_squeeze %dma_wait3A_436 : memref<1x64x128xf32, #tpu.memory_space<vmem>> -> memref<64x128xf32, #tpu.memory_space<vmem>>
      %dma_wait3A_438 = arith.constant 0 : i32
      %dma_wait3A_439 = arith.constant 0 : i32
      %dma_wait3A_440 = tpu.memref_slice %arg4[%dma_wait3A_438, %dma_wait3A_439] : memref<100000x128xf32, #tpu.memory_space<hbm>> -> memref<64x128xf32, #tpu.memory_space<hbm>>
      tpu.wait_dma2 semaphore(%arg20 : memref<!tpu.dma_semaphore, #tpu.memory_space<semaphore_mem>>) src(%dma_wait3A_440 : memref<64x128xf32, #tpu.memory_space<hbm>>) dst(%dma_wait3A_437 : memref<64x128xf32, #tpu.memory_space<vmem>>)
      %dma_wait3A_441 = arith.constant 4 : i32
      %dma_wait3A_442 = arith.constant 0 : i32
      %dma_wait3A_443 = arith.constant 0 : i32
      %dma_wait3A_444 = tpu.memref_slice %arg13[%dma_wait3A_441, %dma_wait3A_442, %dma_wait3A_443] : memref<5x64x128xf32, #tpu.memory_space<vmem>> -> memref<1x64x128xf32, #tpu.memory_space<vmem>>
      %dma_wait3A_445 = tpu.memref_squeeze %dma_wait3A_444 : memref<1x64x128xf32, #tpu.memory_space<vmem>> -> memref<64x128xf32, #tpu.memory_space<vmem>>
      %dma_wait3A_446 = arith.constant 0 : i32
      %dma_wait3A_447 = arith.constant 0 : i32
      %dma_wait3A_448 = tpu.memref_slice %arg4[%dma_wait3A_446, %dma_wait3A_447] : memref<100000x128xf32, #tpu.memory_space<hbm>> -> memref<64x128xf32, #tpu.memory_space<hbm>>
      %dma_wait3A_449 = arith.constant 0 : i32
      %dma_wait3A_450 = arith.constant 0 : i32
      %dma_wait3A_451 = tpu.memref_slice %arg13[%dma_wait3A_441, %dma_wait3A_449, %dma_wait3A_450] : memref<5x64x128xf32, #tpu.memory_space<vmem>> -> memref<1x64x128xf32, #tpu.memory_space<vmem>>
      %dma_wait3A_452 = tpu.memref_squeeze %dma_wait3A_451 : memref<1x64x128xf32, #tpu.memory_space<vmem>> -> memref<64x128xf32, #tpu.memory_space<vmem>>
      %dma_wait3A_453 = arith.constant 0 : i32
      %dma_wait3A_454 = arith.constant 0 : i32
      %dma_wait3A_455 = tpu.memref_slice %arg4[%dma_wait3A_453, %dma_wait3A_454] : memref<100000x128xf32, #tpu.memory_space<hbm>> -> memref<64x128xf32, #tpu.memory_space<hbm>>
      tpu.wait_dma2 semaphore(%arg25 : memref<!tpu.dma_semaphore, #tpu.memory_space<semaphore_mem>>) src(%dma_wait3A_455 : memref<64x128xf32, #tpu.memory_space<hbm>>) dst(%dma_wait3A_452 : memref<64x128xf32, #tpu.memory_space<vmem>>)
      %scan3A_456 = arith.constant 0 : i32
      %scan3A_457 = arith.constant 0 : i32
      %scan3A_458 = arith.constant 32 : i32
      %scan3A_459 = arith.addi %scan3A_457, %scan3A_458 : i32
      %scan3A_460 = arith.constant 1 : i32
      %scan3A_461 = scf.for %scan3A_492 = %scan3A_457 to %scan3A_459 step %scan3A_460 iter_args(%scan3A_493 = %scan3A_456) -> (i32)  : i32 {
        %mul3A_494 = arith.constant 2 : i32
        %mul3A_495 = arith.muli %scan3A_492, %mul3A_494 : i32
        %add3A_496 = arith.constant 0 : i32
        %add3A_497 = arith.addi %mul3A_495, %add3A_496 : i32
        %mul3A_498 = arith.constant 2 : i32
        %mul3A_499 = arith.muli %scan3A_492, %mul3A_498 : i32
        %add3A_500 = arith.constant 0 : i32
        %add3A_501 = arith.addi %mul3A_499, %add3A_500 : i32
        %get3A = arith.constant 4 : i32
        %get3A_502 = arith.index_cast %get3A : i32 to index
        %get3A_503 = arith.index_cast %add3A_501 : i32 to index
        %get3A_504 = arith.constant 0 : index
        %get3A_505 = tpu.vector_load %arg14[%get3A_502, %get3A_503, %get3A_504] {strides = array<i32>} : memref<5x64x128xf32, #tpu.memory_space<vmem>>, vector<1x1x16xf32>,
        %get3A_506 = vector.shape_cast %get3A_505 : vector<1x1x16xf32> to vector<16xf32>
        %swap3A = arith.constant 4 : i32
        %swap3A_507 = arith.index_cast %swap3A : i32 to index
        %swap3A_508 = arith.index_cast %add3A_497 : i32 to index
        %swap3A_509 = arith.constant 0 : index
        %swap3A_510 = tpu.vector_load %arg13[%swap3A_507, %swap3A_508, %swap3A_509] {strides = array<i32>} : memref<5x64x128xf32, #tpu.memory_space<vmem>>, vector<1x1x16xf32>,
        %swap3A_511 = vector.shape_cast %swap3A_510 : vector<1x1x16xf32> to vector<16xf32>
        %swap3A_512 = vector.shape_cast %get3A_506 : vector<16xf32> to vector<1x1x16xf32>
        tpu.vector_store %arg13[%swap3A_507, %swap3A_508, %swap3A_509], %swap3A_512 {add = true, strides = array<i32>} : memref<5x64x128xf32, #tpu.memory_space<vmem>>, vector<1x1x16xf32>,
        %mul3A_513 = arith.constant 2 : i32
        %mul3A_514 = arith.muli %scan3A_492, %mul3A_513 : i32
        %add3A_515 = arith.constant 0 : i32
        %add3A_516 = arith.addi %mul3A_514, %add3A_515 : i32
        %mul3A_517 = arith.constant 2 : i32
        %mul3A_518 = arith.muli %scan3A_492, %mul3A_517 : i32
        %add3A_519 = arith.constant 0 : i32
        %add3A_520 = arith.addi %mul3A_518, %add3A_519 : i32
        %get3A_521 = arith.constant 4 : i32
        %get3A_522 = arith.index_cast %get3A_521 : i32 to index
        %get3A_523 = arith.index_cast %add3A_520 : i32 to index
        %get3A_524 = arith.constant 16 : index
        %get3A_525 = tpu.vector_load %arg14[%get3A_522, %get3A_523, %get3A_524] {strides = array<i32>} : memref<5x64x128xf32, #tpu.memory_space<vmem>>, vector<1x1x16xf32>,
        %get3A_526 = vector.shape_cast %get3A_525 : vector<1x1x16xf32> to vector<16xf32>
        %swap3A_527 = arith.constant 4 : i32
        %swap3A_528 = arith.index_cast %swap3A_527 : i32 to index
        %swap3A_529 = arith.index_cast %add3A_516 : i32 to index
        %swap3A_530 = arith.constant 16 : index
        %swap3A_531 = tpu.vector_load %arg13[%swap3A_528, %swap3A_529, %swap3A_530] {strides = array<i32>} : memref<5x64x128xf32, #tpu.memory_space<vmem>>, vector<1x1x16xf32>,
        %swap3A_532 = vector.shape_cast %swap3A_531 : vector<1x1x16xf32> to vector<16xf32>
        %swap3A_533 = vector.shape_cast %get3A_526 : vector<16xf32> to vector<1x1x16xf32>
        tpu.vector_store %arg13[%swap3A_528, %swap3A_529, %swap3A_530], %swap3A_533 {add = true, strides = array<i32>} : memref<5x64x128xf32, #tpu.memory_space<vmem>>, vector<1x1x16xf32>,
        %mul3A_534 = arith.constant 2 : i32
        %mul3A_535 = arith.muli %scan3A_492, %mul3A_534 : i32
        %add3A_536 = arith.constant 0 : i32
        %add3A_537 = arith.addi %mul3A_535, %add3A_536 : i32
        %mul3A_538 = arith.constant 2 : i32
        %mul3A_539 = arith.muli %scan3A_492, %mul3A_538 : i32
        %add3A_540 = arith.constant 0 : i32
        %add3A_541 = arith.addi %mul3A_539, %add3A_540 : i32
        %get3A_542 = arith.constant 4 : i32
        %get3A_543 = arith.index_cast %get3A_542 : i32 to index
        %get3A_544 = arith.index_cast %add3A_541 : i32 to index
        %get3A_545 = arith.constant 32 : index
        %get3A_546 = tpu.vector_load %arg14[%get3A_543, %get3A_544, %get3A_545] {strides = array<i32>} : memref<5x64x128xf32, #tpu.memory_space<vmem>>, vector<1x1x16xf32>,
        %get3A_547 = vector.shape_cast %get3A_546 : vector<1x1x16xf32> to vector<16xf32>
        %swap3A_548 = arith.constant 4 : i32
        %swap3A_549 = arith.index_cast %swap3A_548 : i32 to index
        %swap3A_550 = arith.index_cast %add3A_537 : i32 to index
        %swap3A_551 = arith.constant 32 : index
        %swap3A_552 = tpu.vector_load %arg13[%swap3A_549, %swap3A_550, %swap3A_551] {strides = array<i32>} : memref<5x64x128xf32, #tpu.memory_space<vmem>>, vector<1x1x16xf32>,
        %swap3A_553 = vector.shape_cast %swap3A_552 : vector<1x1x16xf32> to vector<16xf32>
        %swap3A_554 = vector.shape_cast %get3A_547 : vector<16xf32> to vector<1x1x16xf32>
        tpu.vector_store %arg13[%swap3A_549, %swap3A_550, %swap3A_551], %swap3A_554 {add = true, strides = array<i32>} : memref<5x64x128xf32, #tpu.memory_space<vmem>>, vector<1x1x16xf32>,
        %mul3A_555 = arith.constant 2 : i32
        %mul3A_556 = arith.muli %scan3A_492, %mul3A_555 : i32
        %add3A_557 = arith.constant 0 : i32
        %add3A_558 = arith.addi %mul3A_556, %add3A_557 : i32
        %mul3A_559 = arith.constant 2 : i32
        %mul3A_560 = arith.muli %scan3A_492, %mul3A_559 : i32
        %add3A_561 = arith.constant 0 : i32
        %add3A_562 = arith.addi %mul3A_560, %add3A_561 : i32
        %get3A_563 = arith.constant 4 : i32
        %get3A_564 = arith.index_cast %get3A_563 : i32 to index
        %get3A_565 = arith.index_cast %add3A_562 : i32 to index
        %get3A_566 = arith.constant 48 : index
        %get3A_567 = tpu.vector_load %arg14[%get3A_564, %get3A_565, %get3A_566] {strides = array<i32>} : memref<5x64x128xf32, #tpu.memory_space<vmem>>, vector<1x1x16xf32>,
        %get3A_568 = vector.shape_cast %get3A_567 : vector<1x1x16xf32> to vector<16xf32>
        %swap3A_569 = arith.constant 4 : i32
        %swap3A_570 = arith.index_cast %swap3A_569 : i32 to index
        %swap3A_571 = arith.index_cast %add3A_558 : i32 to index
        %swap3A_572 = arith.constant 48 : index
        %swap3A_573 = tpu.vector_load %arg13[%swap3A_570, %swap3A_571, %swap3A_572] {strides = array<i32>} : memref<5x64x128xf32, #tpu.memory_space<vmem>>, vector<1x1x16xf32>,
        %swap3A_574 = vector.shape_cast %swap3A_573 : vector<1x1x16xf32> to vector<16xf32>
        %swap3A_575 = vector.shape_cast %get3A_568 : vector<16xf32> to vector<1x1x16xf32>
        tpu.vector_store %arg13[%swap3A_570, %swap3A_571, %swap3A_572], %swap3A_575 {add = true, strides = array<i32>} : memref<5x64x128xf32, #tpu.memory_space<vmem>>, vector<1x1x16xf32>,
        %mul3A_576 = arith.constant 2 : i32
        %mul3A_577 = arith.muli %scan3A_492, %mul3A_576 : i32
        %add3A_578 = arith.constant 0 : i32
        %add3A_579 = arith.addi %mul3A_577, %add3A_578 : i32
        %mul3A_580 = arith.constant 2 : i32
        %mul3A_581 = arith.muli %scan3A_492, %mul3A_580 : i32
        %add3A_582 = arith.constant 0 : i32
        %add3A_583 = arith.addi %mul3A_581, %add3A_582 : i32
        %get3A_584 = arith.constant 4 : i32
        %get3A_585 = arith.index_cast %get3A_584 : i32 to index
        %get3A_586 = arith.index_cast %add3A_583 : i32 to index
        %get3A_587 = arith.constant 64 : index
        %get3A_588 = tpu.vector_load %arg14[%get3A_585, %get3A_586, %get3A_587] {strides = array<i32>} : memref<5x64x128xf32, #tpu.memory_space<vmem>>, vector<1x1x16xf32>,
        %get3A_589 = vector.shape_cast %get3A_588 : vector<1x1x16xf32> to vector<16xf32>
        %swap3A_590 = arith.constant 4 : i32
        %swap3A_591 = arith.index_cast %swap3A_590 : i32 to index
        %swap3A_592 = arith.index_cast %add3A_579 : i32 to index
        %swap3A_593 = arith.constant 64 : index
        %swap3A_594 = tpu.vector_load %arg13[%swap3A_591, %swap3A_592, %swap3A_593] {strides = array<i32>} : memref<5x64x128xf32, #tpu.memory_space<vmem>>, vector<1x1x16xf32>,
        %swap3A_595 = vector.shape_cast %swap3A_594 : vector<1x1x16xf32> to vector<16xf32>
        %swap3A_596 = vector.shape_cast %get3A_589 : vector<16xf32> to vector<1x1x16xf32>
        tpu.vector_store %arg13[%swap3A_591, %swap3A_592, %swap3A_593], %swap3A_596 {add = true, strides = array<i32>} : memref<5x64x128xf32, #tpu.memory_space<vmem>>, vector<1x1x16xf32>,
        %mul3A_597 = arith.constant 2 : i32
        %mul3A_598 = arith.muli %scan3A_492, %mul3A_597 : i32
        %add3A_599 = arith.constant 0 : i32
        %add3A_600 = arith.addi %mul3A_598, %add3A_599 : i32
        %mul3A_601 = arith.constant 2 : i32
        %mul3A_602 = arith.muli %scan3A_492, %mul3A_601 : i32
        %add3A_603 = arith.constant 0 : i32
        %add3A_604 = arith.addi %mul3A_602, %add3A_603 : i32
        %get3A_605 = arith.constant 4 : i32
        %get3A_606 = arith.index_cast %get3A_605 : i32 to index
        %get3A_607 = arith.index_cast %add3A_604 : i32 to index
        %get3A_608 = arith.constant 80 : index
        %get3A_609 = tpu.vector_load %arg14[%get3A_606, %get3A_607, %get3A_608] {strides = array<i32>} : memref<5x64x128xf32, #tpu.memory_space<vmem>>, vector<1x1x16xf32>,
        %get3A_610 = vector.shape_cast %get3A_609 : vector<1x1x16xf32> to vector<16xf32>
        %swap3A_611 = arith.constant 4 : i32
        %swap3A_612 = arith.index_cast %swap3A_611 : i32 to index
        %swap3A_613 = arith.index_cast %add3A_600 : i32 to index
        %swap3A_614 = arith.constant 80 : index
        %swap3A_615 = tpu.vector_load %arg13[%swap3A_612, %swap3A_613, %swap3A_614] {strides = array<i32>} : memref<5x64x128xf32, #tpu.memory_space<vmem>>, vector<1x1x16xf32>,
        %swap3A_616 = vector.shape_cast %swap3A_615 : vector<1x1x16xf32> to vector<16xf32>
        %swap3A_617 = vector.shape_cast %get3A_610 : vector<16xf32> to vector<1x1x16xf32>
        tpu.vector_store %arg13[%swap3A_612, %swap3A_613, %swap3A_614], %swap3A_617 {add = true, strides = array<i32>} : memref<5x64x128xf32, #tpu.memory_space<vmem>>, vector<1x1x16xf32>,
        %mul3A_618 = arith.constant 2 : i32
        %mul3A_619 = arith.muli %scan3A_492, %mul3A_618 : i32
        %add3A_620 = arith.constant 0 : i32
        %add3A_621 = arith.addi %mul3A_619, %add3A_620 : i32
        %mul3A_622 = arith.constant 2 : i32
        %mul3A_623 = arith.muli %scan3A_492, %mul3A_622 : i32
        %add3A_624 = arith.constant 0 : i32
        %add3A_625 = arith.addi %mul3A_623, %add3A_624 : i32
        %get3A_626 = arith.constant 4 : i32
        %get3A_627 = arith.index_cast %get3A_626 : i32 to index
        %get3A_628 = arith.index_cast %add3A_625 : i32 to index
        %get3A_629 = arith.constant 96 : index
        %get3A_630 = tpu.vector_load %arg14[%get3A_627, %get3A_628, %get3A_629] {strides = array<i32>} : memref<5x64x128xf32, #tpu.memory_space<vmem>>, vector<1x1x16xf32>,
        %get3A_631 = vector.shape_cast %get3A_630 : vector<1x1x16xf32> to vector<16xf32>
        %swap3A_632 = arith.constant 4 : i32
        %swap3A_633 = arith.index_cast %swap3A_632 : i32 to index
        %swap3A_634 = arith.index_cast %add3A_621 : i32 to index
        %swap3A_635 = arith.constant 96 : index
        %swap3A_636 = tpu.vector_load %arg13[%swap3A_633, %swap3A_634, %swap3A_635] {strides = array<i32>} : memref<5x64x128xf32, #tpu.memory_space<vmem>>, vector<1x1x16xf32>,
        %swap3A_637 = vector.shape_cast %swap3A_636 : vector<1x1x16xf32> to vector<16xf32>
        %swap3A_638 = vector.shape_cast %get3A_631 : vector<16xf32> to vector<1x1x16xf32>
        tpu.vector_store %arg13[%swap3A_633, %swap3A_634, %swap3A_635], %swap3A_638 {add = true, strides = array<i32>} : memref<5x64x128xf32, #tpu.memory_space<vmem>>, vector<1x1x16xf32>,
        %mul3A_639 = arith.constant 2 : i32
        %mul3A_640 = arith.muli %scan3A_492, %mul3A_639 : i32
        %add3A_641 = arith.constant 0 : i32
        %add3A_642 = arith.addi %mul3A_640, %add3A_641 : i32
        %mul3A_643 = arith.constant 2 : i32
        %mul3A_644 = arith.muli %scan3A_492, %mul3A_643 : i32
        %add3A_645 = arith.constant 0 : i32
        %add3A_646 = arith.addi %mul3A_644, %add3A_645 : i32
        %get3A_647 = arith.constant 4 : i32
        %get3A_648 = arith.index_cast %get3A_647 : i32 to index
        %get3A_649 = arith.index_cast %add3A_646 : i32 to index
        %get3A_650 = arith.constant 112 : index
        %get3A_651 = tpu.vector_load %arg14[%get3A_648, %get3A_649, %get3A_650] {strides = array<i32>} : memref<5x64x128xf32, #tpu.memory_space<vmem>>, vector<1x1x16xf32>,
        %get3A_652 = vector.shape_cast %get3A_651 : vector<1x1x16xf32> to vector<16xf32>
        %swap3A_653 = arith.constant 4 : i32
        %swap3A_654 = arith.index_cast %swap3A_653 : i32 to index
        %swap3A_655 = arith.index_cast %add3A_642 : i32 to index
        %swap3A_656 = arith.constant 112 : index
        %swap3A_657 = tpu.vector_load %arg13[%swap3A_654, %swap3A_655, %swap3A_656] {strides = array<i32>} : memref<5x64x128xf32, #tpu.memory_space<vmem>>, vector<1x1x16xf32>,
        %swap3A_658 = vector.shape_cast %swap3A_657 : vector<1x1x16xf32> to vector<16xf32>
        %swap3A_659 = vector.shape_cast %get3A_652 : vector<16xf32> to vector<1x1x16xf32>
        tpu.vector_store %arg13[%swap3A_654, %swap3A_655, %swap3A_656], %swap3A_659 {add = true, strides = array<i32>} : memref<5x64x128xf32, #tpu.memory_space<vmem>>, vector<1x1x16xf32>,
        %mul3A_660 = arith.constant 2 : i32
        %mul3A_661 = arith.muli %scan3A_492, %mul3A_660 : i32
        %add3A_662 = arith.constant 1 : i32
        %add3A_663 = arith.addi %mul3A_661, %add3A_662 : i32
        %mul3A_664 = arith.constant 2 : i32
        %mul3A_665 = arith.muli %scan3A_492, %mul3A_664 : i32
        %add3A_666 = arith.constant 1 : i32
        %add3A_667 = arith.addi %mul3A_665, %add3A_666 : i32
        %get3A_668 = arith.constant 4 : i32
        %get3A_669 = arith.index_cast %get3A_668 : i32 to index
        %get3A_670 = arith.index_cast %add3A_667 : i32 to index
        %get3A_671 = arith.constant 0 : index
        %get3A_672 = tpu.vector_load %arg14[%get3A_669, %get3A_670, %get3A_671] {strides = array<i32>} : memref<5x64x128xf32, #tpu.memory_space<vmem>>, vector<1x1x16xf32>,
        %get3A_673 = vector.shape_cast %get3A_672 : vector<1x1x16xf32> to vector<16xf32>
        %swap3A_674 = arith.constant 4 : i32
        %swap3A_675 = arith.index_cast %swap3A_674 : i32 to index
        %swap3A_676 = arith.index_cast %add3A_663 : i32 to index
        %swap3A_677 = arith.constant 0 : index
        %swap3A_678 = tpu.vector_load %arg13[%swap3A_675, %swap3A_676, %swap3A_677] {strides = array<i32>} : memref<5x64x128xf32, #tpu.memory_space<vmem>>, vector<1x1x16xf32>,
        %swap3A_679 = vector.shape_cast %swap3A_678 : vector<1x1x16xf32> to vector<16xf32>
        %swap3A_680 = vector.shape_cast %get3A_673 : vector<16xf32> to vector<1x1x16xf32>
        tpu.vector_store %arg13[%swap3A_675, %swap3A_676, %swap3A_677], %swap3A_680 {add = true, strides = array<i32>} : memref<5x64x128xf32, #tpu.memory_space<vmem>>, vector<1x1x16xf32>,
        %mul3A_681 = arith.constant 2 : i32
        %mul3A_682 = arith.muli %scan3A_492, %mul3A_681 : i32
        %add3A_683 = arith.constant 1 : i32
        %add3A_684 = arith.addi %mul3A_682, %add3A_683 : i32
        %mul3A_685 = arith.constant 2 : i32
        %mul3A_686 = arith.muli %scan3A_492, %mul3A_685 : i32
        %add3A_687 = arith.constant 1 : i32
        %add3A_688 = arith.addi %mul3A_686, %add3A_687 : i32
        %get3A_689 = arith.constant 4 : i32
        %get3A_690 = arith.index_cast %get3A_689 : i32 to index
        %get3A_691 = arith.index_cast %add3A_688 : i32 to index
        %get3A_692 = arith.constant 16 : index
        %get3A_693 = tpu.vector_load %arg14[%get3A_690, %get3A_691, %get3A_692] {strides = array<i32>} : memref<5x64x128xf32, #tpu.memory_space<vmem>>, vector<1x1x16xf32>,
        %get3A_694 = vector.shape_cast %get3A_693 : vector<1x1x16xf32> to vector<16xf32>
        %swap3A_695 = arith.constant 4 : i32
        %swap3A_696 = arith.index_cast %swap3A_695 : i32 to index
        %swap3A_697 = arith.index_cast %add3A_684 : i32 to index
        %swap3A_698 = arith.constant 16 : index
        %swap3A_699 = tpu.vector_load %arg13[%swap3A_696, %swap3A_697, %swap3A_698] {strides = array<i32>} : memref<5x64x128xf32, #tpu.memory_space<vmem>>, vector<1x1x16xf32>,
        %swap3A_700 = vector.shape_cast %swap3A_699 : vector<1x1x16xf32> to vector<16xf32>
        %swap3A_701 = vector.shape_cast %get3A_694 : vector<16xf32> to vector<1x1x16xf32>
        tpu.vector_store %arg13[%swap3A_696, %swap3A_697, %swap3A_698], %swap3A_701 {add = true, strides = array<i32>} : memref<5x64x128xf32, #tpu.memory_space<vmem>>, vector<1x1x16xf32>,
        %mul3A_702 = arith.constant 2 : i32
        %mul3A_703 = arith.muli %scan3A_492, %mul3A_702 : i32
        %add3A_704 = arith.constant 1 : i32
        %add3A_705 = arith.addi %mul3A_703, %add3A_704 : i32
        %mul3A_706 = arith.constant 2 : i32
        %mul3A_707 = arith.muli %scan3A_492, %mul3A_706 : i32
        %add3A_708 = arith.constant 1 : i32
        %add3A_709 = arith.addi %mul3A_707, %add3A_708 : i32
        %get3A_710 = arith.constant 4 : i32
        %get3A_711 = arith.index_cast %get3A_710 : i32 to index
        %get3A_712 = arith.index_cast %add3A_709 : i32 to index
        %get3A_713 = arith.constant 32 : index
        %get3A_714 = tpu.vector_load %arg14[%get3A_711, %get3A_712, %get3A_713] {strides = array<i32>} : memref<5x64x128xf32, #tpu.memory_space<vmem>>, vector<1x1x16xf32>,
        %get3A_715 = vector.shape_cast %get3A_714 : vector<1x1x16xf32> to vector<16xf32>
        %swap3A_716 = arith.constant 4 : i32
        %swap3A_717 = arith.index_cast %swap3A_716 : i32 to index
        %swap3A_718 = arith.index_cast %add3A_705 : i32 to index
        %swap3A_719 = arith.constant 32 : index
        %swap3A_720 = tpu.vector_load %arg13[%swap3A_717, %swap3A_718, %swap3A_719] {strides = array<i32>} : memref<5x64x128xf32, #tpu.memory_space<vmem>>, vector<1x1x16xf32>,
        %swap3A_721 = vector.shape_cast %swap3A_720 : vector<1x1x16xf32> to vector<16xf32>
        %swap3A_722 = vector.shape_cast %get3A_715 : vector<16xf32> to vector<1x1x16xf32>
        tpu.vector_store %arg13[%swap3A_717, %swap3A_718, %swap3A_719], %swap3A_722 {add = true, strides = array<i32>} : memref<5x64x128xf32, #tpu.memory_space<vmem>>, vector<1x1x16xf32>,
        %mul3A_723 = arith.constant 2 : i32
        %mul3A_724 = arith.muli %scan3A_492, %mul3A_723 : i32
        %add3A_725 = arith.constant 1 : i32
        %add3A_726 = arith.addi %mul3A_724, %add3A_725 : i32
        %mul3A_727 = arith.constant 2 : i32
        %mul3A_728 = arith.muli %scan3A_492, %mul3A_727 : i32
        %add3A_729 = arith.constant 1 : i32
        %add3A_730 = arith.addi %mul3A_728, %add3A_729 : i32
        %get3A_731 = arith.constant 4 : i32
        %get3A_732 = arith.index_cast %get3A_731 : i32 to index
        %get3A_733 = arith.index_cast %add3A_730 : i32 to index
        %get3A_734 = arith.constant 48 : index
        %get3A_735 = tpu.vector_load %arg14[%get3A_732, %get3A_733, %get3A_734] {strides = array<i32>} : memref<5x64x128xf32, #tpu.memory_space<vmem>>, vector<1x1x16xf32>,
        %get3A_736 = vector.shape_cast %get3A_735 : vector<1x1x16xf32> to vector<16xf32>
        %swap3A_737 = arith.constant 4 : i32
        %swap3A_738 = arith.index_cast %swap3A_737 : i32 to index
        %swap3A_739 = arith.index_cast %add3A_726 : i32 to index
        %swap3A_740 = arith.constant 48 : index
        %swap3A_741 = tpu.vector_load %arg13[%swap3A_738, %swap3A_739, %swap3A_740] {strides = array<i32>} : memref<5x64x128xf32, #tpu.memory_space<vmem>>, vector<1x1x16xf32>,
        %swap3A_742 = vector.shape_cast %swap3A_741 : vector<1x1x16xf32> to vector<16xf32>
        %swap3A_743 = vector.shape_cast %get3A_736 : vector<16xf32> to vector<1x1x16xf32>
        tpu.vector_store %arg13[%swap3A_738, %swap3A_739, %swap3A_740], %swap3A_743 {add = true, strides = array<i32>} : memref<5x64x128xf32, #tpu.memory_space<vmem>>, vector<1x1x16xf32>,
        %mul3A_744 = arith.constant 2 : i32
        %mul3A_745 = arith.muli %scan3A_492, %mul3A_744 : i32
        %add3A_746 = arith.constant 1 : i32
        %add3A_747 = arith.addi %mul3A_745, %add3A_746 : i32
        %mul3A_748 = arith.constant 2 : i32
        %mul3A_749 = arith.muli %scan3A_492, %mul3A_748 : i32
        %add3A_750 = arith.constant 1 : i32
        %add3A_751 = arith.addi %mul3A_749, %add3A_750 : i32
        %get3A_752 = arith.constant 4 : i32
        %get3A_753 = arith.index_cast %get3A_752 : i32 to index
        %get3A_754 = arith.index_cast %add3A_751 : i32 to index
        %get3A_755 = arith.constant 64 : index
        %get3A_756 = tpu.vector_load %arg14[%get3A_753, %get3A_754, %get3A_755] {strides = array<i32>} : memref<5x64x128xf32, #tpu.memory_space<vmem>>, vector<1x1x16xf32>,
        %get3A_757 = vector.shape_cast %get3A_756 : vector<1x1x16xf32> to vector<16xf32>
        %swap3A_758 = arith.constant 4 : i32
        %swap3A_759 = arith.index_cast %swap3A_758 : i32 to index
        %swap3A_760 = arith.index_cast %add3A_747 : i32 to index
        %swap3A_761 = arith.constant 64 : index
        %swap3A_762 = tpu.vector_load %arg13[%swap3A_759, %swap3A_760, %swap3A_761] {strides = array<i32>} : memref<5x64x128xf32, #tpu.memory_space<vmem>>, vector<1x1x16xf32>,
        %swap3A_763 = vector.shape_cast %swap3A_762 : vector<1x1x16xf32> to vector<16xf32>
        %swap3A_764 = vector.shape_cast %get3A_757 : vector<16xf32> to vector<1x1x16xf32>
        tpu.vector_store %arg13[%swap3A_759, %swap3A_760, %swap3A_761], %swap3A_764 {add = true, strides = array<i32>} : memref<5x64x128xf32, #tpu.memory_space<vmem>>, vector<1x1x16xf32>,
        %mul3A_765 = arith.constant 2 : i32
        %mul3A_766 = arith.muli %scan3A_492, %mul3A_765 : i32
        %add3A_767 = arith.constant 1 : i32
        %add3A_768 = arith.addi %mul3A_766, %add3A_767 : i32
        %mul3A_769 = arith.constant 2 : i32
        %mul3A_770 = arith.muli %scan3A_492, %mul3A_769 : i32
        %add3A_771 = arith.constant 1 : i32
        %add3A_772 = arith.addi %mul3A_770, %add3A_771 : i32
        %get3A_773 = arith.constant 4 : i32
        %get3A_774 = arith.index_cast %get3A_773 : i32 to index
        %get3A_775 = arith.index_cast %add3A_772 : i32 to index
        %get3A_776 = arith.constant 80 : index
        %get3A_777 = tpu.vector_load %arg14[%get3A_774, %get3A_775, %get3A_776] {strides = array<i32>} : memref<5x64x128xf32, #tpu.memory_space<vmem>>, vector<1x1x16xf32>,
        %get3A_778 = vector.shape_cast %get3A_777 : vector<1x1x16xf32> to vector<16xf32>
        %swap3A_779 = arith.constant 4 : i32
        %swap3A_780 = arith.index_cast %swap3A_779 : i32 to index
        %swap3A_781 = arith.index_cast %add3A_768 : i32 to index
        %swap3A_782 = arith.constant 80 : index
        %swap3A_783 = tpu.vector_load %arg13[%swap3A_780, %swap3A_781, %swap3A_782] {strides = array<i32>} : memref<5x64x128xf32, #tpu.memory_space<vmem>>, vector<1x1x16xf32>,
        %swap3A_784 = vector.shape_cast %swap3A_783 : vector<1x1x16xf32> to vector<16xf32>
        %swap3A_785 = vector.shape_cast %get3A_778 : vector<16xf32> to vector<1x1x16xf32>
        tpu.vector_store %arg13[%swap3A_780, %swap3A_781, %swap3A_782], %swap3A_785 {add = true, strides = array<i32>} : memref<5x64x128xf32, #tpu.memory_space<vmem>>, vector<1x1x16xf32>,
        %mul3A_786 = arith.constant 2 : i32
        %mul3A_787 = arith.muli %scan3A_492, %mul3A_786 : i32
        %add3A_788 = arith.constant 1 : i32
        %add3A_789 = arith.addi %mul3A_787, %add3A_788 : i32
        %mul3A_790 = arith.constant 2 : i32
        %mul3A_791 = arith.muli %scan3A_492, %mul3A_790 : i32
        %add3A_792 = arith.constant 1 : i32
        %add3A_793 = arith.addi %mul3A_791, %add3A_792 : i32
        %get3A_794 = arith.constant 4 : i32
        %get3A_795 = arith.index_cast %get3A_794 : i32 to index
        %get3A_796 = arith.index_cast %add3A_793 : i32 to index
        %get3A_797 = arith.constant 96 : index
        %get3A_798 = tpu.vector_load %arg14[%get3A_795, %get3A_796, %get3A_797] {strides = array<i32>} : memref<5x64x128xf32, #tpu.memory_space<vmem>>, vector<1x1x16xf32>,
        %get3A_799 = vector.shape_cast %get3A_798 : vector<1x1x16xf32> to vector<16xf32>
        %swap3A_800 = arith.constant 4 : i32
        %swap3A_801 = arith.index_cast %swap3A_800 : i32 to index
        %swap3A_802 = arith.index_cast %add3A_789 : i32 to index
        %swap3A_803 = arith.constant 96 : index
        %swap3A_804 = tpu.vector_load %arg13[%swap3A_801, %swap3A_802, %swap3A_803] {strides = array<i32>} : memref<5x64x128xf32, #tpu.memory_space<vmem>>, vector<1x1x16xf32>,
        %swap3A_805 = vector.shape_cast %swap3A_804 : vector<1x1x16xf32> to vector<16xf32>
        %swap3A_806 = vector.shape_cast %get3A_799 : vector<16xf32> to vector<1x1x16xf32>
        tpu.vector_store %arg13[%swap3A_801, %swap3A_802, %swap3A_803], %swap3A_806 {add = true, strides = array<i32>} : memref<5x64x128xf32, #tpu.memory_space<vmem>>, vector<1x1x16xf32>,
        %mul3A_807 = arith.constant 2 : i32
        %mul3A_808 = arith.muli %scan3A_492, %mul3A_807 : i32
        %add3A_809 = arith.constant 1 : i32
        %add3A_810 = arith.addi %mul3A_808, %add3A_809 : i32
        %mul3A_811 = arith.constant 2 : i32
        %mul3A_812 = arith.muli %scan3A_492, %mul3A_811 : i32
        %add3A_813 = arith.constant 1 : i32
        %add3A_814 = arith.addi %mul3A_812, %add3A_813 : i32
        %get3A_815 = arith.constant 4 : i32
        %get3A_816 = arith.index_cast %get3A_815 : i32 to index
        %get3A_817 = arith.index_cast %add3A_814 : i32 to index
        %get3A_818 = arith.constant 112 : index
        %get3A_819 = tpu.vector_load %arg14[%get3A_816, %get3A_817, %get3A_818] {strides = array<i32>} : memref<5x64x128xf32, #tpu.memory_space<vmem>>, vector<1x1x16xf32>,
        %get3A_820 = vector.shape_cast %get3A_819 : vector<1x1x16xf32> to vector<16xf32>
        %swap3A_821 = arith.constant 4 : i32
        %swap3A_822 = arith.index_cast %swap3A_821 : i32 to index
        %swap3A_823 = arith.index_cast %add3A_810 : i32 to index
        %swap3A_824 = arith.constant 112 : index
        %swap3A_825 = tpu.vector_load %arg13[%swap3A_822, %swap3A_823, %swap3A_824] {strides = array<i32>} : memref<5x64x128xf32, #tpu.memory_space<vmem>>, vector<1x1x16xf32>,
        %swap3A_826 = vector.shape_cast %swap3A_825 : vector<1x1x16xf32> to vector<16xf32>
        %swap3A_827 = vector.shape_cast %get3A_820 : vector<16xf32> to vector<1x1x16xf32>
        tpu.vector_store %arg13[%swap3A_822, %swap3A_823, %swap3A_824], %swap3A_827 {add = true, strides = array<i32>} : memref<5x64x128xf32, #tpu.memory_space<vmem>>, vector<1x1x16xf32>,
        %scan3A_828 = arith.constant 0 : i32
        scf.yield %scan3A_828 : i32
      }
      %scan3A_462 = arith.constant 32 : i32
      %mul3A_463 = arith.constant 64 : i32
      %mul3A_464 = arith.muli %add3A_425, %mul3A_463 : i32
      %add3A_465 = arith.addi %mul3A_2, %mul3A_464 : i32
      %dma_start3A_466 = arith.constant 4 : i32
      %dma_start3A_467 = arith.constant 0 : i32
      %dma_start3A_468 = arith.constant 0 : i32
      %dma_start3A_469 = tpu.memref_slice %arg13[%dma_start3A_466, %dma_start3A_467, %dma_start3A_468] : memref<5x64x128xf32, #tpu.memory_space<vmem>> -> memref<1x64x128xf32, #tpu.memory_space<vmem>>
      %dma_start3A_470 = tpu.memref_squeeze %dma_start3A_469 : memref<1x64x128xf32, #tpu.memory_space<vmem>> -> memref<64x128xf32, #tpu.memory_space<vmem>>
      %dma_start3A_471 = arith.constant 0 : i32
      %dma_start3A_472 = tpu.memref_slice %arg6[%add3A_465, %dma_start3A_471] : memref<204800x128xf32, #tpu.memory_space<hbm>> -> memref<64x128xf32, #tpu.memory_space<hbm>>
      %dma_start3A_473 = arith.constant 0 : i32
      %dma_start3A_474 = tpu.memref_slice %arg6[%add3A_465, %dma_start3A_473] : memref<204800x128xf32, #tpu.memory_space<hbm>> -> memref<64x128xf32, #tpu.memory_space<hbm>>
      %dma_start3A_475 = arith.constant 0 : i32
      %dma_start3A_476 = arith.constant 0 : i32
      %dma_start3A_477 = tpu.memref_slice %arg13[%dma_start3A_466, %dma_start3A_475, %dma_start3A_476] : memref<5x64x128xf32, #tpu.memory_space<vmem>> -> memref<1x64x128xf32, #tpu.memory_space<vmem>>
      %dma_start3A_478 = tpu.memref_squeeze %dma_start3A_477 : memref<1x64x128xf32, #tpu.memory_space<vmem>> -> memref<64x128xf32, #tpu.memory_space<vmem>>
      tpu.enqueue_dma source(%dma_start3A_478 : memref<64x128xf32, #tpu.memory_space<vmem>>) target(%dma_start3A_474 : memref<64x128xf32, #tpu.memory_space<hbm>>) target_semaphore(%arg30 : memref<!tpu.dma_semaphore, #tpu.memory_space<semaphore_mem>>)
      %add3A_479 = arith.constant 4 : i32
      %add3A_480 = arith.addi %add3A_425, %add3A_479 : i32
      %ge3A_481 = arith.constant 1 : i32
      %ge3A_482 = arith.cmpi sge, %add3A_425, %ge3A_481 : i32
      %convert_element_type3A_483 = arith.extui %ge3A_482 : i1 to i32
      %cond3A_484 = arith.constant 0 : i32
      %cond3A_485 = arith.cmpi ne, %convert_element_type3A_483, %cond3A_484 : i32
      scf.if %cond3A_485 {
        %dma_wait3A_492 = arith.constant 4 : i32
        %dma_wait3A_493 = arith.constant 0 : i32
        %dma_wait3A_494 = arith.constant 0 : i32
        %dma_wait3A_495 = tpu.memref_slice %arg13[%dma_wait3A_492, %dma_wait3A_493, %dma_wait3A_494] : memref<5x64x128xf32, #tpu.memory_space<vmem>> -> memref<1x64x128xf32, #tpu.memory_space<vmem>>
        %dma_wait3A_496 = tpu.memref_squeeze %dma_wait3A_495 : memref<1x64x128xf32, #tpu.memory_space<vmem>> -> memref<64x128xf32, #tpu.memory_space<vmem>>
        %dma_wait3A_497 = arith.constant 0 : i32
        %dma_wait3A_498 = arith.constant 0 : i32
        %dma_wait3A_499 = tpu.memref_slice %arg4[%dma_wait3A_497, %dma_wait3A_498] : memref<100000x128xf32, #tpu.memory_space<hbm>> -> memref<64x128xf32, #tpu.memory_space<hbm>>
        %dma_wait3A_500 = arith.constant 0 : i32
        %dma_wait3A_501 = arith.constant 0 : i32
        %dma_wait3A_502 = tpu.memref_slice %arg13[%dma_wait3A_492, %dma_wait3A_500, %dma_wait3A_501] : memref<5x64x128xf32, #tpu.memory_space<vmem>> -> memref<1x64x128xf32, #tpu.memory_space<vmem>>
        %dma_wait3A_503 = tpu.memref_squeeze %dma_wait3A_502 : memref<1x64x128xf32, #tpu.memory_space<vmem>> -> memref<64x128xf32, #tpu.memory_space<vmem>>
        %dma_wait3A_504 = arith.constant 0 : i32
        %dma_wait3A_505 = arith.constant 0 : i32
        %dma_wait3A_506 = tpu.memref_slice %arg4[%dma_wait3A_504, %dma_wait3A_505] : memref<100000x128xf32, #tpu.memory_space<hbm>> -> memref<64x128xf32, #tpu.memory_space<hbm>>
        tpu.wait_dma2 semaphore(%arg29 : memref<!tpu.dma_semaphore, #tpu.memory_space<semaphore_mem>>) src(%dma_wait3A_506 : memref<64x128xf32, #tpu.memory_space<hbm>>) dst(%dma_wait3A_503 : memref<64x128xf32, #tpu.memory_space<vmem>>)
      } else {
      }
      %lt3A_486 = arith.constant 100 : i32
      %lt3A_487 = arith.cmpi slt, %add3A_480, %lt3A_486 : i32
      %convert_element_type3A_488 = arith.extui %lt3A_487 : i1 to i32
      %cond3A_489 = arith.constant 0 : i32
      %cond3A_490 = arith.cmpi ne, %convert_element_type3A_488, %cond3A_489 : i32
      scf.if %cond3A_490 {
        %mul3A_492 = arith.constant 64 : i32
        %mul3A_493 = arith.muli %add3A_480, %mul3A_492 : i32
        %dma_start3A_494 = arith.constant 3 : i32
        %dma_start3A_495 = arith.constant 0 : i32
        %dma_start3A_496 = arith.constant 0 : i32
        %dma_start3A_497 = tpu.memref_slice %arg13[%dma_start3A_494, %dma_start3A_495, %dma_start3A_496] : memref<5x64x128xf32, #tpu.memory_space<vmem>> -> memref<1x64x128xf32, #tpu.memory_space<vmem>>
        %dma_start3A_498 = tpu.memref_squeeze %dma_start3A_497 : memref<1x64x128xf32, #tpu.memory_space<vmem>> -> memref<64x128xf32, #tpu.memory_space<vmem>>
        %dma_start3A_499 = tpu.memref_slice %arg11[%mul3A_493] : memref<6400xi32, #tpu.memory_space<vmem>> -> memref<64xi32, #tpu.memory_space<vmem>>
        %dma_start3A_500 = arith.constant 0 : i32
        %dma_start3A_501 = arith.constant 0 : i32
        %dma_start3A_502 = tpu.memref_slice %arg4[%dma_start3A_500, %dma_start3A_501] : memref<100000x128xf32, #tpu.memory_space<hbm>> -> memref<100000x128xf32, #tpu.memory_space<hbm>>
        tpu.enqueue_indirect_dma source(%dma_start3A_502 : memref<100000x128xf32, #tpu.memory_space<hbm>>) target(%dma_start3A_498 : memref<64x128xf32, #tpu.memory_space<vmem>>) offsets(%dma_start3A_499 : memref<64xi32, #tpu.memory_space<vmem>>) semaphore(%arg19 : memref<!tpu.dma_semaphore, #tpu.memory_space<semaphore_mem>>)
        %mul3A_503 = arith.constant 64 : i32
        %mul3A_504 = arith.muli %add3A_480, %mul3A_503 : i32
        %dma_start3A_505 = arith.constant 3 : i32
        %dma_start3A_506 = arith.constant 0 : i32
        %dma_start3A_507 = arith.constant 0 : i32
        %dma_start3A_508 = tpu.memref_slice %arg14[%dma_start3A_505, %dma_start3A_506, %dma_start3A_507] : memref<5x64x128xf32, #tpu.memory_space<vmem>> -> memref<1x64x128xf32, #tpu.memory_space<vmem>>
        %dma_start3A_509 = tpu.memref_squeeze %dma_start3A_508 : memref<1x64x128xf32, #tpu.memory_space<vmem>> -> memref<64x128xf32, #tpu.memory_space<vmem>>
        %dma_start3A_510 = tpu.memref_slice %arg12[%mul3A_504] : memref<6400xi32, #tpu.memory_space<vmem>> -> memref<64xi32, #tpu.memory_space<vmem>>
        %dma_start3A_511 = arith.constant 0 : i32
        %dma_start3A_512 = arith.constant 0 : i32
        %dma_start3A_513 = tpu.memref_slice %arg15[%dma_start3A_511, %dma_start3A_512] : memref<512x128xf32, #tpu.memory_space<vmem_shared>> -> memref<512x128xf32, #tpu.memory_space<vmem_shared>>
        tpu.enqueue_indirect_dma source(%dma_start3A_513 : memref<512x128xf32, #tpu.memory_space<vmem_shared>>) target(%dma_start3A_509 : memref<64x128xf32, #tpu.memory_space<vmem>>) offsets(%dma_start3A_510 : memref<64xi32, #tpu.memory_space<vmem>>) semaphore(%arg24 : memref<!tpu.dma_semaphore, #tpu.memory_space<semaphore_mem>>)
      } else {
      }
      %scan3A_491 = arith.constant 0 : i32
      scf.yield %scan3A_491 : i32
    }
    %scan3A_128 = arith.constant 20 : i32
    %dma_wait3A_129 = arith.constant 0 : i32
    %dma_wait3A_130 = arith.constant 0 : i32
    %dma_wait3A_131 = arith.constant 0 : i32
    %dma_wait3A_132 = tpu.memref_slice %arg13[%dma_wait3A_129, %dma_wait3A_130, %dma_wait3A_131] : memref<5x64x128xf32, #tpu.memory_space<vmem>> -> memref<1x64x128xf32, #tpu.memory_space<vmem>>
    %dma_wait3A_133 = tpu.memref_squeeze %dma_wait3A_132 : memref<1x64x128xf32, #tpu.memory_space<vmem>> -> memref<64x128xf32, #tpu.memory_space<vmem>>
    %dma_wait3A_134 = arith.constant 0 : i32
    %dma_wait3A_135 = arith.constant 0 : i32
    %dma_wait3A_136 = tpu.memref_slice %arg4[%dma_wait3A_134, %dma_wait3A_135] : memref<100000x128xf32, #tpu.memory_space<hbm>> -> memref<64x128xf32, #tpu.memory_space<hbm>>
    %dma_wait3A_137 = arith.constant 0 : i32
    %dma_wait3A_138 = arith.constant 0 : i32
    %dma_wait3A_139 = tpu.memref_slice %arg13[%dma_wait3A_129, %dma_wait3A_137, %dma_wait3A_138] : memref<5x64x128xf32, #tpu.memory_space<vmem>> -> memref<1x64x128xf32, #tpu.memory_space<vmem>>
    %dma_wait3A_140 = tpu.memref_squeeze %dma_wait3A_139 : memref<1x64x128xf32, #tpu.memory_space<vmem>> -> memref<64x128xf32, #tpu.memory_space<vmem>>
    %dma_wait3A_141 = arith.constant 0 : i32
    %dma_wait3A_142 = arith.constant 0 : i32
    %dma_wait3A_143 = tpu.memref_slice %arg4[%dma_wait3A_141, %dma_wait3A_142] : memref<100000x128xf32, #tpu.memory_space<hbm>> -> memref<64x128xf32, #tpu.memory_space<hbm>>
    tpu.wait_dma2 semaphore(%arg30 : memref<!tpu.dma_semaphore, #tpu.memory_space<semaphore_mem>>) src(%dma_wait3A_143 : memref<64x128xf32, #tpu.memory_space<hbm>>) dst(%dma_wait3A_140 : memref<64x128xf32, #tpu.memory_space<vmem>>)
    %dma_wait3A_144 = arith.constant 0 : i32
    %dma_wait3A_145 = tpu.memref_slice %arg7[%mul3A_4, %dma_wait3A_144] : memref<1024x200xi32, #tpu.memory_space<hbm>> -> memref<32x200xi32, #tpu.memory_space<hbm>>
    %dma_wait3A_146 = arith.constant 0 : i32
    %dma_wait3A_147 = tpu.memref_slice %arg7[%mul3A_4, %dma_wait3A_146] : memref<1024x200xi32, #tpu.memory_space<hbm>> -> memref<32x200xi32, #tpu.memory_space<hbm>>
    tpu.wait_dma2 semaphore(%arg33 : memref<!tpu.dma_semaphore, #tpu.memory_space<semaphore_mem>>) src(%arg10 : memref<32x200xi32, #tpu.memory_space<vmem>>) dst(%dma_wait3A_147 : memref<32x200xi32, #tpu.memory_space<hbm>>)
    return
  }
}

</mosaic_0001>

<sc_bundles>
// kernel: kernel.3.cloned.1.call-start
scs
__scs_entry_jumppad:
0x0: {  	(pc) =	sbr.rel $0x88, $3  }
0x1: {  	(tag) =	ssettag $0x0;
	lr =	simm.s32 $0x1  }
0x2: {  	[smem:$0x3F9D] =	sst lr;
	_ =	strace $0xD0000000  }
0x3: {  	_ = 	snop  }
0x4: {  	_ = 	snop  }
0x5: {  	_ = 	snop  }
0x6: {  	_ = 	snop  }
0x7: {  	_ = 	snop  }
__scs_overlays_trampoline_lowered:
0x8: {  	[smem:$0x3FAC] =	sst s0  }
0x9: {  	[smem:$0x3FAD] =	sst s1  }
0xa: {  	[smem:$0x3FAE] =	sst s2  }
0xb: {  	[smem:$0x3FAF] =	sst s3  }
0xc: {  	[smem:$0x3FB0] =	sst s4  }
0xd: {  	[smem:$0x3FB1] =	sst s5  }
0xe: {  	[smem:$0x3FB2] =	sst s6  }
0xf: {  	[smem:$0x3FB3] =	sst s7  }
0x10: {  	[smem:$0x3FB4] =	sst s8  }
0x11: {  	[smem:$0x3FB5] =	sst s9;
	s0 =	simm.s32 @!p0 $0x0  }
0x12: {  	s1 =	sld [smem:$0x3F9B];
	s0 =	simm.s32 @p0 $0x1  }
0x13: {  	[smem:$0x3FB6] =	sst s0;
	s0 =	simm.s32 @!p1 $0x0  }
0x14: {  	s2 =	sld [smem:$0x3F9A];
	s0 =	simm.s32 @p1 $0x1  }
0x15: {  	[smem:$0x3FB7] =	sst s0;
	s0 =	simm.s32 @!p2 $0x0  }
0x16: {  	s3 =	sld [smem:$0x3FDB];
	s0 =	simm.s32 @p2 $0x1  }
0x17: {  	s4 =	simm.s32 $0x1BF5;
	[smem:$0x3FB9] =	sst s0  }
0x18: {  	s0 =	sld [smem:$0x3F9C];
	_ =	swait.ge [sflag:s4], $0x0  }
0x19: {  	s7 =	sld [smem:$0x3F9D]  }
0x1a: {  	s8 =	sadd.s32 $0xFFFFE003, lr  }
0x1b: {  	s9 =	sadd.s32 $0xFFFFFEF7, lr;
	s5 =	simm.s32 $0xFFFFFFFF;
	p2 =	slt.u32 s8, $0xFFFFF086  }
0x1c: {  	p1 =	slt.u32 s9, $0xF7A;
	s5 =	simm.s32 @!p2 $0x0  }
0x1d: {  	s5 =	simm.s32 @p1 $0x1;
	p0 =	seq.s32 s7, s2  }
0x1e: {  	s7 =	smul.u32 @!p0 $0xF7A, s2;
	p2 =	seq.s32 @!p0 s5, $0x0  }
0x1f: {  	s9 =	smul.u32 $0xF7A, s1;
	s8 =	simm.s32 @!p0 $0x1BF5;
	p2 =	por !p2, p0  }
0x20: {  	[sflag:s8] =	ssyncset.s32 @!p0 $0xFFFFF086;
	s6 =	sadd.s32 @!p0 s3, s7;
	s7 =	simm.s32 @!p0 $0x108  }
0x21: {  	s3 =	sadd.s32 s3, s9;
	s6 =	sadd.s32 @!p0 $0x88, s6;
	s7 =	simm.s32 @p2 $0x1082  }
0x22: {  	[simem:s7], [sflag:s8] =	dma.local @!p0 [hbm:s6], $0xF7A  }
0x23: {  	s9 =	sor.u32 $0xD0000000, s2;
	s6 =	simm.s32 $0x108;
	_ =	swait.ge @!p0 [sflag:s8], $0x0  }
0x24: {  	s3 =	sadd.s32 $0x88, s3;
	s6 =	simm.s32 @!p1 $0x1082;
	[sflag:s4] =	ssyncset.s32 $0xFFFFF086  }
0x25: {  	[simem:s6], [sflag:s4] =	dma.local [hbm:s3], $0xF7A  }
0x26: {  	[smem:$0x3F9D] =	sst s1;
	(tag) =	ssettag s2;
	_ =	strace s9  }
0x27: {  	s1 =	sld [smem:$0x3FAD]  }
0x28: {  	s2 =	sld [smem:$0x3FAE]  }
0x29: {  	s4 =	sld [smem:$0x3FB0]  }
0x2a: {  	p0 =	seq.s32 s5, $0x0;
	s5 =	sld [smem:$0x3FB1]  }
0x2b: {  	s6 =	sld [smem:$0x3FB2]  }
0x2c: {  	s7 =	sld [smem:$0x3FB3]  }
0x2d: {  	s3 =	simm.s32 $0x108;
	s8 =	sld [smem:$0x3FB4]  }
0x2e: {  	s3 =	simm.s32 @!p0 $0x1082;
	s9 =	sld [smem:$0x3FB5]  }
0x2f: {  	lr =	sadd.s32 s0, s3;
	s0 =	sld [smem:$0x3FAC]  }
0x30: {  	s3 =	sld [smem:$0x3FAF]  }
0x31: {  	[smem:$0x3FB8] =	sst s10  }
0x32: {  	s10 =	sld [smem:$0x3FB6];
	_ =	sdelay $0x3  }
0x33: {  	p0 =	seq.s32 s10, $0x1;
	s10 =	sld [smem:$0x3FB8];
	_ =	sdelay $0x3  }
0x34: {  	[smem:$0x3FB8] =	sst s10  }
0x35: {  	s10 =	sld [smem:$0x3FB7];
	_ =	sdelay $0x3  }
0x36: {  	p1 =	seq.s32 s10, $0x1;
	s10 =	sld [smem:$0x3FB8];
	_ =	sdelay $0x3  }
0x37: {  	[smem:$0x3FB8] =	sst s10  }
0x38: {  	s10 =	sld [smem:$0x3FB9]  }
0x39: {  	_ = 	snop;
	(pc) =	sbr.ind lr, $3  }
0x3a: {  	_ = 	snop  }
0x3b: {  	_ = 	snop  }
0x3c: {  	p2 =	seq.s32 s10, $0x1;
	s10 =	sld [smem:$0x3FB8]  }
0x3d: {  	_ =	shalt  }
0x3e: {  	_ =	shalt  }
0x3f: {  	_ =	shalt  }
0x40: {  	_ =	shalt  }
0x41: {  	_ =	shalt  }
0x42: {  	_ =	shalt  }
0x43: {  	_ =	shalt  }
0x44: {  	_ =	shalt  }
0x45: {  	_ =	shalt  }
0x46: {  	_ =	shalt  }
0x47: {  	_ =	shalt  }
0x48: {  	_ =	shalt  }
0x49: {  	_ =	shalt  }
0x4a: {  	_ =	shalt  }
0x4b: {  	_ =	shalt  }
0x4c: {  	_ =	shalt  }
0x4d: {  	_ =	shalt  }
0x4e: {  	_ =	shalt  }
0x4f: {  	_ =	shalt  }
0x50: {  	_ =	shalt  }
0x51: {  	_ =	shalt  }
0x52: {  	_ =	shalt  }
0x53: {  	_ =	shalt  }
0x54: {  	_ =	shalt  }
0x55: {  	_ =	shalt  }
0x56: {  	_ =	shalt  }
0x57: {  	_ =	shalt  }
0x58: {  	_ =	shalt  }
0x59: {  	_ =	shalt  }
0x5a: {  	_ =	shalt  }
0x5b: {  	_ =	shalt  }
0x5c: {  	_ =	shalt  }
0x5d: {  	_ =	shalt  }
0x5e: {  	_ =	shalt  }
0x5f: {  	_ =	shalt  }
0x60: {  	_ =	shalt  }
0x61: {  	_ =	shalt  }
0x62: {  	_ =	shalt  }
0x63: {  	_ =	shalt  }
0x64: {  	_ =	shalt  }
0x65: {  	_ =	shalt  }
0x66: {  	_ =	shalt  }
0x67: {  	_ =	shalt  }
0x68: {  	_ =	shalt  }
0x69: {  	_ =	shalt  }
0x6a: {  	_ =	shalt  }
0x6b: {  	_ =	shalt  }
0x6c: {  	_ =	shalt  }
0x6d: {  	_ =	shalt  }
0x6e: {  	_ =	shalt  }
0x6f: {  	_ =	shalt  }
0x70: {  	_ =	shalt  }
0x71: {  	_ =	shalt  }
0x72: {  	_ =	shalt  }
0x73: {  	_ =	shalt  }
0x74: {  	_ =	shalt  }
0x75: {  	_ =	shalt  }
0x76: {  	_ =	shalt  }
0x77: {  	_ =	shalt  }
0x78: {  	_ =	shalt  }
0x79: {  	_ =	shalt  }
0x7a: {  	_ =	shalt  }
0x7b: {  	_ =	shalt  }
0x7c: {  	_ =	shalt  }
0x7d: {  	_ =	shalt  }
0x7e: {  	_ =	shalt  }
0x7f: {  	_ =	shalt  }
0x80: {  	_ =	shalt  }
0x81: {  	_ =	shalt  }
0x82: {  	_ =	shalt  }
0x83: {  	_ =	shalt  }
0x84: {  	_ =	shalt  }
0x85: {  	_ =	shalt  }
0x86: {  	_ =	shalt  }
0x87: {  	_ =	shalt  }
.Lfunc_end0:
.L_simem_size_0:
called_computation_lowered:
.L_overlay_start_0:
0x88: {  	s2 =	sld [smem:$0x3FD9]  }
0x89: {  	s3 =	sld [smem:$0x3FFE];
	_ =	sdelay $0x1  }
0x8a: {  	s1 =	srdreg.scid  }
0x8b: {  	s0 =	sand.u32 $0x1, s1  }
0x8c: {  	s14 =	sshll.u32 s0, $0xA;
	s2 =	sadd.s32 s3, s2  }
0x8d: {  	s2 =	sadd.s32 s2, s14  }
0x8e: {  	[smem:$0x3FC4] =	sst s2  }
0x8f: {  	_ = 	snop  }
0x90: {  	s2 =	sld [smem:$0x3FD0];
	_ =	sdelay $0x1  }
0x91: {  	s15 =	sld [smem:$0x3FC7]  }
0x92: {  	s5 =	simm.s32 $0xA;
	s6 =	simm.s32 $0x10;
	s4 =	sld [smem:$0x3FC6]  }
0x93: {  	[smem:s6], [sflag:s5] =	dma.local [hbm:s2], $0x1  }
0x94: {  	_ =	swait.eq [sflag:s5], $0x1  }
0x95: {  	[sflag:s5] =	ssyncset.done $0x0  }
0x96: {  	[sflag:s5] =	ssyncadd.s32 $0xFFFFFFFF  }
0x97: {  	s16 =	sld [smem:$0x10];
	(tm) =	ssettm $0x1  }
0x98: {  	s17 =	sld [smem:$0x3FFB];
	_ =	sdelay $0x3  }
0x99: {  	_ =	strace s17  }
0x9a: {  	s5 =	sld [smem:$0x3FFC];
	_ =	sdelay $0x3  }
0x9b: {  	_ =	strace s5  }
0x9c: {  	s5 =	sld [smem:$0x3FFD];
	_ =	sdelay $0x3  }
0x9d: {  	_ =	strace s5  }
0x9e: {  	_ =	strace $0x8FFFFFFF  }
0x9f: {  	s18 =	sld [smem:$0x3FDB];
	_ =	sdelay $0x1  }
0xa0: {  	s19 =	simm.s32 $_scs_section_size  }
0xa1: {  	s7 =	simm.s32 $_size__tile_overlayer_lowered;
	s8 =	simm.s32 $_tile_overlayer_lowered  }
0xa2: {  	s22 =	simm.s32 $0x1BFF;
	s21 =	sshll.u32 s8, $0x1;
	s5 =	sadd.s32 s19, s18  }
0xa3: {  	s9 =	simm.s32 $0x0;
	s20 =	sshll.u32 s7, $0x1;
	s7 =	sadd.s32 s21, s5  }
0xa4: {  	[timem:s9], [sflag:s22] =	dma.local [hbm:s7], s20  }
0xa5: {  	_ =	swait.ge [sflag:s22], s20  }
0xa6: {  	s6 =	ssub.s32 $0x0, s20;
	[sflag:s22] =	ssyncset.done $0x0  }
0xa7: {  	[sflag:s22] =	ssyncadd.s32 s6;
	_ =	sdelay $0x1  }
0xa8: {  	s23 =	simm.s32 $0x1B8B  }
0xa9: {  	_ =	swait.ge [sflag:s23], $0x1  }
0xaa: {  	[sflag:s23] =	ssyncset.done $0x0  }
0xab: {  	s25 =	simm.s32 $0x1B8E;
	s24 =	sld [smem:$0x3FFE];
	[sflag:s23] =	ssyncadd.s32 $0xFFFFFFFF  }
0xac: {  	s26 =	simm.s32 $execute0_lowered;
	[smem:$0x3FD2] =	sst s25  }
0xad: {  	s7 =	sshll.u32 s26, $0x1;
	_ =	strace $0x80000046;
	[dreg:$0x1] =	wrdreg $0xFFFFFFFF  }
0xae: {  	s28 =	simm.s32 $_size_execute0_lowered;
	s5 =	sadd.s32 s5, s7;
	[dreg:$0x0] =	wrdreg $0x0  }
0xaf: {  	s7 =	sshll.u32 s28, $0x1;
	[dreg:$0x2] =	wrdreg s5  }
0xb0: {  	[dreg:$0x3] =	wrdreg s7  }
0xb1: {  	[dreg:$0x4] =	wrdreg $0xC0  }
0xb2: {  	_ =	task [dreg:s9], $0x5FFFF  }
0xb3: {  	[dreg:$0x1] =	wrdreg $0xFFFFFFFF  }
0xb4: {  	[dreg:$0x0] =	wrdreg $0x60  }
0xb5: {  	[dreg:$0x2] =	wrdreg s24  }
0xb6: {  	[dreg:$0x3] =	wrdreg s15  }
0xb7: {  	[dreg:$0x4] =	wrdreg s4  }
0xb8: {  	[dreg:$0x5] =	wrdreg s16  }
0xb9: {  	[dreg:$0x6] =	wrdreg $0x1D2000  }
0xba: {  	[dreg:$0x7] =	wrdreg $0x9  }
0xbb: {  	_ =	task.clear_ibuf [dreg:s9], $0x8FFFF;
	_ =	strace $0x90000046  }
0xbc: {  	s29 =	simm.s32 $0x9;
	_ =	strace $0x80000048  }
0xbd: {  	_ =	swait.ge [sflag:s29], $0x1  }
0xbe: {  	[sflag:s29] =	ssyncadd.s32 $0xFFFFFFFF  }
0xbf: {  	_ =	strace $0x90000048  }
0xc0: {  	_ =	sfence  }
0xc1: {  	s30 =	sld [smem:$0x0];
	_ =	sdelay $0x2  }
0xc2: {  	s31 =	sshll.u32 s1, $0xD;
	s1 =	sshrl.u32 s1, $0x2  }
0xc3: {  	s3 =	sand.u32 $0x4000, s31;
	s1 =	sadd.s32 s1, s30  }
0xc4: {  	s0 =	sor.u32 s3, s0;
	s1 =	sshll.u32 s1, $0x11  }
0xc5: {  	s0 =	sor.u32 s1, s0  }
0xc6: {  	s0 =	sadd.s32 $0x8F2B, s0  }
0xc7: {  	[sflag:s0] =	ssyncadd.remote.s32 $0x1  }
0xc8: {  	_ =	sfence.sel $0xFFFF  }
0xc9: {  	[dreg:$0x0] =	wrdreg $0xFFFFFFFF;
	(pc) =	sbr.abs _section_cstart, $3  }
0xca: {  	[dreg:$0x1] =	wrdreg $0xFFFFFFFF  }
0xcb: {  	_ =	task.clear_ibuf [dreg:s9], $0x2FFFF;
	_ =	strace $0x9FFFFFFF  }
0xcc: {  	(tm) =	ssettm $0x7FFFFFFF  }
0xcd: {  	_ =	shalt  }
tec
execute0_lowered:
.L_overlay_start_1:
0x0: {  	(tag) =	ssettag $0x1  }
0x1: {  	s0 =	rddreg [dreg:$0x0]  }
0x2: {  	s1 =	rddreg [dreg:$0x1]  }
0x3: {  	s2 =	rddreg [dreg:$0x2]  }
0x4: {  	s3 =	rddreg [dreg:$0x3];
	s5 =	srdreg.scid  }
0x5: {  	s10 =	stileid.u32;
	s4 =	rddreg [dreg:$0x4];
	s28 =	simm.s32 $0xF200  }
0x6: {  	s29 =	simm.s32 $0x7;
	s11 =	simm.s32 $0xC;
	s12 =	simm.s32 $0x4  }
0x7: {  	s16 =	simm.s32 $0x9;
	s17 =	simm.s32 $0xD;
	s13 =	simm.s32 $0x0  }
0x8: {  	s6 =	sand.u32 $0x1, s5;
	s7 =	sshll.u32 s10, $0x1;
	s5 =	simm.s32 $0x0  }
0x9: {  	s19 =	sshll.u32 s10, $0xC;
	s9 =	sshll.u32 s10, $0x9;
	s10 =	sshll.u32 s10, $0x6  }
0xa: {  	s7 =	sor.u32 s6, s7;
	[smem:$0x7FF] =	sst s5;
	s6 =	ssub.s32 $0x2, s6  }
0xb: {  	s2 =	sadd.s32 s2, s9;
	s20 =	sor.u32 $0x1C12, s10;
	s10 =	simm.s32 $0x8  }
0xc: {  	_ =	strace $0x80000047;
	s15 =	smul.u32 $0x1900, s7;
	[dreg:$0x7] =	wrdreg s2  }
0xd: {  	s8 =	sshll.u32 s7, $0xA;
	[dreg:$0x8] =	wrdreg s20;
	s30 =	smul.u32 $0xC8000, s7  }
0xe: {  	s18 =	sshrl.u32 s6, $0x1;
	s0 =	sadd.s32 s8, s0;
	[dreg:$0x6] =	wrdreg s15  }
0xf: {  	s2 =	simm.s32 $0x1;
	s21 =	sadd.s32 $0x800, s0;
	[dreg:$0x9] =	wrdreg s30  }
0x10: {  	s7 =	simm.s32 $0xB;
	s22 =	sadd.s32 $0x8800, s0;
	[dreg:$0xa] =	wrdreg s21  }
0x11: {  	s20 =	simm.s32 $0xA;
	s0 =	sadd.s32 $0x10800, s0;
	[dreg:$0xb] =	wrdreg s22  }
0x12: {  	v0 =	vimm.s32 $0xFEDCBA98;
	s6 =	ssub.s32 s6, s18;
	s23 =	sor.u32 $0x2000, s30;
	[dreg:$0xc] =	wrdreg s0  }
0x13: {  	v1 =	vimm.s32 $0x76543210;
	v0 =	vunpack.c.l.s4.s8 v0;
	s8 =	sadd.s32 s19, s4;
	s24 =	sor.u32 $0x4000, s30;
	[dreg:$0xd] =	wrdreg s23  }
.Ltmp0:
0x14: {  	v1 =	vunpack.c.l.s4.s8 v1;
	s25 =	sor.u32 $0x6000, s30;
	[dreg:$0xe] =	wrdreg s24;
	(pc) =	sbr.rel .LBB2_1-.Ltmp0, $4  }
0x15: {  	v0 =	vunpack.c.0.s8.s32 v0;
	s19 =	simm.s32 $0x5;
	s26 =	smax.u32 s6, $0x1;
	[dreg:$0xf] =	wrdreg s25  }
0x16: {  	v1 =	vunpack.c.0.s8.s32 v1;
	s31 =	sshrl.u32 s8, $0x3;
	s8 =	simm.s32 $0x3;
	[dreg:$0x10] =	wrdreg s26  }
0x17: {  	v0 =	vand.u32 $0xF, v0;
	[dreg:$0x11] =	wrdreg s31;
	s23 =	simm.s32 $0x40;
	s0 =	simm.s32 $0x6  }
0x18: {  	vm0 =	vmmov $0xff;
	s21 =	simm.s32 $0x11200;
	s26 =	simm.s32 $0x2;
	v0 =	vcombine.low v0, v1;
	s22 =	simm.s32 $0xE  }
.LBB2_16:
0x19: {  	s6 =	simm.s32 $0xF  }
0x1a: {  	_ =	swait.ge [sflag:s6], $0x2000  }
0x1b: {  	[sflag:s6] =	ssyncset.done $0x0  }
0x1c: {  	s9 =	simm.s32 $0x12;
	[sflag:s6] =	ssyncadd.s32 $0xFFFFE000  }
0x1d: {  	_ =	swait.ge [sflag:s9], $0x2000  }
0x1e: {  	s13 =	rddreg [dreg:$0x12]  }
0x1f: {  	s31 =	rddreg [dreg:$0x10];
	s13 =	sadd.s32 $0x1, s13  }
0x20: {  	p0 =	sne.s32 s13, s31  }
.Ltmp1:
0x21: {  	_ = 	snop;
	(pc) =	sbr.rel @!p0 .LBB2_17-.Ltmp1, $3  }
0x22: {  	_ =	sdelay $0x1  }
0x23: {  	[sflag:s9] =	ssyncset.done $0x0  }
0x24: {  	[sflag:s9] =	ssyncadd.s32 $0xFFFFE000  }
.LBB2_1:
0x25: {  	[dreg:$0x12] =	wrdreg s13  }
0x26: {  	s6 =	rddreg [dreg:$0x7]  }
0x27: {  	s9 =	rddreg [dreg:$0x8]  }
0x28: {  	s15 =	rddreg [dreg:$0x11]  }
0x29: {  	[spmem:s15], [sflag:s9] =	dma.local [hbm:s6], $0x200  }
0x2a: {  	s6 =	rddreg [dreg:$0xa]  }
0x2b: {  	[tilespmem:s5], [sflag:$0x10] =	stream.linear.gather [hbm4b:s6+s5], $0x2000, $0x38;
	[tilespmem:$0x1E200] =	vst v63  }
0x2c: {  	s24 =	simm.s32 $0x2000;
	s25 =	simm.s32 $0x10;
	s18 =	rddreg [dreg:$0xb]  }
0x2d: {  	[tilespmem:s24], [sflag:$0x11] =	stream.linear.gather [hbm4b:s18+s5], $0x2000, $0x38;
	[tilespmem:$0x1E200] =	vst v63  }
0x2e: {  	_ =	swait.ge [sflag:s25], $0x2000  }
0x2f: {  	[sflag:s25] =	ssyncset.done $0x0  }
0x30: {  	s6 =	simm.s32 $0x11;
	[sflag:s25] =	ssyncadd.s32 $0xFFFFE000  }
0x31: {  	_ =	swait.ge [sflag:s6], $0x2000  }
0x32: {  	s14 =	sand.u32 $0x380, s5;
	s9 =	sand.u32 $0x1800, s5;
	[sflag:s6] =	ssyncset.done $0x0  }
0x33: {  	s9 =	sor.u32 s14, s9;
	[sflag:s6] =	ssyncadd.s32 $0xFFFFE000  }
0x34: {  	v1 =	vld [tilespmem:s9+$0x0];
	_ =	sdelay $0x3  }
0x35: {  	v2 =	vld [tilespmem:s9+$0x2000]  }
0x36: {  	v3 =	vsub.s32 $0x0, v1  }
0x37: {  	v3 =	vmin.u32 v1, v3  }
0x38: {  	vm1 =	vlt.s32 v3, $0x1  }
0x39: {  	v3 =	vnsel vm1, $0x1, v3  }
0x3a: {  	s18 =	simm.s32 $0x6060;
	v2 =	vmul.u32 v2, v3  }
0x3b: {  	s13 =	simm.s32 $0x7960;
	[tilespmem:s18+$0xFFFFFFA0] =	vst v1  }
0x3c: {  	[tilespmem:s13+$0xFFFFFFA0] =	vst v2  }
0x3d: {  	v1 =	vld [tilespmem:s9+$0x10];
	_ =	sdelay $0x3  }
0x3e: {  	v2 =	vld [tilespmem:s9+$0x2010]  }
0x3f: {  	v4 =	vsub.s32 $0x0, v1  }
0x40: {  	v4 =	vmin.u32 v1, v4  }
0x41: {  	vm1 =	vlt.s32 v4, $0x1  }
0x42: {  	v3 =	vsub.s32 $0x1, v3;
	v4 =	vnsel vm1, $0x1, v4  }
0x43: {  	[tilespmem:s9+$0x4000] =	vst v3;
	v2 =	vmul.u32 v2, v4  }
0x44: {  	[tilespmem:s18+$0xFFFFFFB0] =	vst v1  }
0x45: {  	[tilespmem:s13+$0xFFFFFFB0] =	vst v2  }
0x46: {  	v1 =	vld [tilespmem:s9+$0x20];
	_ =	sdelay $0x3  }
0x47: {  	v2 =	vld [tilespmem:s9+$0x2020]  }
0x48: {  	v3 =	vsub.s32 $0x0, v1  }
0x49: {  	v3 =	vmin.u32 v1, v3  }
0x4a: {  	vm1 =	vlt.s32 v3, $0x1  }
0x4b: {  	v4 =	vsub.s32 $0x1, v4;
	v3 =	vnsel vm1, $0x1, v3  }
0x4c: {  	[tilespmem:s9+$0x4010] =	vst v4;
	v2 =	vmul.u32 v2, v3  }
0x4d: {  	[tilespmem:s18+$0xFFFFFFC0] =	vst v1  }
0x4e: {  	[tilespmem:s13+$0xFFFFFFC0] =	vst v2  }
0x4f: {  	v1 =	vld [tilespmem:s9+$0x30];
	_ =	sdelay $0x3  }
0x50: {  	v2 =	vld [tilespmem:s9+$0x2030]  }
0x51: {  	v58 =	vsub.s32 $0x0, v1  }
0x52: {  	v4 =	vmin.u32 v1, v58  }
0x53: {  	vm1 =	vlt.s32 v4, $0x1  }
0x54: {  	v3 =	vsub.s32 $0x1, v3;
	v4 =	vnsel vm1, $0x1, v4  }
0x55: {  	[tilespmem:s9+$0x4020] =	vst v3;
	v2 =	vmul.u32 v2, v4  }
0x56: {  	[tilespmem:s18+$0xFFFFFFD0] =	vst v1  }
0x57: {  	[tilespmem:s13+$0xFFFFFFD0] =	vst v2  }
0x58: {  	v1 =	vld [tilespmem:s9+$0x40];
	_ =	sdelay $0x3  }
0x59: {  	v2 =	vld [tilespmem:s9+$0x2040]  }
0x5a: {  	v3 =	vsub.s32 $0x0, v1  }
0x5b: {  	v3 =	vmin.u32 v1, v3  }
0x5c: {  	vm1 =	vlt.s32 v3, $0x1  }
0x5d: {  	v4 =	vsub.s32 $0x1, v4;
	v3 =	vnsel vm1, $0x1, v3  }
0x5e: {  	[tilespmem:s9+$0x4030] =	vst v4;
	v2 =	vmul.u32 v2, v3  }
0x5f: {  	[tilespmem:s18+$0xFFFFFFE0] =	vst v1  }
0x60: {  	[tilespmem:s13+$0xFFFFFFE0] =	vst v2  }
0x61: {  	v1 =	vld [tilespmem:s9+$0x50];
	_ =	sdelay $0x3  }
0x62: {  	v2 =	vld [tilespmem:s9+$0x2050]  }
0x63: {  	v59 =	vsub.s32 $0x0, v1  }
0x64: {  	v4 =	vmin.u32 v1, v59  }
0x65: {  	vm1 =	vlt.s32 v4, $0x1  }
0x66: {  	v3 =	vsub.s32 $0x1, v3;
	v4 =	vnsel vm1, $0x1, v4  }
0x67: {  	[tilespmem:s9+$0x4040] =	vst v3;
	v2 =	vmul.u32 v2, v4  }
0x68: {  	[tilespmem:s18+$0xFFFFFFF0] =	vst v1  }
0x69: {  	[tilespmem:s13+$0xFFFFFFF0] =	vst v2  }
0x6a: {  	v1 =	vld [tilespmem:s9+$0x60];
	_ =	sdelay $0x3  }
0x6b: {  	v2 =	vld [tilespmem:s9+$0x2060]  }
0x6c: {  	v3 =	vsub.s32 $0x0, v1  }
0x6d: {  	v3 =	vmin.u32 v1, v3  }
0x6e: {  	vm1 =	vlt.s32 v3, $0x1  }
0x6f: {  	v4 =	vsub.s32 $0x1, v4;
	v3 =	vnsel vm1, $0x1, v3  }
0x70: {  	[tilespmem:s9+$0x4050] =	vst v4;
	v2 =	vmul.u32 v2, v3  }
0x71: {  	[tilespmem:s18+$0x0] =	vst v1  }
0x72: {  	[tilespmem:s13+$0x0] =	vst v2  }
0x73: {  	v1 =	vld [tilespmem:s9+$0x70];
	_ =	sdelay $0x3  }
0x74: {  	v2 =	vld [tilespmem:s9+$0x2070]  }
0x75: {  	v60 =	vsub.s32 $0x0, v1  }
0x76: {  	v4 =	vmin.u32 v1, v60  }
0x77: {  	vm1 =	vlt.s32 v4, $0x1  }
0x78: {  	v3 =	vsub.s32 $0x1, v3;
	v4 =	vnsel vm1, $0x1, v4  }
0x79: {  	[tilespmem:s9+$0x4060] =	vst v3;
	v2 =	vmul.u32 v2, v4  }
0x7a: {  	[tilespmem:s18+$0x10] =	vst v1  }
0x7b: {  	[tilespmem:s13+$0x10] =	vst v2  }
0x7c: {  	v1 =	vld [tilespmem:s9+$0x400];
	_ =	sdelay $0x3  }
0x7d: {  	v2 =	vld [tilespmem:s9+$0x2400]  }
0x7e: {  	v3 =	vsub.s32 $0x0, v1  }
0x7f: {  	v3 =	vmin.u32 v1, v3  }
0x80: {  	vm1 =	vlt.s32 v3, $0x1  }
0x81: {  	v4 =	vsub.s32 $0x1, v4;
	v3 =	vnsel vm1, $0x1, v3  }
0x82: {  	s15 =	sand.u32 $0x1FF8, s5;
	[tilespmem:s9+$0x4070] =	vst v4;
	v2 =	vmul.u32 v2, v3  }
0x83: {  	[tilespmem:s15+$0x6080] =	vst v1  }
0x84: {  	[tilespmem:s15+$0x7980] =	vst v2  }
0x85: {  	v1 =	vld [tilespmem:s9+$0x410];
	_ =	sdelay $0x3  }
0x86: {  	v2 =	vld [tilespmem:s9+$0x2410]  }
0x87: {  	v61 =	vsub.s32 $0x0, v1  }
0x88: {  	v4 =	vmin.u32 v1, v61  }
0x89: {  	vm1 =	vlt.s32 v4, $0x1  }
0x8a: {  	v3 =	vsub.s32 $0x1, v3;
	v4 =	vnsel vm1, $0x1, v4  }
0x8b: {  	[tilespmem:s9+$0x4400] =	vst v3;
	v2 =	vmul.u32 v2, v4  }
0x8c: {  	[tilespmem:s18+$0x30] =	vst v1  }
0x8d: {  	[tilespmem:s13+$0x30] =	vst v2  }
0x8e: {  	v1 =	vld [tilespmem:s9+$0x420];
	_ =	sdelay $0x3  }
0x8f: {  	v2 =	vld [tilespmem:s9+$0x2420]  }
0x90: {  	v3 =	vsub.s32 $0x0, v1  }
0x91: {  	v3 =	vmin.u32 v1, v3  }
0x92: {  	vm1 =	vlt.s32 v3, $0x1  }
0x93: {  	v4 =	vsub.s32 $0x1, v4;
	v3 =	vnsel vm1, $0x1, v3  }
0x94: {  	[tilespmem:s9+$0x4410] =	vst v4;
	v2 =	vmul.u32 v2, v3  }
0x95: {  	[tilespmem:s18+$0x40] =	vst v1  }
0x96: {  	[tilespmem:s13+$0x40] =	vst v2  }
0x97: {  	v1 =	vld [tilespmem:s9+$0x430];
	_ =	sdelay $0x3  }
0x98: {  	v2 =	vld [tilespmem:s9+$0x2430]  }
0x99: {  	v62 =	vsub.s32 $0x0, v1  }
0x9a: {  	v4 =	vmin.u32 v1, v62  }
0x9b: {  	vm1 =	vlt.s32 v4, $0x1  }
0x9c: {  	v3 =	vsub.s32 $0x1, v3;
	v4 =	vnsel vm1, $0x1, v4  }
0x9d: {  	[tilespmem:s9+$0x4420] =	vst v3;
	v2 =	vmul.u32 v2, v4  }
0x9e: {  	[tilespmem:s18+$0x50] =	vst v1  }
0x9f: {  	v1 =	vsub.s32 $0x1, v4;
	[tilespmem:s13+$0x50] =	vst v2  }
0xa0: {  	s24 =	sor.u32 $0x440, s9;
	[tilespmem:s9+$0x4430] =	vst v1;
	v1 =	vld [tilespmem:s9+$0x430]  }
0xa1: {  	v2 =	vld.msk [tilespmem:s24+$0x0], $0xff;
	_ =	sdelay $0x2  }
0xa2: {  	s25 =	sor.u32 $0x2440, s9;
	v63 =	vld [tilespmem:s9+$0x2430]  }
0xa3: {  	v3 =	vld.msk [tilespmem:s25+$0x0], $0xff  }
0xa4: {  	v5 =	vsub.s32 $0x0, v1;
	v6 =	vsub.s32 $0x0, v2  }
0xa5: {  	v5 =	vmin.u32 v1, v5;
	v6 =	vmin.u32 v2, v6  }
0xa6: {  	vm1 =	vlt.s32 v5, $0x1;
	vm2 =	vlt.s32 v6, $0x1  }
0xa7: {  	v5 =	vnsel vm1, $0x1, v5;
	v6 =	vnsel vm2, $0x1, v6  }
0xa8: {  	v4 =	vmul.u32 v5, v63;
	v3 =	vmul.u32 v6, v3  }
0xa9: {  	v1 =	vperm.xlane v1, v0;
	v2 =	vperm.xlane v2, v0  }
0xaa: {  	v4 =	vperm.xlane v4, v0;
	v3 =	vperm.xlane v3, v0  }
0xab: {  	v1 =	vsel vm0, v1, v2  }
0xac: {  	s30 =	simm.s32 $0x80;
	s31 =	simm.s32 $0x6128;
	s14 =	simm.s32 $0x100;
	[tilespmem:s18+$0x58] =	vst v1;
	v1 =	vsel vm0, v4, v3  }
0xad: {  	s6 =	simm.s32 $0x200;
	s15 =	sor.u32 $0x4440, s9;
	s24 =	simm.s32 $0x7A28;
	v2 =	vsub.s32 $0x1, v5;
	[tilespmem:s13+$0x58] =	vst v1  }
0xae: {  	s25 =	simm.s32 $0x0;
	s13 =	sand.u32 $0x1800, s14;
	v1 =	vsub.s32 $0x1, v6;
	s14 =	sand.u32 $0x380, s30;
	[tilespmem:s9+$0x4430] =	vst v2  }
.LBB2_2:
0xaf: {  	s18 =	sor.u32 s14, s13  }
0xb0: {  	[tilespmem:s15+$0x0] =	vst.msk $0xff, v1;
	s25 =	sadd.s32 $0xC8, s25;
	s13 =	smov.u32 s6;
	s9 =	sadd.s32 $0x100, s6  }
0xb1: {  	p0 =	sne.s32 s6, $0x1F00;
	v1 =	vld [tilespmem:s18+$0x0];
	_ =	sdelay $0x3  }
0xb2: {  	v2 =	vld [tilespmem:s18+$0x2000]  }
0xb3: {  	v3 =	vsub.s32 $0x0, v1  }
0xb4: {  	v3 =	vmin.u32 v1, v3  }
0xb5: {  	vm1 =	vlt.s32 v3, $0x1  }
0xb6: {  	v3 =	vnsel vm1, $0x1, v3  }
0xb7: {  	v2 =	vmul.u32 v2, v3  }
0xb8: {  	[tilespmem:s31+$0xFFFFFFA0] =	vst v1  }
0xb9: {  	[tilespmem:s24+$0xFFFFFFA0] =	vst v2  }
0xba: {  	v1 =	vld [tilespmem:s18+$0x10];
	_ =	sdelay $0x3  }
0xbb: {  	v2 =	vld [tilespmem:s18+$0x2010]  }
0xbc: {  	v4 =	vsub.s32 $0x0, v1  }
0xbd: {  	v4 =	vmin.u32 v1, v4  }
0xbe: {  	vm1 =	vlt.s32 v4, $0x1  }
0xbf: {  	v3 =	vsub.s32 $0x1, v3;
	v4 =	vnsel vm1, $0x1, v4  }
0xc0: {  	[tilespmem:s18+$0x4000] =	vst v3;
	v2 =	vmul.u32 v2, v4  }
0xc1: {  	[tilespmem:s31+$0xFFFFFFB0] =	vst v1  }
0xc2: {  	[tilespmem:s24+$0xFFFFFFB0] =	vst v2  }
0xc3: {  	v1 =	vld [tilespmem:s18+$0x20];
	_ =	sdelay $0x3  }
0xc4: {  	v2 =	vld [tilespmem:s18+$0x2020]  }
0xc5: {  	v3 =	vsub.s32 $0x0, v1  }
0xc6: {  	v3 =	vmin.u32 v1, v3  }
0xc7: {  	vm1 =	vlt.s32 v3, $0x1  }
0xc8: {  	v4 =	vsub.s32 $0x1, v4;
	v3 =	vnsel vm1, $0x1, v3  }
0xc9: {  	[tilespmem:s18+$0x4010] =	vst v4;
	v2 =	vmul.u32 v2, v3  }
0xca: {  	[tilespmem:s31+$0xFFFFFFC0] =	vst v1  }
0xcb: {  	[tilespmem:s24+$0xFFFFFFC0] =	vst v2  }
0xcc: {  	v1 =	vld [tilespmem:s18+$0x30];
	_ =	sdelay $0x3  }
0xcd: {  	v2 =	vld [tilespmem:s18+$0x2030]  }
0xce: {  	v4 =	vsub.s32 $0x0, v1  }
0xcf: {  	v4 =	vmin.u32 v1, v4  }
0xd0: {  	vm1 =	vlt.s32 v4, $0x1  }
0xd1: {  	v3 =	vsub.s32 $0x1, v3;
	v4 =	vnsel vm1, $0x1, v4  }
0xd2: {  	[tilespmem:s18+$0x4020] =	vst v3;
	v2 =	vmul.u32 v2, v4  }
0xd3: {  	[tilespmem:s31+$0xFFFFFFD0] =	vst v1  }
0xd4: {  	[tilespmem:s24+$0xFFFFFFD0] =	vst v2  }
0xd5: {  	v1 =	vld [tilespmem:s18+$0x40];
	_ =	sdelay $0x3  }
0xd6: {  	v2 =	vld [tilespmem:s18+$0x2040]  }
0xd7: {  	v3 =	vsub.s32 $0x0, v1  }
0xd8: {  	v3 =	vmin.u32 v1, v3  }
0xd9: {  	vm1 =	vlt.s32 v3, $0x1  }
0xda: {  	v4 =	vsub.s32 $0x1, v4;
	v3 =	vnsel vm1, $0x1, v3  }
0xdb: {  	[tilespmem:s18+$0x4030] =	vst v4;
	v2 =	vmul.u32 v2, v3  }
0xdc: {  	[tilespmem:s31+$0xFFFFFFE0] =	vst v1  }
0xdd: {  	[tilespmem:s24+$0xFFFFFFE0] =	vst v2  }
0xde: {  	v1 =	vld [tilespmem:s18+$0x50];
	_ =	sdelay $0x3  }
0xdf: {  	v2 =	vld [tilespmem:s18+$0x2050]  }
0xe0: {  	v4 =	vsub.s32 $0x0, v1  }
0xe1: {  	v4 =	vmin.u32 v1, v4  }
0xe2: {  	vm1 =	vlt.s32 v4, $0x1  }
0xe3: {  	v3 =	vsub.s32 $0x1, v3;
	v4 =	vnsel vm1, $0x1, v4  }
0xe4: {  	[tilespmem:s18+$0x4040] =	vst v3;
	v2 =	vmul.u32 v2, v4  }
0xe5: {  	[tilespmem:s31+$0xFFFFFFF0] =	vst v1  }
0xe6: {  	[tilespmem:s24+$0xFFFFFFF0] =	vst v2  }
0xe7: {  	v1 =	vld [tilespmem:s18+$0x60];
	_ =	sdelay $0x3  }
0xe8: {  	v2 =	vld [tilespmem:s18+$0x2060]  }
0xe9: {  	v3 =	vsub.s32 $0x0, v1  }
0xea: {  	v3 =	vmin.u32 v1, v3  }
0xeb: {  	vm1 =	vlt.s32 v3, $0x1  }
0xec: {  	v4 =	vsub.s32 $0x1, v4;
	v3 =	vnsel vm1, $0x1, v3  }
0xed: {  	[tilespmem:s18+$0x4050] =	vst v4;
	v2 =	vmul.u32 v2, v3  }
0xee: {  	[tilespmem:s31+$0x0] =	vst v1  }
0xef: {  	[tilespmem:s24+$0x0] =	vst v2  }
0xf0: {  	v1 =	vld [tilespmem:s18+$0x70];
	_ =	sdelay $0x3  }
0xf1: {  	v2 =	vld [tilespmem:s18+$0x2070]  }
0xf2: {  	v4 =	vsub.s32 $0x0, v1  }
0xf3: {  	v4 =	vmin.u32 v1, v4  }
0xf4: {  	vm1 =	vlt.s32 v4, $0x1  }
0xf5: {  	v3 =	vsub.s32 $0x1, v3;
	v4 =	vnsel vm1, $0x1, v4  }
0xf6: {  	[tilespmem:s18+$0x4060] =	vst v3;
	v2 =	vmul.u32 v2, v4  }
0xf7: {  	[tilespmem:s31+$0x10] =	vst v1  }
0xf8: {  	[tilespmem:s24+$0x10] =	vst v2  }
0xf9: {  	v1 =	vld [tilespmem:s18+$0x400];
	_ =	sdelay $0x2  }
0xfa: {  	v2 =	vsub.s32 $0x1, v4  }
0xfb: {  	s6 =	sand.u32 $0x1FF8, s25;
	[tilespmem:s18+$0x4070] =	vst v2;
	v2 =	vld [tilespmem:s18+$0x2400]  }
0xfc: {  	v3 =	vsub.s32 $0x0, v1;
	[tilespmem:s6+$0x6080] =	vst v1  }
0xfd: {  	v1 =	vmin.u32 v1, v3  }
0xfe: {  	vm1 =	vlt.s32 v1, $0x1  }
0xff: {  	v1 =	vnsel vm1, $0x1, v1  }
0x100: {  	v2 =	vmul.u32 v2, v1;
	v1 =	vsub.s32 $0x1, v1;
	_ =	sdelay $0x1  }
0x101: {  	[tilespmem:s6+$0x7980] =	vst v2  }
0x102: {  	[tilespmem:s18+$0x4400] =	vst v1;
	v1 =	vld [tilespmem:s18+$0x410];
	_ =	sdelay $0x3  }
0x103: {  	v2 =	vld [tilespmem:s18+$0x2410]  }
0x104: {  	v3 =	vsub.s32 $0x0, v1;
	[tilespmem:s31+$0x30] =	vst v1  }
0x105: {  	v1 =	vmin.u32 v1, v3  }
0x106: {  	vm1 =	vlt.s32 v1, $0x1  }
0x107: {  	v1 =	vnsel vm1, $0x1, v1  }
0x108: {  	v2 =	vmul.u32 v2, v1;
	_ =	sdelay $0x1  }
0x109: {  	v1 =	vsub.s32 $0x1, v1;
	[tilespmem:s24+$0x30] =	vst v2  }
0x10a: {  	[tilespmem:s18+$0x4410] =	vst v1;
	v1 =	vld [tilespmem:s18+$0x420]  }
0x10b: {  	v2 =	vld [tilespmem:s18+$0x2420];
	_ =	sdelay $0x3  }
0x10c: {  	v3 =	vsub.s32 $0x0, v1;
	[tilespmem:s31+$0x40] =	vst v1  }
0x10d: {  	v1 =	vmin.u32 v1, v3  }
0x10e: {  	vm1 =	vlt.s32 v1, $0x1  }
0x10f: {  	v1 =	vnsel vm1, $0x1, v1  }
0x110: {  	v2 =	vmul.u32 v2, v1;
	v1 =	vsub.s32 $0x1, v1;
	_ =	sdelay $0x1  }
0x111: {  	[tilespmem:s24+$0x40] =	vst v2  }
0x112: {  	[tilespmem:s18+$0x4420] =	vst v1;
	v1 =	vld [tilespmem:s18+$0x430]  }
0x113: {  	v2 =	vld [tilespmem:s18+$0x2430];
	_ =	sdelay $0x3  }
0x114: {  	v3 =	vsub.s32 $0x0, v1;
	[tilespmem:s31+$0x50] =	vst v1  }
0x115: {  	v1 =	vmin.u32 v1, v3  }
0x116: {  	vm1 =	vlt.s32 v1, $0x1  }
0x117: {  	v1 =	vnsel vm1, $0x1, v1  }
0x118: {  	v2 =	vmul.u32 v2, v1;
	v1 =	vsub.s32 $0x1, v1;
	_ =	sdelay $0x1  }
0x119: {  	[tilespmem:s24+$0x50] =	vst v2  }
0x11a: {  	s6 =	sor.u32 $0x440, s18;
	[tilespmem:s18+$0x4430] =	vst v1;
	v1 =	vld [tilespmem:s18+$0x430]  }
0x11b: {  	v2 =	vld.msk [tilespmem:s6+$0x0], $0xff;
	s6 =	sor.u32 $0x2440, s18  }
0x11c: {  	v3 =	vld.msk [tilespmem:s6+$0x0], $0xff  }
0x11d: {  	v4 =	vld [tilespmem:s18+$0x2430];
	_ =	sdelay $0x1  }
0x11e: {  	v5 =	vperm.xlane v1, v0;
	v6 =	vsub.s32 $0x0, v1  }
0x11f: {  	v7 =	vperm.xlane v2, v0;
	v1 =	vmin.u32 v1, v6;
	v6 =	vsub.s32 $0x0, v2  }
0x120: {  	v2 =	vmin.u32 v2, v6;
	vm1 =	vlt.s32 v1, $0x1  }
0x121: {  	v5 =	vsel vm0, v5, v7;
	v1 =	vnsel vm1, $0x1, v1;
	vm1 =	vlt.s32 v2, $0x1  }
0x122: {  	v2 =	vnsel vm1, $0x1, v2;
	[tilespmem:s31+$0x58] =	vst v5;
	v4 =	vmul.u32 v1, v4;
	v5 =	vsub.s32 $0x1, v1  }
0x123: {  	v3 =	vmul.u32 v2, v3;
	v1 =	vsub.s32 $0x1, v2;
	_ =	sdelay $0x1  }
.Ltmp2:
0x124: {  	v2 =	vperm.xlane v4, v0;
	v3 =	vperm.xlane v3, v0;
	(pc) =	sbr.rel @p0 .LBB2_2-.Ltmp2, $4  }
0x125: {  	_ = 	snop  }
0x126: {  	s30 =	sadd.s32 $0x80, s30;
	v2 =	vsel vm0, v2, v3  }
0x127: {  	s13 =	sand.u32 $0x1800, s13;
	s31 =	sadd.s32 $0xC8, s31;
	[tilespmem:s24+$0x58] =	vst v2;
	s24 =	sadd.s32 $0xC8, s24  }
0x128: {  	s14 =	sand.u32 $0x380, s30;
	s15 =	sor.u32 $0x4440, s18;
	s6 =	smov.u32 s9;
	[tilespmem:s18+$0x4430] =	vst v5  }
0x129: {  	s6 =	sor.u32 s14, s13;
	[tilespmem:s15+$0x0] =	vst.msk $0xff, v1  }
0x12a: {  	v1 =	vld [tilespmem:s6+$0x0];
	_ =	sdelay $0x3  }
0x12b: {  	v2 =	vld [tilespmem:s6+$0x2000]  }
0x12c: {  	v3 =	vsub.s32 $0x0, v1  }
0x12d: {  	v3 =	vmin.u32 v1, v3  }
0x12e: {  	vm1 =	vlt.s32 v3, $0x1  }
0x12f: {  	v3 =	vnsel vm1, $0x1, v3  }
0x130: {  	v2 =	vmul.u32 v2, v3  }
0x131: {  	[tilespmem:s31+$0xFFFFFFA0] =	vst v1  }
0x132: {  	[tilespmem:s24+$0xFFFFFFA0] =	vst v2  }
0x133: {  	v1 =	vld [tilespmem:s6+$0x10];
	_ =	sdelay $0x3  }
0x134: {  	v2 =	vld [tilespmem:s6+$0x2010]  }
0x135: {  	v4 =	vsub.s32 $0x0, v1  }
0x136: {  	v4 =	vmin.u32 v1, v4  }
0x137: {  	vm1 =	vlt.s32 v4, $0x1  }
0x138: {  	v3 =	vsub.s32 $0x1, v3;
	v4 =	vnsel vm1, $0x1, v4  }
0x139: {  	[tilespmem:s6+$0x4000] =	vst v3;
	v2 =	vmul.u32 v2, v4  }
0x13a: {  	[tilespmem:s31+$0xFFFFFFB0] =	vst v1  }
0x13b: {  	[tilespmem:s24+$0xFFFFFFB0] =	vst v2  }
0x13c: {  	v1 =	vld [tilespmem:s6+$0x20];
	_ =	sdelay $0x3  }
0x13d: {  	v2 =	vld [tilespmem:s6+$0x2020]  }
0x13e: {  	v3 =	vsub.s32 $0x0, v1  }
0x13f: {  	v3 =	vmin.u32 v1, v3  }
0x140: {  	vm1 =	vlt.s32 v3, $0x1  }
0x141: {  	v4 =	vsub.s32 $0x1, v4;
	v3 =	vnsel vm1, $0x1, v3  }
0x142: {  	[tilespmem:s6+$0x4010] =	vst v4;
	v2 =	vmul.u32 v2, v3  }
0x143: {  	[tilespmem:s31+$0xFFFFFFC0] =	vst v1  }
0x144: {  	[tilespmem:s24+$0xFFFFFFC0] =	vst v2  }
0x145: {  	v1 =	vld [tilespmem:s6+$0x30];
	_ =	sdelay $0x3  }
0x146: {  	v2 =	vld [tilespmem:s6+$0x2030]  }
0x147: {  	v58 =	vsub.s32 $0x0, v1  }
0x148: {  	v4 =	vmin.u32 v1, v58  }
0x149: {  	vm1 =	vlt.s32 v4, $0x1  }
0x14a: {  	v3 =	vsub.s32 $0x1, v3;
	v4 =	vnsel vm1, $0x1, v4  }
0x14b: {  	[tilespmem:s6+$0x4020] =	vst v3;
	v2 =	vmul.u32 v2, v4  }
0x14c: {  	[tilespmem:s31+$0xFFFFFFD0] =	vst v1  }
0x14d: {  	[tilespmem:s24+$0xFFFFFFD0] =	vst v2  }
0x14e: {  	v1 =	vld [tilespmem:s6+$0x40];
	_ =	sdelay $0x3  }
0x14f: {  	v2 =	vld [tilespmem:s6+$0x2040]  }
0x150: {  	v3 =	vsub.s32 $0x0, v1  }
0x151: {  	v3 =	vmin.u32 v1, v3  }
0x152: {  	vm1 =	vlt.s32 v3, $0x1  }
0x153: {  	v4 =	vsub.s32 $0x1, v4;
	v3 =	vnsel vm1, $0x1, v3  }
0x154: {  	[tilespmem:s6+$0x4030] =	vst v4;
	v2 =	vmul.u32 v2, v3  }
0x155: {  	[tilespmem:s31+$0xFFFFFFE0] =	vst v1  }
0x156: {  	[tilespmem:s24+$0xFFFFFFE0] =	vst v2  }
0x157: {  	v1 =	vld [tilespmem:s6+$0x50];
	_ =	sdelay $0x3  }
0x158: {  	v2 =	vld [tilespmem:s6+$0x2050]  }
0x159: {  	v59 =	vsub.s32 $0x0, v1  }
0x15a: {  	v4 =	vmin.u32 v1, v59  }
0x15b: {  	vm1 =	vlt.s32 v4, $0x1  }
0x15c: {  	v3 =	vsub.s32 $0x1, v3;
	v4 =	vnsel vm1, $0x1, v4  }
0x15d: {  	[tilespmem:s6+$0x4040] =	vst v3;
	v2 =	vmul.u32 v2, v4  }
0x15e: {  	[tilespmem:s31+$0xFFFFFFF0] =	vst v1  }
0x15f: {  	[tilespmem:s24+$0xFFFFFFF0] =	vst v2  }
0x160: {  	v1 =	vld [tilespmem:s6+$0x60];
	_ =	sdelay $0x3  }
0x161: {  	v2 =	vld [tilespmem:s6+$0x2060]  }
0x162: {  	v3 =	vsub.s32 $0x0, v1  }
0x163: {  	v3 =	vmin.u32 v1, v3  }
0x164: {  	vm1 =	vlt.s32 v3, $0x1  }
0x165: {  	v4 =	vsub.s32 $0x1, v4;
	v3 =	vnsel vm1, $0x1, v3  }
0x166: {  	[tilespmem:s6+$0x4050] =	vst v4;
	v2 =	vmul.u32 v2, v3  }
0x167: {  	[tilespmem:s31+$0x0] =	vst v1  }
0x168: {  	[tilespmem:s24+$0x0] =	vst v2  }
0x169: {  	v1 =	vld [tilespmem:s6+$0x70];
	_ =	sdelay $0x3  }
0x16a: {  	v2 =	vld [tilespmem:s6+$0x2070]  }
0x16b: {  	v60 =	vsub.s32 $0x0, v1  }
0x16c: {  	v4 =	vmin.u32 v1, v60  }
0x16d: {  	vm1 =	vlt.s32 v4, $0x1  }
0x16e: {  	v3 =	vsub.s32 $0x1, v3;
	v4 =	vnsel vm1, $0x1, v4  }
0x16f: {  	[tilespmem:s6+$0x4060] =	vst v3;
	v2 =	vmul.u32 v2, v4  }
0x170: {  	[tilespmem:s31+$0x10] =	vst v1  }
0x171: {  	[tilespmem:s24+$0x10] =	vst v2  }
0x172: {  	v1 =	vld [tilespmem:s6+$0x400];
	_ =	sdelay $0x3  }
0x173: {  	v2 =	vld [tilespmem:s6+$0x2400]  }
0x174: {  	v3 =	vsub.s32 $0x0, v1  }
0x175: {  	v3 =	vmin.u32 v1, v3  }
0x176: {  	vm1 =	vlt.s32 v3, $0x1  }
0x177: {  	s9 =	sadd.s32 $0xC8, s25;
	v4 =	vsub.s32 $0x1, v4;
	v3 =	vnsel vm1, $0x1, v3  }
0x178: {  	s9 =	sand.u32 $0x1FF8, s9;
	[tilespmem:s6+$0x4070] =	vst v4;
	v2 =	vmul.u32 v2, v3  }
0x179: {  	[tilespmem:s9+$0x6080] =	vst v1  }
0x17a: {  	[tilespmem:s9+$0x7980] =	vst v2  }
0x17b: {  	v1 =	vld [tilespmem:s6+$0x410];
	_ =	sdelay $0x3  }
0x17c: {  	v2 =	vld [tilespmem:s6+$0x2410]  }
0x17d: {  	v61 =	vsub.s32 $0x0, v1  }
0x17e: {  	v4 =	vmin.u32 v1, v61  }
0x17f: {  	vm1 =	vlt.s32 v4, $0x1  }
0x180: {  	v3 =	vsub.s32 $0x1, v3;
	v4 =	vnsel vm1, $0x1, v4  }
0x181: {  	[tilespmem:s6+$0x4400] =	vst v3;
	v2 =	vmul.u32 v2, v4  }
0x182: {  	[tilespmem:s31+$0x30] =	vst v1  }
0x183: {  	[tilespmem:s24+$0x30] =	vst v2  }
0x184: {  	v1 =	vld [tilespmem:s6+$0x420];
	_ =	sdelay $0x3  }
0x185: {  	v2 =	vld [tilespmem:s6+$0x2420]  }
0x186: {  	v3 =	vsub.s32 $0x0, v1  }
0x187: {  	v3 =	vmin.u32 v1, v3  }
0x188: {  	vm1 =	vlt.s32 v3, $0x1  }
0x189: {  	v4 =	vsub.s32 $0x1, v4;
	v3 =	vnsel vm1, $0x1, v3  }
0x18a: {  	[tilespmem:s6+$0x4410] =	vst v4;
	v2 =	vmul.u32 v2, v3  }
0x18b: {  	[tilespmem:s31+$0x40] =	vst v1  }
0x18c: {  	[tilespmem:s24+$0x40] =	vst v2  }
0x18d: {  	v1 =	vld [tilespmem:s6+$0x430];
	_ =	sdelay $0x3  }
0x18e: {  	v2 =	vld [tilespmem:s6+$0x2430]  }
0x18f: {  	v62 =	vsub.s32 $0x0, v1  }
0x190: {  	v4 =	vmin.u32 v1, v62  }
0x191: {  	vm1 =	vlt.s32 v4, $0x1  }
0x192: {  	v3 =	vsub.s32 $0x1, v3;
	v4 =	vnsel vm1, $0x1, v4  }
0x193: {  	[tilespmem:s6+$0x4420] =	vst v3;
	v2 =	vmul.u32 v2, v4  }
0x194: {  	[tilespmem:s31+$0x50] =	vst v1  }
0x195: {  	v1 =	vsub.s32 $0x1, v4;
	[tilespmem:s24+$0x50] =	vst v2  }
0x196: {  	s25 =	sor.u32 $0x440, s6;
	[tilespmem:s6+$0x4430] =	vst v1;
	v1 =	vld [tilespmem:s6+$0x430]  }
0x197: {  	v2 =	vld.msk [tilespmem:s25+$0x0], $0xff;
	_ =	sdelay $0x2  }
0x198: {  	s13 =	sor.u32 $0x2440, s6;
	v63 =	vld [tilespmem:s6+$0x2430]  }
0x199: {  	v3 =	vld.msk [tilespmem:s13+$0x0], $0xff  }
0x19a: {  	v5 =	vsub.s32 $0x0, v1;
	v6 =	vsub.s32 $0x0, v2  }
0x19b: {  	v5 =	vmin.u32 v1, v5;
	v6 =	vmin.u32 v2, v6  }
0x19c: {  	vm1 =	vlt.s32 v5, $0x1;
	vm2 =	vlt.s32 v6, $0x1  }
0x19d: {  	v5 =	vnsel vm1, $0x1, v5;
	v6 =	vnsel vm2, $0x1, v6  }
0x19e: {  	v4 =	vmul.u32 v5, v63;
	v3 =	vmul.u32 v6, v3  }
0x19f: {  	v1 =	vperm.xlane v1, v0;
	v2 =	vperm.xlane v2, v0  }
0x1a0: {  	v4 =	vperm.xlane v4, v0;
	v3 =	vperm.xlane v3, v0  }
0x1a1: {  	v1 =	vsel vm0, v1, v2  }
0x1a2: {  	[tilespmem:s31+$0x58] =	vst v1;
	v1 =	vsel vm0, v4, v3  }
0x1a3: {  	[tilespmem:s24+$0x58] =	vst v1;
	v1 =	vsub.s32 $0x1, v5  }
0x1a4: {  	s14 =	rddreg [dreg:$0xc];
	v2 =	vsub.s32 $0x1, v6;
	[tilespmem:s6+$0x4430] =	vst v1;
	s6 =	sor.u32 $0x4440, s6  }
0x1a5: {  	s15 =	simm.s32 $0x4000;
	s18 =	simm.s32 $0x12;
	s31 =	simm.s32 $0x0;
	[tilespmem:s6+$0x0] =	vst.msk $0xff, v2  }
0x1a6: {  	[hbm4b:s14+s31] =	stream.linear.scatter [tilespmem:s15], [sflag:$0x12], $0x2000, $0x38;
	[tilespmem:$0x1E200] =	vst v63  }
0x1a7: {  	_ =	swait.ge [sflag:s18], $0x200  }
0x1a8: {  	[sflag:s18] =	ssyncset.done $0x0  }
0x1a9: {  	[sflag:s18] =	ssyncadd.s32 $0xFFFFFE00  }
0x1aa: {  	s25 =	simm.s32 $0x9200;
	s24 =	simm.s32 $0x6000;
	[bflag:$0x0] =	sbarrier.arrive $0xFFFF  }
0x1ab: {  	[tilespmem:s25], [sflag:$0x1] =	stream.indirect.gather [hbm4b:s1+s23], $0x80, s24, s23, $0xb8;
	[tilespmem:$0x1E200] =	vst v63  }
0x1ac: {  	s13 =	simm.s32 $0x7900;
	s14 =	simm.s32 $0x13200  }
0x1ad: {  	[tilespmem:s14], [sflag:$0x6] =	stream.indirect.gather [spmem:s4], $0x80, s13, s23, $0xb8;
	[tilespmem:$0x1E200] =	vst v63  }
0x1ae: {  	s15 =	simm.s32 $0x6040;
	s18 =	simm.s32 $0xB200  }
0x1af: {  	[tilespmem:s18], [sflag:$0x2] =	stream.indirect.gather [hbm4b:s1+s23], $0x80, s15, s23, $0xb8;
	[tilespmem:$0x1E200] =	vst v63  }
0x1b0: {  	s24 =	simm.s32 $0x7940;
	s25 =	simm.s32 $0x15200  }
0x1b1: {  	[tilespmem:s25], [sflag:$0x7] =	stream.indirect.gather [spmem:s4], $0x80, s24, s23, $0xb8;
	[tilespmem:$0x1E200] =	vst v63  }
0x1b2: {  	s9 =	simm.s32 $0x6080;
	s13 =	simm.s32 $0xD200  }
0x1b3: {  	[tilespmem:s13], [sflag:$0x3] =	stream.indirect.gather [hbm4b:s1+s23], $0x80, s9, s23, $0xb8;
	[tilespmem:$0x1E200] =	vst v63  }
0x1b4: {  	s14 =	simm.s32 $0x7980;
	s15 =	simm.s32 $0x17200  }
0x1b5: {  	[tilespmem:s15], [sflag:$0x8] =	stream.indirect.gather [spmem:s4], $0x80, s14, s23, $0xb8;
	[tilespmem:$0x1E200] =	vst v63  }
0x1b6: {  	s30 =	rddreg [dreg:$0x9];
	s18 =	simm.s32 $0x60C0  }
0x1b7: {  	[tilespmem:s28], [sflag:$0x4] =	stream.indirect.gather [hbm4b:s1+s23], $0x80, s18, s23, $0xb8;
	[tilespmem:$0x1E200] =	vst v63  }
0x1b8: {  	s24 =	simm.s32 $0x79C0;
	s25 =	simm.s32 $0x19200;
	s15 =	rddreg [dreg:$0x6]  }
0x1b9: {  	[tilespmem:s25], [sflag:$0x9] =	stream.indirect.gather [spmem:s4], $0x80, s24, s23, $0xb8;
	[tilespmem:$0x1E200] =	vst v63  }
.LBB2_4:
0x1ba: {  	_ =	swait.ge [sflag:s2], $0x2000  }
0x1bb: {  	[sflag:s2] =	ssyncset.done $0x0  }
0x1bc: {  	[sflag:s2] =	ssyncadd.s32 $0xFFFFE000  }
0x1bd: {  	_ =	swait.ge [sflag:s0], $0x2000  }
0x1be: {  	[sflag:s0] =	ssyncset.done $0x0  }
0x1bf: {  	s6 =	simm.s32 $0x0;
	s13 =	simm.s32 $0x400;
	[sflag:s0] =	ssyncadd.s32 $0xFFFFE000  }
.LBB2_5:
0x1c0: {  	p0 =	sne.s32 s13, $0x7C00;
	v1 =	vld [tilespmem:s6+$0x132F0]  }
0x1c1: {  	v2 =	vld [tilespmem:s6+$0x13200]  }
0x1c2: {  	v3 =	vld [tilespmem:s6+$0x13210]  }
0x1c3: {  	v4 =	vld [tilespmem:s6+$0x13220]  }
0x1c4: {  	v5 =	vld [tilespmem:s6+$0x13230]  }
0x1c5: {  	[tilespmem:s6+$0x92F0] =	vst.add.f32.msk $0xffff, v1  }
0x1c6: {  	v1 =	vld [tilespmem:s6+$0x13240]  }
0x1c7: {  	v6 =	vld [tilespmem:s6+$0x13250]  }
0x1c8: {  	v7 =	vld [tilespmem:s6+$0x13260]  }
0x1c9: {  	v8 =	vld [tilespmem:s6+$0x13270]  }
0x1ca: {  	v9 =	vld [tilespmem:s6+$0x13280]  }
0x1cb: {  	v10 =	vld [tilespmem:s6+$0x13290]  }
0x1cc: {  	v11 =	vld [tilespmem:s6+$0x132A0]  }
0x1cd: {  	v12 =	vld [tilespmem:s6+$0x132B0]  }
0x1ce: {  	v13 =	vld [tilespmem:s6+$0x132C0]  }
0x1cf: {  	v14 =	vld [tilespmem:s6+$0x132D0]  }
0x1d0: {  	v15 =	vld [tilespmem:s6+$0x132E0]  }
0x1d1: {  	[tilespmem:s6+$0x9200] =	vst.add.f32.msk $0xffff, v2  }
0x1d2: {  	[tilespmem:s6+$0x9210] =	vst.add.f32.msk $0xffff, v3  }
0x1d3: {  	[tilespmem:s6+$0x9220] =	vst.add.f32.msk $0xffff, v4  }
0x1d4: {  	[tilespmem:s6+$0x9230] =	vst.add.f32.msk $0xffff, v5  }
0x1d5: {  	[tilespmem:s6+$0x9240] =	vst.add.f32.msk $0xffff, v1  }
0x1d6: {  	[tilespmem:s6+$0x9250] =	vst.add.f32.msk $0xffff, v6  }
0x1d7: {  	[tilespmem:s6+$0x9260] =	vst.add.f32.msk $0xffff, v7  }
0x1d8: {  	[tilespmem:s6+$0x9270] =	vst.add.f32.msk $0xffff, v8  }
0x1d9: {  	[tilespmem:s6+$0x9280] =	vst.add.f32.msk $0xffff, v9  }
0x1da: {  	[tilespmem:s6+$0x9290] =	vst.add.f32.msk $0xffff, v10  }
.Ltmp3:
0x1db: {  	[tilespmem:s6+$0x92A0] =	vst.add.f32.msk $0xffff, v11;
	(pc) =	sbr.rel @p0 .LBB2_5-.Ltmp3, $4  }
0x1dc: {  	[tilespmem:s6+$0x92B0] =	vst.add.f32.msk $0xffff, v12  }
0x1dd: {  	[tilespmem:s6+$0x92C0] =	vst.add.f32.msk $0xffff, v13  }
0x1de: {  	[tilespmem:s6+$0x92D0] =	vst.add.f32.msk $0xffff, v14  }
0x1df: {  	[tilespmem:s6+$0x92E0] =	vst.add.f32.msk $0xffff, v15;
	s6 =	sshra.s32 s13, $0x2;
	s13 =	sadd.s32 $0x400, s13  }
0x1e0: {  	v1 =	vld [tilespmem:s6+$0x132F0]  }
0x1e1: {  	v2 =	vld [tilespmem:s6+$0x13200]  }
0x1e2: {  	v3 =	vld [tilespmem:s6+$0x13210]  }
0x1e3: {  	v4 =	vld [tilespmem:s6+$0x13220]  }
0x1e4: {  	v5 =	vld [tilespmem:s6+$0x13230]  }
0x1e5: {  	v6 =	vld [tilespmem:s6+$0x13250]  }
0x1e6: {  	v7 =	vld [tilespmem:s6+$0x13260]  }
0x1e7: {  	v8 =	vld [tilespmem:s6+$0x13270]  }
0x1e8: {  	v9 =	vld [tilespmem:s6+$0x13280]  }
0x1e9: {  	v10 =	vld [tilespmem:s6+$0x13290]  }
0x1ea: {  	v11 =	vld [tilespmem:s6+$0x132A0]  }
0x1eb: {  	v12 =	vld [tilespmem:s6+$0x132B0]  }
0x1ec: {  	v13 =	vld [tilespmem:s6+$0x132C0]  }
0x1ed: {  	v14 =	vld [tilespmem:s6+$0x132D0]  }
0x1ee: {  	v15 =	vld [tilespmem:s6+$0x132E0]  }
0x1ef: {  	[tilespmem:s6+$0x92F0] =	vst.add.f32.msk $0xffff, v1  }
0x1f0: {  	v1 =	vld [tilespmem:s6+$0x13240]  }
0x1f1: {  	[tilespmem:s6+$0x9200] =	vst.add.f32.msk $0xffff, v2  }
0x1f2: {  	[tilespmem:s6+$0x9210] =	vst.add.f32.msk $0xffff, v3  }
0x1f3: {  	[tilespmem:s6+$0x9220] =	vst.add.f32.msk $0xffff, v4  }
0x1f4: {  	[tilespmem:s6+$0x9230] =	vst.add.f32.msk $0xffff, v5  }
0x1f5: {  	[tilespmem:s6+$0x9250] =	vst.add.f32.msk $0xffff, v6  }
0x1f6: {  	[tilespmem:s6+$0x9260] =	vst.add.f32.msk $0xffff, v7  }
0x1f7: {  	[tilespmem:s6+$0x9270] =	vst.add.f32.msk $0xffff, v8  }
0x1f8: {  	[tilespmem:s6+$0x9280] =	vst.add.f32.msk $0xffff, v9  }
0x1f9: {  	[tilespmem:s6+$0x9290] =	vst.add.f32.msk $0xffff, v10  }
0x1fa: {  	[tilespmem:s6+$0x92A0] =	vst.add.f32.msk $0xffff, v11  }
0x1fb: {  	s24 =	smul.u32 $0x140, s31;
	[tilespmem:s6+$0x92B0] =	vst.add.f32.msk $0xffff, v12  }
0x1fc: {  	[tilespmem:s6+$0x92C0] =	vst.add.f32.msk $0xffff, v13  }
0x1fd: {  	s9 =	sadd.s32 s15, s24;
	[tilespmem:s6+$0x92D0] =	vst.add.f32.msk $0xffff, v14  }
0x1fe: {  	s25 =	simm.s32 $0x9200;
	p0 =	seq.s32 s31, $0x0;
	s9 =	sshll.u32 s9, $0x4;
	[tilespmem:s6+$0x92E0] =	vst.add.f32.msk $0xffff, v15  }
0x1ff: {  	s13 =	smul.u32 $0x5, s31;
	s18 =	sadd.s32 s3, s9;
	s9 =	simm.s32 @!p0 $0xF;
	[tilespmem:s6+$0x9240] =	vst.add.f32.msk $0xffff, v1  }
0x200: {  	[hbm4b:s18+s5] =	stream.linear.scatter [tilespmem:s25], [sflag:$0xB], $0x2000, $0x38;
	[tilespmem:$0x1E200] =	vst v63  }
0x201: {  	s25 =	sadd.s32 $0x4, s13;
	_ =	swait.ge @!p0 [sflag:s9], $0x2000  }
0x202: {  	s6 =	sshll.u32 s25, $0x6;
	[sflag:s9] =	ssyncset.done @!p0 $0x0  }
0x203: {  	s14 =	sadd.s32 $0x6000, s6;
	[sflag:s9] =	ssyncadd.s32 @!p0 $0xFFFFE000  }
0x204: {  	[tilespmem:s21], [sflag:$0x5] =	stream.indirect.gather [hbm4b:s1+s23], $0x80, s14, s23, $0xb8;
	[tilespmem:$0x1E200] =	vst v63  }
0x205: {  	s18 =	simm.s32 $0x1B200;
	s6 =	sadd.s32 $0x7900, s6  }
0x206: {  	[tilespmem:s18], [sflag:$0xA] =	stream.indirect.gather [spmem:s4], $0x80, s6, s23, $0xb8;
	[tilespmem:$0x1E200] =	vst v63  }
0x207: {  	_ =	swait.ge [sflag:s26], $0x2000  }
0x208: {  	[sflag:s26] =	ssyncset.done $0x0  }
0x209: {  	[sflag:s26] =	ssyncadd.s32 $0xFFFFE000  }
0x20a: {  	_ =	swait.ge [sflag:s29], $0x2000  }
0x20b: {  	[sflag:s29] =	ssyncset.done $0x0  }
0x20c: {  	s13 =	simm.s32 $0x0;
	s6 =	simm.s32 $0x400;
	[sflag:s29] =	ssyncadd.s32 $0xFFFFE000  }
.LBB2_7:
0x20d: {  	p0 =	sne.s32 s6, $0x7C00;
	v1 =	vld [tilespmem:s13+$0x152F0]  }
0x20e: {  	v2 =	vld [tilespmem:s13+$0x15200]  }
0x20f: {  	v3 =	vld [tilespmem:s13+$0x15210]  }
0x210: {  	v4 =	vld [tilespmem:s13+$0x15220]  }
0x211: {  	v5 =	vld [tilespmem:s13+$0x15230]  }
0x212: {  	[tilespmem:s13+$0xB2F0] =	vst.add.f32.msk $0xffff, v1  }
0x213: {  	v1 =	vld [tilespmem:s13+$0x15240]  }
0x214: {  	v6 =	vld [tilespmem:s13+$0x15250]  }
0x215: {  	v7 =	vld [tilespmem:s13+$0x15260]  }
0x216: {  	v8 =	vld [tilespmem:s13+$0x15270]  }
0x217: {  	v9 =	vld [tilespmem:s13+$0x15280]  }
0x218: {  	v10 =	vld [tilespmem:s13+$0x15290]  }
0x219: {  	v11 =	vld [tilespmem:s13+$0x152A0]  }
0x21a: {  	v12 =	vld [tilespmem:s13+$0x152B0]  }
0x21b: {  	v13 =	vld [tilespmem:s13+$0x152C0]  }
0x21c: {  	v14 =	vld [tilespmem:s13+$0x152D0]  }
0x21d: {  	v15 =	vld [tilespmem:s13+$0x152E0]  }
0x21e: {  	[tilespmem:s13+$0xB200] =	vst.add.f32.msk $0xffff, v2  }
0x21f: {  	[tilespmem:s13+$0xB210] =	vst.add.f32.msk $0xffff, v3  }
0x220: {  	[tilespmem:s13+$0xB220] =	vst.add.f32.msk $0xffff, v4  }
0x221: {  	[tilespmem:s13+$0xB230] =	vst.add.f32.msk $0xffff, v5  }
0x222: {  	[tilespmem:s13+$0xB240] =	vst.add.f32.msk $0xffff, v1  }
0x223: {  	[tilespmem:s13+$0xB250] =	vst.add.f32.msk $0xffff, v6  }
0x224: {  	[tilespmem:s13+$0xB260] =	vst.add.f32.msk $0xffff, v7  }
0x225: {  	[tilespmem:s13+$0xB270] =	vst.add.f32.msk $0xffff, v8  }
0x226: {  	[tilespmem:s13+$0xB280] =	vst.add.f32.msk $0xffff, v9  }
0x227: {  	[tilespmem:s13+$0xB290] =	vst.add.f32.msk $0xffff, v10  }
.Ltmp4:
0x228: {  	[tilespmem:s13+$0xB2A0] =	vst.add.f32.msk $0xffff, v11;
	(pc) =	sbr.rel @p0 .LBB2_7-.Ltmp4, $4  }
0x229: {  	[tilespmem:s13+$0xB2B0] =	vst.add.f32.msk $0xffff, v12  }
0x22a: {  	[tilespmem:s13+$0xB2C0] =	vst.add.f32.msk $0xffff, v13  }
0x22b: {  	[tilespmem:s13+$0xB2D0] =	vst.add.f32.msk $0xffff, v14  }
0x22c: {  	[tilespmem:s13+$0xB2E0] =	vst.add.f32.msk $0xffff, v15;
	s13 =	sshra.s32 s6, $0x2;
	s6 =	sadd.s32 $0x400, s6  }
0x22d: {  	v1 =	vld [tilespmem:s13+$0x152F0]  }
0x22e: {  	v2 =	vld [tilespmem:s13+$0x15200]  }
0x22f: {  	v3 =	vld [tilespmem:s13+$0x15210]  }
0x230: {  	v4 =	vld [tilespmem:s13+$0x15220]  }
0x231: {  	v5 =	vld [tilespmem:s13+$0x15230]  }
0x232: {  	v6 =	vld [tilespmem:s13+$0x15250]  }
0x233: {  	v7 =	vld [tilespmem:s13+$0x15260]  }
0x234: {  	v8 =	vld [tilespmem:s13+$0x15270]  }
0x235: {  	v9 =	vld [tilespmem:s13+$0x15280]  }
0x236: {  	v10 =	vld [tilespmem:s13+$0x15290]  }
0x237: {  	v11 =	vld [tilespmem:s13+$0x152A0]  }
0x238: {  	v12 =	vld [tilespmem:s13+$0x152B0]  }
0x239: {  	v13 =	vld [tilespmem:s13+$0x152C0]  }
0x23a: {  	v14 =	vld [tilespmem:s13+$0x152D0]  }
0x23b: {  	v15 =	vld [tilespmem:s13+$0x152E0]  }
0x23c: {  	[tilespmem:s13+$0xB2F0] =	vst.add.f32.msk $0xffff, v1  }
0x23d: {  	v1 =	vld [tilespmem:s13+$0x15240]  }
0x23e: {  	[tilespmem:s13+$0xB200] =	vst.add.f32.msk $0xffff, v2  }
0x23f: {  	[tilespmem:s13+$0xB210] =	vst.add.f32.msk $0xffff, v3  }
0x240: {  	[tilespmem:s13+$0xB220] =	vst.add.f32.msk $0xffff, v4  }
0x241: {  	[tilespmem:s13+$0xB230] =	vst.add.f32.msk $0xffff, v5  }
0x242: {  	[tilespmem:s13+$0xB250] =	vst.add.f32.msk $0xffff, v6  }
0x243: {  	[tilespmem:s13+$0xB260] =	vst.add.f32.msk $0xffff, v7  }
0x244: {  	[tilespmem:s13+$0xB270] =	vst.add.f32.msk $0xffff, v8  }
0x245: {  	[tilespmem:s13+$0xB280] =	vst.add.f32.msk $0xffff, v9  }
0x246: {  	[tilespmem:s13+$0xB290] =	vst.add.f32.msk $0xffff, v10  }
0x247: {  	[tilespmem:s13+$0xB2A0] =	vst.add.f32.msk $0xffff, v11  }
0x248: {  	s6 =	smul.u32 $0xA000, s31;
	[tilespmem:s13+$0xB2B0] =	vst.add.f32.msk $0xffff, v12  }
0x249: {  	s9 =	rddreg [dreg:$0xd];
	[tilespmem:s13+$0xB2C0] =	vst.add.f32.msk $0xffff, v13  }
0x24a: {  	s9 =	sadd.s32 s9, s6;
	[tilespmem:s13+$0xB2D0] =	vst.add.f32.msk $0xffff, v14  }
0x24b: {  	s9 =	sshrl.u32 s9, $0x3;
	[tilespmem:s13+$0xB2E0] =	vst.add.f32.msk $0xffff, v15  }
0x24c: {  	s18 =	simm.s32 $0xB200;
	s9 =	sadd.s32 s3, s9;
	[tilespmem:s13+$0xB240] =	vst.add.f32.msk $0xffff, v1  }
0x24d: {  	[hbm4b:s9+s5] =	stream.linear.scatter [tilespmem:s18], [sflag:$0xC], $0x2000, $0x38;
	[tilespmem:$0x1E200] =	vst v63  }
0x24e: {  	p0 =	seq.s32 s31, $0x13;
	_ =	swait.ge [sflag:s7], $0x2000  }
0x24f: {  	s14 =	simm.s32 @!p0 $0x9200;
	[sflag:s7] =	ssyncset.done $0x0  }
0x250: {  	s13 =	simm.s32 @!p0 $0x40;
	s9 =	sadd.s32 @!p0 $0x6140, s24;
	[sflag:s7] =	ssyncadd.s32 $0xFFFFE000  }
0x251: {  	[tilespmem:s14], [sflag:$0x1] =	stream.indirect.gather @!p0 [hbm4b:s1+s13], $0x80, s9, s13, $0xb8;
	[tilespmem:$0x1E200] =	vst v63  }
0x252: {  	s9 =	sadd.s32 @!p0 $0x7A40, s24;
	s14 =	simm.s32 @!p0 $0x13200  }
0x253: {  	[tilespmem:s14], [sflag:$0x6] =	stream.indirect.gather @!p0 [spmem:s4], $0x80, s9, s13, $0xb8;
	[tilespmem:$0x1E200] =	vst v63  }
0x254: {  	_ =	swait.ge [sflag:s8], $0x2000  }
0x255: {  	[sflag:s8] =	ssyncset.done $0x0  }
0x256: {  	[sflag:s8] =	ssyncadd.s32 $0xFFFFE000  }
0x257: {  	_ =	swait.ge [sflag:s10], $0x2000  }
0x258: {  	[sflag:s10] =	ssyncset.done $0x0  }
0x259: {  	s18 =	simm.s32 $0x400;
	s13 =	simm.s32 $0x0;
	[sflag:s10] =	ssyncadd.s32 $0xFFFFE000  }
.LBB2_9:
0x25a: {  	p1 =	sne.s32 s18, $0x7C00;
	v1 =	vld [tilespmem:s13+$0x172F0]  }
0x25b: {  	v2 =	vld [tilespmem:s13+$0x17200]  }
0x25c: {  	v3 =	vld [tilespmem:s13+$0x17210]  }
0x25d: {  	v4 =	vld [tilespmem:s13+$0x17220]  }
0x25e: {  	v5 =	vld [tilespmem:s13+$0x17230]  }
0x25f: {  	[tilespmem:s13+$0xD2F0] =	vst.add.f32.msk $0xffff, v1  }
0x260: {  	v1 =	vld [tilespmem:s13+$0x17240]  }
0x261: {  	v6 =	vld [tilespmem:s13+$0x17250]  }
0x262: {  	v7 =	vld [tilespmem:s13+$0x17260]  }
0x263: {  	v8 =	vld [tilespmem:s13+$0x17270]  }
0x264: {  	v9 =	vld [tilespmem:s13+$0x17280]  }
0x265: {  	v10 =	vld [tilespmem:s13+$0x17290]  }
0x266: {  	v11 =	vld [tilespmem:s13+$0x172A0]  }
0x267: {  	v12 =	vld [tilespmem:s13+$0x172B0]  }
0x268: {  	v13 =	vld [tilespmem:s13+$0x172C0]  }
0x269: {  	v14 =	vld [tilespmem:s13+$0x172D0]  }
0x26a: {  	v15 =	vld [tilespmem:s13+$0x172E0]  }
0x26b: {  	[tilespmem:s13+$0xD200] =	vst.add.f32.msk $0xffff, v2  }
0x26c: {  	[tilespmem:s13+$0xD210] =	vst.add.f32.msk $0xffff, v3  }
0x26d: {  	[tilespmem:s13+$0xD220] =	vst.add.f32.msk $0xffff, v4  }
0x26e: {  	[tilespmem:s13+$0xD230] =	vst.add.f32.msk $0xffff, v5  }
0x26f: {  	[tilespmem:s13+$0xD240] =	vst.add.f32.msk $0xffff, v1  }
0x270: {  	[tilespmem:s13+$0xD250] =	vst.add.f32.msk $0xffff, v6  }
0x271: {  	[tilespmem:s13+$0xD260] =	vst.add.f32.msk $0xffff, v7  }
0x272: {  	[tilespmem:s13+$0xD270] =	vst.add.f32.msk $0xffff, v8  }
0x273: {  	[tilespmem:s13+$0xD280] =	vst.add.f32.msk $0xffff, v9  }
0x274: {  	[tilespmem:s13+$0xD290] =	vst.add.f32.msk $0xffff, v10  }
.Ltmp5:
0x275: {  	[tilespmem:s13+$0xD2A0] =	vst.add.f32.msk $0xffff, v11;
	(pc) =	sbr.rel @p1 .LBB2_9-.Ltmp5, $4  }
0x276: {  	[tilespmem:s13+$0xD2B0] =	vst.add.f32.msk $0xffff, v12  }
0x277: {  	[tilespmem:s13+$0xD2C0] =	vst.add.f32.msk $0xffff, v13  }
0x278: {  	[tilespmem:s13+$0xD2D0] =	vst.add.f32.msk $0xffff, v14  }
0x279: {  	[tilespmem:s13+$0xD2E0] =	vst.add.f32.msk $0xffff, v15;
	s13 =	sshra.s32 s18, $0x2;
	s18 =	sadd.s32 $0x400, s18  }
0x27a: {  	v1 =	vld [tilespmem:s13+$0x172F0]  }
0x27b: {  	v2 =	vld [tilespmem:s13+$0x17200]  }
0x27c: {  	v3 =	vld [tilespmem:s13+$0x17210]  }
0x27d: {  	v4 =	vld [tilespmem:s13+$0x17220]  }
0x27e: {  	v5 =	vld [tilespmem:s13+$0x17230]  }
0x27f: {  	v6 =	vld [tilespmem:s13+$0x17250]  }
0x280: {  	v7 =	vld [tilespmem:s13+$0x17260]  }
0x281: {  	v8 =	vld [tilespmem:s13+$0x17270]  }
0x282: {  	v9 =	vld [tilespmem:s13+$0x17280]  }
0x283: {  	v10 =	vld [tilespmem:s13+$0x17290]  }
0x284: {  	v11 =	vld [tilespmem:s13+$0x172A0]  }
0x285: {  	v12 =	vld [tilespmem:s13+$0x172B0]  }
0x286: {  	v13 =	vld [tilespmem:s13+$0x172C0]  }
0x287: {  	v14 =	vld [tilespmem:s13+$0x172D0]  }
0x288: {  	v15 =	vld [tilespmem:s13+$0x172E0]  }
0x289: {  	[tilespmem:s13+$0xD2F0] =	vst.add.f32.msk $0xffff, v1  }
0x28a: {  	v1 =	vld [tilespmem:s13+$0x17240]  }
0x28b: {  	[tilespmem:s13+$0xD200] =	vst.add.f32.msk $0xffff, v2  }
0x28c: {  	[tilespmem:s13+$0xD210] =	vst.add.f32.msk $0xffff, v3  }
0x28d: {  	[tilespmem:s13+$0xD220] =	vst.add.f32.msk $0xffff, v4  }
0x28e: {  	[tilespmem:s13+$0xD230] =	vst.add.f32.msk $0xffff, v5  }
0x28f: {  	[tilespmem:s13+$0xD250] =	vst.add.f32.msk $0xffff, v6  }
0x290: {  	[tilespmem:s13+$0xD260] =	vst.add.f32.msk $0xffff, v7  }
0x291: {  	[tilespmem:s13+$0xD270] =	vst.add.f32.msk $0xffff, v8  }
0x292: {  	[tilespmem:s13+$0xD280] =	vst.add.f32.msk $0xffff, v9  }
0x293: {  	[tilespmem:s13+$0xD290] =	vst.add.f32.msk $0xffff, v10  }
0x294: {  	[tilespmem:s13+$0xD2A0] =	vst.add.f32.msk $0xffff, v11  }
0x295: {  	[tilespmem:s13+$0xD2B0] =	vst.add.f32.msk $0xffff, v12  }
0x296: {  	s9 =	rddreg [dreg:$0xe];
	[tilespmem:s13+$0xD2C0] =	vst.add.f32.msk $0xffff, v13  }
0x297: {  	s9 =	sadd.s32 s9, s6;
	[tilespmem:s13+$0xD2D0] =	vst.add.f32.msk $0xffff, v14  }
0x298: {  	s9 =	sshrl.u32 s9, $0x3;
	[tilespmem:s13+$0xD2E0] =	vst.add.f32.msk $0xffff, v15  }
0x299: {  	s18 =	simm.s32 $0xD200;
	s9 =	sadd.s32 s3, s9;
	[tilespmem:s13+$0xD240] =	vst.add.f32.msk $0xffff, v1  }
0x29a: {  	[hbm4b:s9+s5] =	stream.linear.scatter [tilespmem:s18], [sflag:$0xD], $0x2000, $0x38;
	[tilespmem:$0x1E200] =	vst v63  }
0x29b: {  	_ =	swait.ge [sflag:s11], $0x2000  }
0x29c: {  	s14 =	simm.s32 @!p0 $0xB200;
	[sflag:s11] =	ssyncset.done $0x0  }
0x29d: {  	s13 =	simm.s32 @!p0 $0x40;
	s9 =	sadd.s32 @!p0 $0x6180, s24;
	[sflag:s11] =	ssyncadd.s32 $0xFFFFE000  }
0x29e: {  	[tilespmem:s14], [sflag:$0x2] =	stream.indirect.gather @!p0 [hbm4b:s1+s13], $0x80, s9, s13, $0xb8;
	[tilespmem:$0x1E200] =	vst v63  }
0x29f: {  	s9 =	sadd.s32 @!p0 $0x7A80, s24;
	s14 =	simm.s32 @!p0 $0x15200  }
0x2a0: {  	[tilespmem:s14], [sflag:$0x7] =	stream.indirect.gather @!p0 [spmem:s4], $0x80, s9, s13, $0xb8;
	[tilespmem:$0x1E200] =	vst v63  }
0x2a1: {  	_ =	swait.ge [sflag:s12], $0x2000  }
0x2a2: {  	[sflag:s12] =	ssyncset.done $0x0  }
0x2a3: {  	[sflag:s12] =	ssyncadd.s32 $0xFFFFE000  }
0x2a4: {  	_ =	swait.ge [sflag:s16], $0x2000  }
0x2a5: {  	[sflag:s16] =	ssyncset.done $0x0  }
0x2a6: {  	s18 =	simm.s32 $0x400;
	s13 =	simm.s32 $0x0;
	[sflag:s16] =	ssyncadd.s32 $0xFFFFE000  }
.LBB2_11:
0x2a7: {  	p1 =	sne.s32 s18, $0x7C00;
	v1 =	vld [tilespmem:s13+$0x192F0]  }
0x2a8: {  	v2 =	vld [tilespmem:s13+$0x19200]  }
0x2a9: {  	v3 =	vld [tilespmem:s13+$0x19210]  }
0x2aa: {  	v4 =	vld [tilespmem:s13+$0x19220]  }
0x2ab: {  	v5 =	vld [tilespmem:s13+$0x19230]  }
0x2ac: {  	[tilespmem:s13+$0xF2F0] =	vst.add.f32.msk $0xffff, v1  }
0x2ad: {  	v1 =	vld [tilespmem:s13+$0x19240]  }
0x2ae: {  	v6 =	vld [tilespmem:s13+$0x19250]  }
0x2af: {  	v7 =	vld [tilespmem:s13+$0x19260]  }
0x2b0: {  	v8 =	vld [tilespmem:s13+$0x19270]  }
0x2b1: {  	v9 =	vld [tilespmem:s13+$0x19280]  }
0x2b2: {  	v10 =	vld [tilespmem:s13+$0x19290]  }
0x2b3: {  	v11 =	vld [tilespmem:s13+$0x192A0]  }
0x2b4: {  	v12 =	vld [tilespmem:s13+$0x192B0]  }
0x2b5: {  	v13 =	vld [tilespmem:s13+$0x192C0]  }
0x2b6: {  	v14 =	vld [tilespmem:s13+$0x192D0]  }
0x2b7: {  	v15 =	vld [tilespmem:s13+$0x192E0]  }
0x2b8: {  	[tilespmem:s13+$0xF200] =	vst.add.f32.msk $0xffff, v2  }
0x2b9: {  	[tilespmem:s13+$0xF210] =	vst.add.f32.msk $0xffff, v3  }
0x2ba: {  	[tilespmem:s13+$0xF220] =	vst.add.f32.msk $0xffff, v4  }
0x2bb: {  	[tilespmem:s13+$0xF230] =	vst.add.f32.msk $0xffff, v5  }
0x2bc: {  	[tilespmem:s13+$0xF240] =	vst.add.f32.msk $0xffff, v1  }
0x2bd: {  	[tilespmem:s13+$0xF250] =	vst.add.f32.msk $0xffff, v6  }
0x2be: {  	[tilespmem:s13+$0xF260] =	vst.add.f32.msk $0xffff, v7  }
0x2bf: {  	[tilespmem:s13+$0xF270] =	vst.add.f32.msk $0xffff, v8  }
0x2c0: {  	[tilespmem:s13+$0xF280] =	vst.add.f32.msk $0xffff, v9  }
0x2c1: {  	[tilespmem:s13+$0xF290] =	vst.add.f32.msk $0xffff, v10  }
.Ltmp6:
0x2c2: {  	[tilespmem:s13+$0xF2A0] =	vst.add.f32.msk $0xffff, v11;
	(pc) =	sbr.rel @p1 .LBB2_11-.Ltmp6, $4  }
0x2c3: {  	[tilespmem:s13+$0xF2B0] =	vst.add.f32.msk $0xffff, v12  }
0x2c4: {  	[tilespmem:s13+$0xF2C0] =	vst.add.f32.msk $0xffff, v13  }
0x2c5: {  	[tilespmem:s13+$0xF2D0] =	vst.add.f32.msk $0xffff, v14  }
0x2c6: {  	[tilespmem:s13+$0xF2E0] =	vst.add.f32.msk $0xffff, v15;
	s13 =	sshra.s32 s18, $0x2;
	s18 =	sadd.s32 $0x400, s18  }
0x2c7: {  	v1 =	vld [tilespmem:s13+$0x192F0]  }
0x2c8: {  	v2 =	vld [tilespmem:s13+$0x19200]  }
0x2c9: {  	v3 =	vld [tilespmem:s13+$0x19210]  }
0x2ca: {  	v4 =	vld [tilespmem:s13+$0x19220]  }
0x2cb: {  	v5 =	vld [tilespmem:s13+$0x19230]  }
0x2cc: {  	v6 =	vld [tilespmem:s13+$0x19250]  }
0x2cd: {  	v7 =	vld [tilespmem:s13+$0x19260]  }
0x2ce: {  	v8 =	vld [tilespmem:s13+$0x19270]  }
0x2cf: {  	v9 =	vld [tilespmem:s13+$0x19280]  }
0x2d0: {  	v10 =	vld [tilespmem:s13+$0x19290]  }
0x2d1: {  	v11 =	vld [tilespmem:s13+$0x192A0]  }
0x2d2: {  	v12 =	vld [tilespmem:s13+$0x192B0]  }
0x2d3: {  	v13 =	vld [tilespmem:s13+$0x192C0]  }
0x2d4: {  	v14 =	vld [tilespmem:s13+$0x192D0]  }
0x2d5: {  	v15 =	vld [tilespmem:s13+$0x192E0]  }
0x2d6: {  	[tilespmem:s13+$0xF2F0] =	vst.add.f32.msk $0xffff, v1  }
0x2d7: {  	v1 =	vld [tilespmem:s13+$0x19240]  }
0x2d8: {  	[tilespmem:s13+$0xF200] =	vst.add.f32.msk $0xffff, v2  }
0x2d9: {  	[tilespmem:s13+$0xF210] =	vst.add.f32.msk $0xffff, v3  }
0x2da: {  	[tilespmem:s13+$0xF220] =	vst.add.f32.msk $0xffff, v4  }
0x2db: {  	[tilespmem:s13+$0xF230] =	vst.add.f32.msk $0xffff, v5  }
0x2dc: {  	[tilespmem:s13+$0xF250] =	vst.add.f32.msk $0xffff, v6  }
0x2dd: {  	[tilespmem:s13+$0xF260] =	vst.add.f32.msk $0xffff, v7  }
0x2de: {  	[tilespmem:s13+$0xF270] =	vst.add.f32.msk $0xffff, v8  }
0x2df: {  	[tilespmem:s13+$0xF280] =	vst.add.f32.msk $0xffff, v9  }
0x2e0: {  	[tilespmem:s13+$0xF290] =	vst.add.f32.msk $0xffff, v10  }
0x2e1: {  	[tilespmem:s13+$0xF2A0] =	vst.add.f32.msk $0xffff, v11  }
0x2e2: {  	[tilespmem:s13+$0xF2B0] =	vst.add.f32.msk $0xffff, v12  }
0x2e3: {  	s9 =	rddreg [dreg:$0xf];
	[tilespmem:s13+$0xF2C0] =	vst.add.f32.msk $0xffff, v13  }
0x2e4: {  	s6 =	sadd.s32 s9, s6;
	[tilespmem:s13+$0xF2D0] =	vst.add.f32.msk $0xffff, v14  }
0x2e5: {  	s6 =	sshrl.u32 s6, $0x3;
	[tilespmem:s13+$0xF2E0] =	vst.add.f32.msk $0xffff, v15  }
0x2e6: {  	s6 =	sadd.s32 s3, s6;
	[tilespmem:s13+$0xF240] =	vst.add.f32.msk $0xffff, v1  }
0x2e7: {  	[hbm4b:s6+s5] =	stream.linear.scatter [tilespmem:s28], [sflag:$0xE], $0x2000, $0x38;
	[tilespmem:$0x1E200] =	vst v63  }
0x2e8: {  	_ =	swait.ge [sflag:s17], $0x2000  }
0x2e9: {  	s9 =	simm.s32 @!p0 $0x40;
	[sflag:s17] =	ssyncset.done $0x0  }
0x2ea: {  	s13 =	simm.s32 @!p0 $0xD200;
	s6 =	sadd.s32 @!p0 $0x61C0, s24;
	[sflag:s17] =	ssyncadd.s32 $0xFFFFE000  }
0x2eb: {  	[tilespmem:s13], [sflag:$0x3] =	stream.indirect.gather @!p0 [hbm4b:s1+s9], $0x80, s6, s9, $0xb8;
	[tilespmem:$0x1E200] =	vst v63  }
0x2ec: {  	s6 =	sadd.s32 @!p0 $0x7AC0, s24;
	s13 =	simm.s32 @!p0 $0x17200  }
0x2ed: {  	[tilespmem:s13], [sflag:$0x8] =	stream.indirect.gather @!p0 [spmem:s4], $0x80, s6, s9, $0xb8;
	[tilespmem:$0x1E200] =	vst v63  }
0x2ee: {  	_ =	swait.ge [sflag:s19], $0x2000  }
0x2ef: {  	[sflag:s19] =	ssyncset.done $0x0  }
0x2f0: {  	[sflag:s19] =	ssyncadd.s32 $0xFFFFE000  }
0x2f1: {  	_ =	swait.ge [sflag:s20], $0x2000  }
0x2f2: {  	[sflag:s20] =	ssyncset.done $0x0  }
0x2f3: {  	s6 =	simm.s32 $0x0;
	s13 =	simm.s32 $0x400;
	[sflag:s20] =	ssyncadd.s32 $0xFFFFE000  }
.LBB2_13:
0x2f4: {  	p1 =	sne.s32 s13, $0x7C00;
	v1 =	vld [tilespmem:s6+$0x1B2F0]  }
0x2f5: {  	v2 =	vld [tilespmem:s6+$0x1B200]  }
0x2f6: {  	v3 =	vld [tilespmem:s6+$0x1B210]  }
0x2f7: {  	v4 =	vld [tilespmem:s6+$0x1B220]  }
0x2f8: {  	v5 =	vld [tilespmem:s6+$0x1B230]  }
0x2f9: {  	[tilespmem:s6+$0x112F0] =	vst.add.f32.msk $0xffff, v1  }
0x2fa: {  	v1 =	vld [tilespmem:s6+$0x1B240]  }
0x2fb: {  	v6 =	vld [tilespmem:s6+$0x1B250]  }
0x2fc: {  	v7 =	vld [tilespmem:s6+$0x1B260]  }
0x2fd: {  	v8 =	vld [tilespmem:s6+$0x1B270]  }
0x2fe: {  	v9 =	vld [tilespmem:s6+$0x1B280]  }
0x2ff: {  	v10 =	vld [tilespmem:s6+$0x1B290]  }
0x300: {  	v11 =	vld [tilespmem:s6+$0x1B2A0]  }
0x301: {  	v12 =	vld [tilespmem:s6+$0x1B2B0]  }
0x302: {  	v13 =	vld [tilespmem:s6+$0x1B2C0]  }
0x303: {  	v14 =	vld [tilespmem:s6+$0x1B2D0]  }
0x304: {  	v15 =	vld [tilespmem:s6+$0x1B2E0]  }
0x305: {  	[tilespmem:s6+$0x11200] =	vst.add.f32.msk $0xffff, v2  }
0x306: {  	[tilespmem:s6+$0x11210] =	vst.add.f32.msk $0xffff, v3  }
0x307: {  	[tilespmem:s6+$0x11220] =	vst.add.f32.msk $0xffff, v4  }
0x308: {  	[tilespmem:s6+$0x11230] =	vst.add.f32.msk $0xffff, v5  }
0x309: {  	[tilespmem:s6+$0x11240] =	vst.add.f32.msk $0xffff, v1  }
0x30a: {  	[tilespmem:s6+$0x11250] =	vst.add.f32.msk $0xffff, v6  }
0x30b: {  	[tilespmem:s6+$0x11260] =	vst.add.f32.msk $0xffff, v7  }
0x30c: {  	[tilespmem:s6+$0x11270] =	vst.add.f32.msk $0xffff, v8  }
0x30d: {  	[tilespmem:s6+$0x11280] =	vst.add.f32.msk $0xffff, v9  }
0x30e: {  	[tilespmem:s6+$0x11290] =	vst.add.f32.msk $0xffff, v10  }
.Ltmp7:
0x30f: {  	[tilespmem:s6+$0x112A0] =	vst.add.f32.msk $0xffff, v11;
	(pc) =	sbr.rel @p1 .LBB2_13-.Ltmp7, $4  }
0x310: {  	[tilespmem:s6+$0x112B0] =	vst.add.f32.msk $0xffff, v12  }
0x311: {  	[tilespmem:s6+$0x112C0] =	vst.add.f32.msk $0xffff, v13  }
0x312: {  	[tilespmem:s6+$0x112D0] =	vst.add.f32.msk $0xffff, v14  }
0x313: {  	[tilespmem:s6+$0x112E0] =	vst.add.f32.msk $0xffff, v15;
	s6 =	sshra.s32 s13, $0x2;
	s13 =	sadd.s32 $0x400, s13  }
0x314: {  	v1 =	vld [tilespmem:s6+$0x1B2F0]  }
0x315: {  	v2 =	vld [tilespmem:s6+$0x1B200]  }
0x316: {  	v3 =	vld [tilespmem:s6+$0x1B210]  }
0x317: {  	v4 =	vld [tilespmem:s6+$0x1B220]  }
0x318: {  	v5 =	vld [tilespmem:s6+$0x1B230]  }
0x319: {  	v6 =	vld [tilespmem:s6+$0x1B250]  }
0x31a: {  	v7 =	vld [tilespmem:s6+$0x1B260]  }
0x31b: {  	v8 =	vld [tilespmem:s6+$0x1B270]  }
0x31c: {  	v9 =	vld [tilespmem:s6+$0x1B280]  }
0x31d: {  	v10 =	vld [tilespmem:s6+$0x1B290]  }
0x31e: {  	v11 =	vld [tilespmem:s6+$0x1B2A0]  }
0x31f: {  	v12 =	vld [tilespmem:s6+$0x1B2B0]  }
0x320: {  	v13 =	vld [tilespmem:s6+$0x1B2C0]  }
0x321: {  	v14 =	vld [tilespmem:s6+$0x1B2D0]  }
0x322: {  	v15 =	vld [tilespmem:s6+$0x1B2E0]  }
0x323: {  	[tilespmem:s6+$0x112F0] =	vst.add.f32.msk $0xffff, v1  }
0x324: {  	v1 =	vld [tilespmem:s6+$0x1B240]  }
0x325: {  	[tilespmem:s6+$0x11200] =	vst.add.f32.msk $0xffff, v2  }
0x326: {  	[tilespmem:s6+$0x11210] =	vst.add.f32.msk $0xffff, v3  }
0x327: {  	[tilespmem:s6+$0x11220] =	vst.add.f32.msk $0xffff, v4  }
0x328: {  	[tilespmem:s6+$0x11230] =	vst.add.f32.msk $0xffff, v5  }
0x329: {  	[tilespmem:s6+$0x11250] =	vst.add.f32.msk $0xffff, v6  }
0x32a: {  	[tilespmem:s6+$0x11260] =	vst.add.f32.msk $0xffff, v7  }
0x32b: {  	[tilespmem:s6+$0x11270] =	vst.add.f32.msk $0xffff, v8  }
0x32c: {  	[tilespmem:s6+$0x11280] =	vst.add.f32.msk $0xffff, v9  }
0x32d: {  	[tilespmem:s6+$0x11290] =	vst.add.f32.msk $0xffff, v10  }
0x32e: {  	[tilespmem:s6+$0x112A0] =	vst.add.f32.msk $0xffff, v11  }
0x32f: {  	[tilespmem:s6+$0x112B0] =	vst.add.f32.msk $0xffff, v12  }
0x330: {  	s9 =	sshll.u32 s25, $0xD;
	[tilespmem:s6+$0x112C0] =	vst.add.f32.msk $0xffff, v13  }
0x331: {  	s9 =	sadd.s32 s30, s9;
	[tilespmem:s6+$0x112D0] =	vst.add.f32.msk $0xffff, v14  }
0x332: {  	s9 =	sshrl.u32 s9, $0x3;
	[tilespmem:s6+$0x112E0] =	vst.add.f32.msk $0xffff, v15  }
.Ltmp8:
0x333: {  	s25 =	sadd.s32 s3, s9;
	[tilespmem:s6+$0x11240] =	vst.add.f32.msk $0xffff, v1;
	(pc) =	sbr.rel @p0 .LBB2_16-.Ltmp8, $4  }
0x334: {  	[hbm4b:s25+s5] =	stream.linear.scatter [tilespmem:s21], [sflag:$0xF], $0x2000, $0x38;
	[tilespmem:$0x1E200] =	vst v63  }
0x335: {  	_ =	swait.ge [sflag:s22], $0x2000  }
0x336: {  	[sflag:s22] =	ssyncset.done $0x0  }
0x337: {  	[sflag:s22] =	ssyncadd.s32 $0xFFFFE000  }
.Ltmp9:
0x338: {  	(pc) =	sbr.rel .LBB2_4-.Ltmp9, $4  }
0x339: {  	s6 =	sadd.s32 $0x6200, s24  }
0x33a: {  	[tilespmem:s28], [sflag:$0x4] =	stream.indirect.gather [hbm4b:s1+s23], $0x80, s6, s23, $0xb8;
	[tilespmem:$0x1E200] =	vst v63  }
0x33b: {  	s25 =	sadd.s32 $0x7B00, s24;
	s9 =	simm.s32 $0x19200;
	s31 =	sadd.s32 $0x1, s31  }
0x33c: {  	[tilespmem:s9], [sflag:$0x9] =	stream.indirect.gather [spmem:s4], $0x80, s25, s23, $0xb8;
	[tilespmem:$0x1E200] =	vst v63  }
.LBB2_17:
0x33d: {  	_ =	sfence.sel $0x180000  }
0x33e: {  	[bflag:$0x0] =	sbarrier.arrive $0xFFFF  }
0x33f: {  	_ =	strace $0x90000047  }
0x340: {  	s0 =	stileid.u32;
	[bflag:$0x2] =	sbarrier.arrive $0xFFFF  }
0x341: {  	p0 =	sne.s32 s0, $0x0;
	s0 =	rddreg [dreg:$0x5]  }
0x342: {  	s0 =	sadd.s32 @!p0 $0x100000, s0  }
0x343: {  	[sflag:s0] =	ssyncadd.tile.s32 @!p0 $0x1;
	_ =	shalt  }
.Lfunc_end2:
_tile_overlayer_lowered:
.L_overlay_start_2:
0x344: {  	(tag) =	ssettag $0x2  }
0x345: {  	s0 =	rddreg [dreg:$0x0];
	s2 =	stileid.u32  }
0x346: {  	s1 =	rddreg [dreg:$0x1];
	p0 =	sne.s32 s2, $0x0  }
0x347: {  	s3 =	rddreg [dreg:$0x2];
	[bflag:$0x3] =	sbarrier.arrive $0xFFFF;
	s2 =	simm.s32 @!p0 $0x1C13  }
0x348: {  	[timem:s3], [sflag:s2] =	dma.local @!p0 [hbm:s0], s1  }
0x349: {  	s0 =	simm.s32 @!p0 $0x13  }
0x34a: {  	_ =	swait.ge @!p0 [sflag:s0], s1  }
0x34b: {  	s1 =	ssub.s32 @!p0 $0x0, s1;
	[sflag:s0] =	ssyncset.done @!p0 $0x0  }
0x34c: {  	[sflag:s0] =	ssyncadd.s32 @!p0 s1  }
0x34d: {  	[bflag:$0x3] =	sbarrier.arrive $0xFFFF  }
0x34e: {  	_ =	shalt  }

</sc_bundles>
